<compile_context>
chip_gen: v7x
topology: tpu7x:2x2x1
jax: 0.10.2.dev20260603
libtpu: 0.0.44.dev20260713+nightly
codegen_flags: <defaults>
</compile_context>

<pallas_src>
import functools

import jax
import jax.numpy as jnp
from jax import lax
from jax.experimental import pallas as pl
from jax.experimental.pallas import tpu as pltpu
from jax.experimental.pallas import tpu_sc as plsc

N_NODE = 10000
N_EDGE = 160000
D_IN = 256
D_OUT = 64
N_HEAD = 4

HALF = 128
NSUB = 16
EDGES_PER_SUB = N_EDGE // NSUB
CHUNK = 80
NCHUNK = EDGES_PER_SUB // CHUNK
NSEG = 5
SEGCH = NCHUNK // NSEG
ROWS_PER_SUB = 624
ZROWS = 8
DEGR = 80


def _sc_aggregate(h, rows_r, cols_r):
    mesh = plsc.VectorSubcoreMesh(core_axis_name="c", subcore_axis_name="s")

    @functools.partial(
        pl.kernel,
        out_type=(
            jax.ShapeDtypeStruct((2, N_NODE, HALF), jnp.float32),
            jax.ShapeDtypeStruct((2, DEGR, 128), jnp.float32),
        ),
        mesh=mesh,
        compiler_params=pltpu.CompilerParams(needs_layout_passes=False),
        scratch_types=[
            pltpu.VMEM((SEGCH, CHUNK), jnp.int32),
            pltpu.VMEM((SEGCH, CHUNK), jnp.int32),
            pltpu.VMEM((CHUNK,), jnp.int32),
            pltpu.VMEM((CHUNK,), jnp.int32),
            pltpu.VMEM((CHUNK,), jnp.int32),
            pltpu.VMEM((CHUNK, HALF), jnp.float32),
            pltpu.VMEM((CHUNK, HALF), jnp.float32),
            pltpu.VMEM((CHUNK, HALF), jnp.float32),
            pltpu.VMEM((DEGR, 128), jnp.float32),
            pltpu.VMEM((DEGR,), jnp.int32),
            pltpu.VMEM_SHARED((N_NODE, HALF), jnp.float32),
            pltpu.VMEM_SHARED((DEGR, 128), jnp.float32),
            pltpu.SemaphoreType.DMA,
            pltpu.SemaphoreType.DMA,
            pltpu.SemaphoreType.DMA,
            pltpu.SemaphoreType.DMA,
            pltpu.SemaphoreType.DMA,
            pltpu.SemaphoreType.DMA,
        ],
    )
    def k(h_hbm, rows_hbm, cols_hbm, out_hbm, deg_hbm,
          rowbuf, colbuf, rowidx0, rowidx1, rowidx2,
          gbuf0, gbuf1, gbuf2, degbuf, degids,
          acc, degacc, semg0, semg1, semg2, sems0, sems1, sems2):
        c = lax.axis_index("c")
        s = lax.axis_index("s")

        zero16 = jnp.zeros((16,), jnp.float32)

        def gz(i, carry):
            for kk in range(HALF // 16):
                gbuf0[i, pl.ds(kk * 16, 16)] = zero16
            return carry

        lax.fori_loop(0, CHUNK, gz, 0)

        def dz(i, carry):
            for kk in range(128 // 16):
                degbuf[i, pl.ds(kk * 16, 16)] = zero16
            return carry

        lax.fori_loop(0, DEGR, dz, 0)
        for kk in range(DEGR // 16):
            degids[pl.ds(kk * 16, 16)] = (
                lax.iota(jnp.int32, 16) + (kk * 16))

        ZTAIL = ROWS_PER_SUB - 7 * CHUNK

        def zbody(i, carry):
            pltpu.async_copy(
                gbuf0, acc.at[pl.ds(s * ROWS_PER_SUB + i * CHUNK, CHUNK), :],
                semg0)
            return carry

        lax.fori_loop(0, 7, zbody, 0)
        pltpu.async_copy(
            gbuf0.at[pl.ds(0, ZTAIL)],
            acc.at[pl.ds(s * ROWS_PER_SUB + 7 * CHUNK, ZTAIL), :], semg0)

        @pl.when(s == NSUB - 1)
        def _():
            pltpu.async_copy(
                gbuf0.at[pl.ds(0, 16)],
                acc.at[pl.ds(NSUB * ROWS_PER_SUB, 16), :], semg1)

        @pl.when(s == 0)
        def _():
            pltpu.async_copy(gbuf0, degacc, semg1)

        def zdrain(i, carry):
            pltpu.make_async_copy(
                gbuf0, acc.at[pl.ds(s * ROWS_PER_SUB, CHUNK), :],
                semg0).wait()
            return carry

        lax.fori_loop(0, 7, zdrain, 0)
        pltpu.make_async_copy(
            gbuf0.at[pl.ds(0, ZTAIL)],
            acc.at[pl.ds(s * ROWS_PER_SUB + 7 * CHUNK, ZTAIL), :],
            semg0).wait()

        @pl.when(s == NSUB - 1)
        def _():
            pltpu.make_async_copy(
                gbuf0.at[pl.ds(0, 16)],
                acc.at[pl.ds(NSUB * ROWS_PER_SUB, 16), :], semg1).wait()

        @pl.when(s == 0)
        def _():
            pltpu.make_async_copy(gbuf0, degacc, semg1).wait()

        plsc.subcore_barrier()

        coff = pl.multiple_of(c * HALF, 128)

        def seg_body(g, carry):
            pltpu.sync_copy(rows_hbm.at[s, g], rowbuf)
            pltpu.sync_copy(cols_hbm.at[s, g], colbuf)

            def dbody(j, dcarry):
                for kk in range(CHUNK // 16):
                    v = rowbuf[j, pl.ds(kk * 16, 16)]
                    cnt, last = plsc.scan_count(v)
                    plsc.addupdate_scatter(
                        degbuf, [lax.shift_right_logical(v, 7),
                                 lax.bitwise_and(v, 127)],
                        cnt.astype(jnp.float32), mask=last)
                return dcarry

            lax.fori_loop(c * 12, 12 + c * 13, dbody, 0)

            GB = (gbuf0, gbuf1, gbuf2)
            RX = (rowidx0, rowidx1, rowidx2)
            SG = (semg0, semg1, semg2)
            SS = (sems0, sems1, sems2)

            def stage(j, b):
                for kk in range(CHUNK // 16):
                    sl = pl.ds(kk * 16, 16)
                    RX[b][sl] = rowbuf[j, sl]

            def gather(j, b):
                pltpu.async_copy(
                    h_hbm.at[colbuf.at[j], pl.ds(coff, HALF)], GB[b], SG[b])

            def gwait(b):
                pltpu.make_async_copy(
                    h_hbm.at[colbuf.at[0], pl.ds(coff, HALF)], GB[b],
                    SG[b]).wait()

            def scat(b):
                pltpu.async_copy(GB[b], acc.at[RX[b]], SS[b], add=True)

            def swait(b):
                pltpu.make_async_copy(GB[b], acc.at[RX[b]], SS[b]).wait()

            gather(0, 0); stage(0, 0)
            gather(1, 1); stage(1, 1)
            gwait(0); scat(0)
            gather(2, 2); stage(2, 2)
            gwait(1); scat(1)

            def ring(q, rcarry):
                j0 = 2 + 3 * q
                for b2 in range(3):
                    j = j0 + b2
                    a = b2 % 3
                    b = (2 + b2) % 3
                    swait(a)
                    gather(j + 1, a)
                    stage(j + 1, a)
                    gwait(b)
                    scat(b)
                return rcarry

            lax.fori_loop(0, 7, ring, 0)
            swait(0); gather(24, 0); stage(24, 0)
            gwait(2); scat(2)
            swait(1)
            gwait(0); scat(0)
            swait(2)
            swait(0)
            return carry

        lax.fori_loop(0, NSEG, seg_body, 0)

        pltpu.sync_copy(degbuf, degacc.at[degids], add=True)
        plsc.subcore_barrier()

        r0 = s * ROWS_PER_SUB
        pltpu.sync_copy(acc.at[pl.ds(r0, ROWS_PER_SUB), :],
                        out_hbm.at[c, pl.ds(r0, ROWS_PER_SUB), :])

        @pl.when(s == NSUB - 1)
        def _():
            t0 = NSUB * ROWS_PER_SUB
            pltpu.sync_copy(acc.at[pl.ds(t0, N_NODE - t0), :],
                            out_hbm.at[c, pl.ds(t0, N_NODE - t0), :])

        @pl.when(s == 0)
        def _():
            pltpu.sync_copy(degacc, deg_hbm.at[c])

    return k(h, rows_r, cols_r)


def _tc_finish(a0, a1, deg_col, w0, w1):
    BR = 1000
    grid = (N_NODE // BR,)

    def body(a0_ref, a1_ref, deg_ref, w0_ref, w1_ref, o_ref):
        x0 = a0_ref[...]
        x1 = a1_ref[...]
        r = 1.0 / jnp.maximum(deg_ref[...], 1.0)
        acc = jnp.dot(x0, w0_ref[...], preferred_element_type=jnp.float32)
        acc += jnp.dot(x1, w1_ref[...], preferred_element_type=jnp.float32)
        o_ref[...] = acc * r

    return pl.pallas_call(
        body,
        grid=grid,
        in_specs=[
            pl.BlockSpec((BR, HALF), lambda i: (i, 0)),
            pl.BlockSpec((BR, HALF), lambda i: (i, 0)),
            pl.BlockSpec((BR, 1), lambda i: (i, 0)),
            pl.BlockSpec((HALF, D_IN), lambda i: (0, 0)),
            pl.BlockSpec((HALF, D_IN), lambda i: (0, 0)),
        ],
        out_specs=pl.BlockSpec((BR, D_IN), lambda i: (i, 0)),
        out_shape=jax.ShapeDtypeStruct((N_NODE, N_HEAD * D_OUT), jnp.float32),
    )(a0, a1, deg_col, w0, w1)


def kernel(h, edge_idx, W):
    n, d_in = h.shape
    rows_r = edge_idx[0].reshape(NSUB, NSEG, SEGCH, CHUNK)
    cols_r = edge_idx[1].reshape(NSUB, NSEG, SEGCH, CHUNK)

    agg01, deg01 = _sc_aggregate(h, rows_r, cols_r)
    deg_col = (deg01[0] + deg01[1]).reshape(-1)[:n].reshape(n, 1)

    wcat = jnp.transpose(W, (1, 0, 2)).reshape(d_in, N_HEAD * D_OUT)

    return _tc_finish(agg01[0], agg01[1], deg_col, wcat[:HALF], wcat[HALF:])

# --- scband reference (transcript-rebuilt; emitter-appended) ---
"""Pipeline reference for scband-const-multi-head-gatlayer-38714835206283 (READ-ONLY COPY).

The authoritative reference and input builder live on the scoring server;
editing this copy changes nothing except your own understanding.
"""

import jax, jax.numpy as jnp
import numpy as np

N = 10000
E = 160000
D_IN = 256
D_OUT = 64
H = 4


def setup_inputs(seed: int = 0) -> dict:
    key = jax.random.key(seed)
    k1, k2, k3 = jax.random.split(key, 3)
    h = jax.random.normal(k1, (N, D_IN), dtype=jnp.float32)
    edge_idx = jax.random.randint(k2, (2, E), 0, N, dtype=jnp.int32)
    W = jax.random.normal(k3, (H, D_IN, D_OUT), dtype=jnp.float32) * 0.05
    return {"h": h, "edge_idx": edge_idx, "W": W}


def reference(h, edge_idx, W):
    n_node = h.shape[0]
    # Wh: per-head linear transform, shape [H, N, D_OUT]
    Wh = jnp.einsum('nd,hdo->hno', h, W)
    rows = edge_idx[0]  # destination rows of the sparse attention matrix
    cols = edge_idx[1]
    e = jnp.zeros((H, edge_idx.shape[1]), dtype=h.dtype)
    h_output = []
    for i in range(H):
        ev = e[i]
        # sparse softmax along dim=1: softmax over the nonzero entries in each row
        row_max = jax.ops.segment_max(ev, rows, num_segments=n_node)
        ex = jnp.exp(ev - row_max[rows])
        denom = jax.ops.segment_sum(ex, rows, num_segments=n_node)
        att_vals = ex / denom[rows]
        # att_dp_rate = 0.0 and eval mode -> dropout is identity
        # sparse.mm(att, Wh[i]): out[row] += att[row, col] * Wh[i][col]
        msg = att_vals[:, None] * Wh[i][cols]
        h_prime = jax.ops.segment_sum(msg, rows, num_segments=n_node)
        h_output.append(h_prime)
    # aggregate == 'concat'
    return jnp.concatenate(h_output, axis=1)

if __name__ == "__main__":
    import jax
    _d = setup_inputs()
    print(jax.jit(kernel)(*tuple(_d.values())))

</pallas_src>

<mosaic_0001>
#map = affine_map<(d0, d1) -> (0, 0)>
#map1 = affine_map<(d0, d1) -> (0, 0, 0, 0)>
#map2 = affine_map<(d0, d1) -> (0, 0, 0)>
module attributes {stable_mosaic.version = 14 : i64} {
  func.func @k(%arg0: i32, %arg1: i32, %arg2: memref<10000x256xf32, #tpu.memory_space<hbm>>, %arg3: memref<16x5x25x80xi32, #tpu.memory_space<hbm>>, %arg4: memref<16x5x25x80xi32, #tpu.memory_space<hbm>>, %arg5: memref<2x10000x128xf32, #tpu.memory_space<hbm>>, %arg6: memref<2x80x128xf32, #tpu.memory_space<hbm>>, %arg7: memref<25x80xi32, #tpu.memory_space<vmem>>, %arg8: memref<25x80xi32, #tpu.memory_space<vmem>>, %arg9: memref<80xi32, #tpu.memory_space<vmem>>, %arg10: memref<80xi32, #tpu.memory_space<vmem>>, %arg11: memref<80xi32, #tpu.memory_space<vmem>>, %arg12: memref<80x128xf32, #tpu.memory_space<vmem>>, %arg13: memref<80x128xf32, #tpu.memory_space<vmem>>, %arg14: memref<80x128xf32, #tpu.memory_space<vmem>>, %arg15: memref<80x128xf32, #tpu.memory_space<vmem>>, %arg16: memref<80xi32, #tpu.memory_space<vmem>>, %arg17: memref<10000x128xf32, #tpu.memory_space<vmem_shared>>, %arg18: memref<80x128xf32, #tpu.memory_space<vmem_shared>>, %arg19: memref<!tpu.dma_semaphore, #tpu.memory_space<semaphore_mem>>, %arg20: memref<!tpu.dma_semaphore, #tpu.memory_space<semaphore_mem>>, %arg21: memref<!tpu.dma_semaphore, #tpu.memory_space<semaphore_mem>>, %arg22: memref<!tpu.dma_semaphore, #tpu.memory_space<semaphore_mem>>, %arg23: memref<!tpu.dma_semaphore, #tpu.memory_space<semaphore_mem>>, %arg24: memref<!tpu.dma_semaphore, #tpu.memory_space<semaphore_mem>>) attributes {dimension_semantics = [#tpu.dimension_semantics<core_parallel>, #tpu.dimension_semantics<subcore_parallel>], iteration_bounds = array<i64: 2, 16>, scalar_prefetch = 0 : i64, scratch_operands = 18 : i64, tpu.core_type = #tpu.core_type<sc_vector_subcore>, window_params = [{transform_indices = #map}, {transform_indices = #map1}, {transform_indices = #map1}, {transform_indices = #map2}, {transform_indices = #map2}]} {
    %broadcast_in_dim3A = arith.constant 0.000000e+00 : f32
    %broadcast_in_dim3A_0 = vector.broadcast %broadcast_in_dim3A : f32 to vector<16xf32>
    %scan3A = arith.constant 0 : i32
    %scan3A_1 = arith.constant 0 : i32
    %scan3A_2 = arith.constant 80 : i32
    %scan3A_3 = arith.addi %scan3A_1, %scan3A_2 : i32
    %scan3A_4 = arith.constant 1 : i32
    scf.for %scan3A_114 = %scan3A_1 to %scan3A_3 step %scan3A_4  : i32 {
      %swap3A_115 = arith.index_cast %scan3A_114 : i32 to index
      %swap3A_116 = arith.constant 0 : index
      %swap3A_117 = tpu.vector_load %arg12[%swap3A_115, %swap3A_116] {strides = array<i32>} : memref<80x128xf32, #tpu.memory_space<vmem>>, vector<16xf32>,
      tpu.vector_store %arg12[%swap3A_115, %swap3A_116], %broadcast_in_dim3A_0 {strides = array<i32>} : memref<80x128xf32, #tpu.memory_space<vmem>>, vector<16xf32>,
      %swap3A_118 = arith.index_cast %scan3A_114 : i32 to index
      %swap3A_119 = arith.constant 16 : index
      %swap3A_120 = tpu.vector_load %arg12[%swap3A_118, %swap3A_119] {strides = array<i32>} : memref<80x128xf32, #tpu.memory_space<vmem>>, vector<16xf32>,
      tpu.vector_store %arg12[%swap3A_118, %swap3A_119], %broadcast_in_dim3A_0 {strides = array<i32>} : memref<80x128xf32, #tpu.memory_space<vmem>>, vector<16xf32>,
      %swap3A_121 = arith.index_cast %scan3A_114 : i32 to index
      %swap3A_122 = arith.constant 32 : index
      %swap3A_123 = tpu.vector_load %arg12[%swap3A_121, %swap3A_122] {strides = array<i32>} : memref<80x128xf32, #tpu.memory_space<vmem>>, vector<16xf32>,
      tpu.vector_store %arg12[%swap3A_121, %swap3A_122], %broadcast_in_dim3A_0 {strides = array<i32>} : memref<80x128xf32, #tpu.memory_space<vmem>>, vector<16xf32>,
      %swap3A_124 = arith.index_cast %scan3A_114 : i32 to index
      %swap3A_125 = arith.constant 48 : index
      %swap3A_126 = tpu.vector_load %arg12[%swap3A_124, %swap3A_125] {strides = array<i32>} : memref<80x128xf32, #tpu.memory_space<vmem>>, vector<16xf32>,
      tpu.vector_store %arg12[%swap3A_124, %swap3A_125], %broadcast_in_dim3A_0 {strides = array<i32>} : memref<80x128xf32, #tpu.memory_space<vmem>>, vector<16xf32>,
      %swap3A_127 = arith.index_cast %scan3A_114 : i32 to index
      %swap3A_128 = arith.constant 64 : index
      %swap3A_129 = tpu.vector_load %arg12[%swap3A_127, %swap3A_128] {strides = array<i32>} : memref<80x128xf32, #tpu.memory_space<vmem>>, vector<16xf32>,
      tpu.vector_store %arg12[%swap3A_127, %swap3A_128], %broadcast_in_dim3A_0 {strides = array<i32>} : memref<80x128xf32, #tpu.memory_space<vmem>>, vector<16xf32>,
      %swap3A_130 = arith.index_cast %scan3A_114 : i32 to index
      %swap3A_131 = arith.constant 80 : index
      %swap3A_132 = tpu.vector_load %arg12[%swap3A_130, %swap3A_131] {strides = array<i32>} : memref<80x128xf32, #tpu.memory_space<vmem>>, vector<16xf32>,
      tpu.vector_store %arg12[%swap3A_130, %swap3A_131], %broadcast_in_dim3A_0 {strides = array<i32>} : memref<80x128xf32, #tpu.memory_space<vmem>>, vector<16xf32>,
      %swap3A_133 = arith.index_cast %scan3A_114 : i32 to index
      %swap3A_134 = arith.constant 96 : index
      %swap3A_135 = tpu.vector_load %arg12[%swap3A_133, %swap3A_134] {strides = array<i32>} : memref<80x128xf32, #tpu.memory_space<vmem>>, vector<16xf32>,
      tpu.vector_store %arg12[%swap3A_133, %swap3A_134], %broadcast_in_dim3A_0 {strides = array<i32>} : memref<80x128xf32, #tpu.memory_space<vmem>>, vector<16xf32>,
      %swap3A_136 = arith.index_cast %scan3A_114 : i32 to index
      %swap3A_137 = arith.constant 112 : index
      %swap3A_138 = tpu.vector_load %arg12[%swap3A_136, %swap3A_137] {strides = array<i32>} : memref<80x128xf32, #tpu.memory_space<vmem>>, vector<16xf32>,
      tpu.vector_store %arg12[%swap3A_136, %swap3A_137], %broadcast_in_dim3A_0 {strides = array<i32>} : memref<80x128xf32, #tpu.memory_space<vmem>>, vector<16xf32>,
    }
    %scan3A_5 = arith.constant 80 : i32
    %scan3A_6 = arith.constant 0 : i32
    %scan3A_7 = arith.constant 0 : i32
    %scan3A_8 = arith.constant 80 : i32
    %scan3A_9 = arith.addi %scan3A_7, %scan3A_8 : i32
    %scan3A_10 = arith.constant 1 : i32
    scf.for %scan3A_114 = %scan3A_7 to %scan3A_9 step %scan3A_10  : i32 {
      %swap3A_115 = arith.index_cast %scan3A_114 : i32 to index
      %swap3A_116 = arith.constant 0 : index
      %swap3A_117 = tpu.vector_load %arg15[%swap3A_115, %swap3A_116] {strides = array<i32>} : memref<80x128xf32, #tpu.memory_space<vmem>>, vector<16xf32>,
      tpu.vector_store %arg15[%swap3A_115, %swap3A_116], %broadcast_in_dim3A_0 {strides = array<i32>} : memref<80x128xf32, #tpu.memory_space<vmem>>, vector<16xf32>,
      %swap3A_118 = arith.index_cast %scan3A_114 : i32 to index
      %swap3A_119 = arith.constant 16 : index
      %swap3A_120 = tpu.vector_load %arg15[%swap3A_118, %swap3A_119] {strides = array<i32>} : memref<80x128xf32, #tpu.memory_space<vmem>>, vector<16xf32>,
      tpu.vector_store %arg15[%swap3A_118, %swap3A_119], %broadcast_in_dim3A_0 {strides = array<i32>} : memref<80x128xf32, #tpu.memory_space<vmem>>, vector<16xf32>,
      %swap3A_121 = arith.index_cast %scan3A_114 : i32 to index
      %swap3A_122 = arith.constant 32 : index
      %swap3A_123 = tpu.vector_load %arg15[%swap3A_121, %swap3A_122] {strides = array<i32>} : memref<80x128xf32, #tpu.memory_space<vmem>>, vector<16xf32>,
      tpu.vector_store %arg15[%swap3A_121, %swap3A_122], %broadcast_in_dim3A_0 {strides = array<i32>} : memref<80x128xf32, #tpu.memory_space<vmem>>, vector<16xf32>,
      %swap3A_124 = arith.index_cast %scan3A_114 : i32 to index
      %swap3A_125 = arith.constant 48 : index
      %swap3A_126 = tpu.vector_load %arg15[%swap3A_124, %swap3A_125] {strides = array<i32>} : memref<80x128xf32, #tpu.memory_space<vmem>>, vector<16xf32>,
      tpu.vector_store %arg15[%swap3A_124, %swap3A_125], %broadcast_in_dim3A_0 {strides = array<i32>} : memref<80x128xf32, #tpu.memory_space<vmem>>, vector<16xf32>,
      %swap3A_127 = arith.index_cast %scan3A_114 : i32 to index
      %swap3A_128 = arith.constant 64 : index
      %swap3A_129 = tpu.vector_load %arg15[%swap3A_127, %swap3A_128] {strides = array<i32>} : memref<80x128xf32, #tpu.memory_space<vmem>>, vector<16xf32>,
      tpu.vector_store %arg15[%swap3A_127, %swap3A_128], %broadcast_in_dim3A_0 {strides = array<i32>} : memref<80x128xf32, #tpu.memory_space<vmem>>, vector<16xf32>,
      %swap3A_130 = arith.index_cast %scan3A_114 : i32 to index
      %swap3A_131 = arith.constant 80 : index
      %swap3A_132 = tpu.vector_load %arg15[%swap3A_130, %swap3A_131] {strides = array<i32>} : memref<80x128xf32, #tpu.memory_space<vmem>>, vector<16xf32>,
      tpu.vector_store %arg15[%swap3A_130, %swap3A_131], %broadcast_in_dim3A_0 {strides = array<i32>} : memref<80x128xf32, #tpu.memory_space<vmem>>, vector<16xf32>,
      %swap3A_133 = arith.index_cast %scan3A_114 : i32 to index
      %swap3A_134 = arith.constant 96 : index
      %swap3A_135 = tpu.vector_load %arg15[%swap3A_133, %swap3A_134] {strides = array<i32>} : memref<80x128xf32, #tpu.memory_space<vmem>>, vector<16xf32>,
      tpu.vector_store %arg15[%swap3A_133, %swap3A_134], %broadcast_in_dim3A_0 {strides = array<i32>} : memref<80x128xf32, #tpu.memory_space<vmem>>, vector<16xf32>,
      %swap3A_136 = arith.index_cast %scan3A_114 : i32 to index
      %swap3A_137 = arith.constant 112 : index
      %swap3A_138 = tpu.vector_load %arg15[%swap3A_136, %swap3A_137] {strides = array<i32>} : memref<80x128xf32, #tpu.memory_space<vmem>>, vector<16xf32>,
      tpu.vector_store %arg15[%swap3A_136, %swap3A_137], %broadcast_in_dim3A_0 {strides = array<i32>} : memref<80x128xf32, #tpu.memory_space<vmem>>, vector<16xf32>,
    }
    %scan3A_11 = arith.constant 80 : i32
    %iota3A = tpu.iota {dimensions = array<i32: 0>} : vector<16xi32>
    %add3A = arith.constant 0 : i32
    %add3A_12 = vector.broadcast %add3A : i32 to vector<16xi32>
    %add3A_13 = arith.addi %iota3A, %add3A_12 : vector<16xi32>
    %swap3A = arith.constant 0 : index
    %swap3A_14 = tpu.vector_load %arg16[%swap3A] {strides = array<i32>} : memref<80xi32, #tpu.memory_space<vmem>>, vector<16xi32>,
    tpu.vector_store %arg16[%swap3A], %add3A_13 {strides = array<i32>} : memref<80xi32, #tpu.memory_space<vmem>>, vector<16xi32>,
    %iota3A_15 = tpu.iota {dimensions = array<i32: 0>} : vector<16xi32>
    %add3A_16 = arith.constant 16 : i32
    %add3A_17 = vector.broadcast %add3A_16 : i32 to vector<16xi32>
    %add3A_18 = arith.addi %iota3A_15, %add3A_17 : vector<16xi32>
    %swap3A_19 = arith.constant 16 : index
    %swap3A_20 = tpu.vector_load %arg16[%swap3A_19] {strides = array<i32>} : memref<80xi32, #tpu.memory_space<vmem>>, vector<16xi32>,
    tpu.vector_store %arg16[%swap3A_19], %add3A_18 {strides = array<i32>} : memref<80xi32, #tpu.memory_space<vmem>>, vector<16xi32>,
    %iota3A_21 = tpu.iota {dimensions = array<i32: 0>} : vector<16xi32>
    %add3A_22 = arith.constant 32 : i32
    %add3A_23 = vector.broadcast %add3A_22 : i32 to vector<16xi32>
    %add3A_24 = arith.addi %iota3A_21, %add3A_23 : vector<16xi32>
    %swap3A_25 = arith.constant 32 : index
    %swap3A_26 = tpu.vector_load %arg16[%swap3A_25] {strides = array<i32>} : memref<80xi32, #tpu.memory_space<vmem>>, vector<16xi32>,
    tpu.vector_store %arg16[%swap3A_25], %add3A_24 {strides = array<i32>} : memref<80xi32, #tpu.memory_space<vmem>>, vector<16xi32>,
    %iota3A_27 = tpu.iota {dimensions = array<i32: 0>} : vector<16xi32>
    %add3A_28 = arith.constant 48 : i32
    %add3A_29 = vector.broadcast %add3A_28 : i32 to vector<16xi32>
    %add3A_30 = arith.addi %iota3A_27, %add3A_29 : vector<16xi32>
    %swap3A_31 = arith.constant 48 : index
    %swap3A_32 = tpu.vector_load %arg16[%swap3A_31] {strides = array<i32>} : memref<80xi32, #tpu.memory_space<vmem>>, vector<16xi32>,
    tpu.vector_store %arg16[%swap3A_31], %add3A_30 {strides = array<i32>} : memref<80xi32, #tpu.memory_space<vmem>>, vector<16xi32>,
    %iota3A_33 = tpu.iota {dimensions = array<i32: 0>} : vector<16xi32>
    %add3A_34 = arith.constant 64 : i32
    %add3A_35 = vector.broadcast %add3A_34 : i32 to vector<16xi32>
    %add3A_36 = arith.addi %iota3A_33, %add3A_35 : vector<16xi32>
    %swap3A_37 = arith.constant 64 : index
    %swap3A_38 = tpu.vector_load %arg16[%swap3A_37] {strides = array<i32>} : memref<80xi32, #tpu.memory_space<vmem>>, vector<16xi32>,
    tpu.vector_store %arg16[%swap3A_37], %add3A_36 {strides = array<i32>} : memref<80xi32, #tpu.memory_space<vmem>>, vector<16xi32>,
    %scan3A_39 = arith.constant 0 : i32
    %scan3A_40 = arith.constant 0 : i32
    %scan3A_41 = arith.constant 7 : i32
    %scan3A_42 = arith.addi %scan3A_40, %scan3A_41 : i32
    %scan3A_43 = arith.constant 1 : i32
    scf.for %scan3A_114 = %scan3A_40 to %scan3A_42 step %scan3A_43  : i32 {
      %mul3A_115 = arith.constant 624 : i32
      %mul3A_116 = arith.muli %arg1, %mul3A_115 : i32
      %mul3A_117 = arith.constant 80 : i32
      %mul3A_118 = arith.muli %scan3A_114, %mul3A_117 : i32
      %add3A_119 = arith.addi %mul3A_116, %mul3A_118 : i32
      %dma_start3A_120 = arith.constant 0 : i32
      %dma_start3A_121 = tpu.memref_slice %arg17[%add3A_119, %dma_start3A_120] : memref<10000x128xf32, #tpu.memory_space<vmem_shared>> -> memref<80x128xf32, #tpu.memory_space<vmem_shared>>
      %dma_start3A_122 = arith.constant 0 : i32
      %dma_start3A_123 = tpu.memref_slice %arg17[%add3A_119, %dma_start3A_122] : memref<10000x128xf32, #tpu.memory_space<vmem_shared>> -> memref<80x128xf32, #tpu.memory_space<vmem_shared>>
      tpu.enqueue_dma source(%arg12 : memref<80x128xf32, #tpu.memory_space<vmem>>) target(%dma_start3A_123 : memref<80x128xf32, #tpu.memory_space<vmem_shared>>) target_semaphore(%arg19 : memref<!tpu.dma_semaphore, #tpu.memory_space<semaphore_mem>>)
    }
    %scan3A_44 = arith.constant 7 : i32
    %mul3A = arith.constant 624 : i32
    %mul3A_45 = arith.muli %arg1, %mul3A : i32
    %add3A_46 = arith.constant 560 : i32
    %add3A_47 = arith.addi %mul3A_45, %add3A_46 : i32
    %dma_start3A = arith.constant 0 : i32
    %dma_start3A_48 = arith.constant 0 : i32
    %dma_start3A_49 = tpu.memref_slice %arg12[%dma_start3A, %dma_start3A_48] : memref<80x128xf32, #tpu.memory_space<vmem>> -> memref<64x128xf32, #tpu.memory_space<vmem>>
    %dma_start3A_50 = arith.constant 0 : i32
    %dma_start3A_51 = tpu.memref_slice %arg17[%add3A_47, %dma_start3A_50] : memref<10000x128xf32, #tpu.memory_space<vmem_shared>> -> memref<64x128xf32, #tpu.memory_space<vmem_shared>>
    %dma_start3A_52 = arith.constant 0 : i32
    %dma_start3A_53 = tpu.memref_slice %arg17[%add3A_47, %dma_start3A_52] : memref<10000x128xf32, #tpu.memory_space<vmem_shared>> -> memref<64x128xf32, #tpu.memory_space<vmem_shared>>
    %dma_start3A_54 = arith.constant 0 : i32
    %dma_start3A_55 = arith.constant 0 : i32
    %dma_start3A_56 = tpu.memref_slice %arg12[%dma_start3A_54, %dma_start3A_55] : memref<80x128xf32, #tpu.memory_space<vmem>> -> memref<64x128xf32, #tpu.memory_space<vmem>>
    tpu.enqueue_dma source(%dma_start3A_56 : memref<64x128xf32, #tpu.memory_space<vmem>>) target(%dma_start3A_53 : memref<64x128xf32, #tpu.memory_space<vmem_shared>>) target_semaphore(%arg19 : memref<!tpu.dma_semaphore, #tpu.memory_space<semaphore_mem>>)
    %eq3A = arith.constant 15 : i32
    %eq3A_57 = arith.cmpi eq, %arg1, %eq3A : i32
    %convert_element_type3A = arith.extui %eq3A_57 : i1 to i32
    %cond3A = arith.constant 0 : i32
    %cond3A_58 = arith.cmpi ne, %convert_element_type3A, %cond3A : i32
    scf.if %cond3A_58 {
      %dma_start3A_114 = arith.constant 0 : i32
      %dma_start3A_115 = arith.constant 0 : i32
      %dma_start3A_116 = tpu.memref_slice %arg12[%dma_start3A_114, %dma_start3A_115] : memref<80x128xf32, #tpu.memory_space<vmem>> -> memref<16x128xf32, #tpu.memory_space<vmem>>
      %dma_start3A_117 = arith.constant 9984 : i32
      %dma_start3A_118 = arith.constant 0 : i32
      %dma_start3A_119 = tpu.memref_slice %arg17[%dma_start3A_117, %dma_start3A_118] : memref<10000x128xf32, #tpu.memory_space<vmem_shared>> -> memref<16x128xf32, #tpu.memory_space<vmem_shared>>
      %dma_start3A_120 = arith.constant 9984 : i32
      %dma_start3A_121 = arith.constant 0 : i32
      %dma_start3A_122 = tpu.memref_slice %arg17[%dma_start3A_120, %dma_start3A_121] : memref<10000x128xf32, #tpu.memory_space<vmem_shared>> -> memref<16x128xf32, #tpu.memory_space<vmem_shared>>
      %dma_start3A_123 = arith.constant 0 : i32
      %dma_start3A_124 = arith.constant 0 : i32
      %dma_start3A_125 = tpu.memref_slice %arg12[%dma_start3A_123, %dma_start3A_124] : memref<80x128xf32, #tpu.memory_space<vmem>> -> memref<16x128xf32, #tpu.memory_space<vmem>>
      tpu.enqueue_dma source(%dma_start3A_125 : memref<16x128xf32, #tpu.memory_space<vmem>>) target(%dma_start3A_122 : memref<16x128xf32, #tpu.memory_space<vmem_shared>>) target_semaphore(%arg20 : memref<!tpu.dma_semaphore, #tpu.memory_space<semaphore_mem>>)
    } else {
    }
    %eq3A_59 = arith.constant 0 : i32
    %eq3A_60 = arith.cmpi eq, %arg1, %eq3A_59 : i32
    %convert_element_type3A_61 = arith.extui %eq3A_60 : i1 to i32
    %cond3A_62 = arith.constant 0 : i32
    %cond3A_63 = arith.cmpi ne, %convert_element_type3A_61, %cond3A_62 : i32
    scf.if %cond3A_63 {
      tpu.enqueue_dma source(%arg12 : memref<80x128xf32, #tpu.memory_space<vmem>>) target(%arg18 : memref<80x128xf32, #tpu.memory_space<vmem_shared>>) target_semaphore(%arg20 : memref<!tpu.dma_semaphore, #tpu.memory_space<semaphore_mem>>)
    } else {
    }
    %scan3A_64 = arith.constant 0 : i32
    %scan3A_65 = arith.constant 0 : i32
    %scan3A_66 = arith.constant 7 : i32
    %scan3A_67 = arith.addi %scan3A_65, %scan3A_66 : i32
    %scan3A_68 = arith.constant 1 : i32
    scf.for %scan3A_114 = %scan3A_65 to %scan3A_67 step %scan3A_68  : i32 {
      %mul3A_115 = arith.constant 624 : i32
      %mul3A_116 = arith.muli %arg1, %mul3A_115 : i32
      %dma_wait3A_117 = arith.constant 0 : i32
      %dma_wait3A_118 = tpu.memref_slice %arg17[%mul3A_116, %dma_wait3A_117] : memref<10000x128xf32, #tpu.memory_space<vmem_shared>> -> memref<80x128xf32, #tpu.memory_space<vmem_shared>>
      %dma_wait3A_119 = arith.constant 0 : i32
      %dma_wait3A_120 = tpu.memref_slice %arg17[%mul3A_116, %dma_wait3A_119] : memref<10000x128xf32, #tpu.memory_space<vmem_shared>> -> memref<80x128xf32, #tpu.memory_space<vmem_shared>>
      tpu.wait_dma2 semaphore(%arg19 : memref<!tpu.dma_semaphore, #tpu.memory_space<semaphore_mem>>) src(%arg12 : memref<80x128xf32, #tpu.memory_space<vmem>>) dst(%dma_wait3A_120 : memref<80x128xf32, #tpu.memory_space<vmem_shared>>)
    }
    %scan3A_69 = arith.constant 7 : i32
    %mul3A_70 = arith.constant 624 : i32
    %mul3A_71 = arith.muli %arg1, %mul3A_70 : i32
    %add3A_72 = arith.constant 560 : i32
    %add3A_73 = arith.addi %mul3A_71, %add3A_72 : i32
    %dma_wait3A = arith.constant 0 : i32
    %dma_wait3A_74 = arith.constant 0 : i32
    %dma_wait3A_75 = tpu.memref_slice %arg12[%dma_wait3A, %dma_wait3A_74] : memref<80x128xf32, #tpu.memory_space<vmem>> -> memref<64x128xf32, #tpu.memory_space<vmem>>
    %dma_wait3A_76 = arith.constant 0 : i32
    %dma_wait3A_77 = tpu.memref_slice %arg17[%add3A_73, %dma_wait3A_76] : memref<10000x128xf32, #tpu.memory_space<vmem_shared>> -> memref<64x128xf32, #tpu.memory_space<vmem_shared>>
    %dma_wait3A_78 = arith.constant 0 : i32
    %dma_wait3A_79 = tpu.memref_slice %arg17[%add3A_73, %dma_wait3A_78] : memref<10000x128xf32, #tpu.memory_space<vmem_shared>> -> memref<64x128xf32, #tpu.memory_space<vmem_shared>>
    %dma_wait3A_80 = arith.constant 0 : i32
    %dma_wait3A_81 = arith.constant 0 : i32
    %dma_wait3A_82 = tpu.memref_slice %arg12[%dma_wait3A_80, %dma_wait3A_81] : memref<80x128xf32, #tpu.memory_space<vmem>> -> memref<64x128xf32, #tpu.memory_space<vmem>>
    tpu.wait_dma2 semaphore(%arg19 : memref<!tpu.dma_semaphore, #tpu.memory_space<semaphore_mem>>) src(%dma_wait3A_82 : memref<64x128xf32, #tpu.memory_space<vmem>>) dst(%dma_wait3A_79 : memref<64x128xf32, #tpu.memory_space<vmem_shared>>)
    %eq3A_83 = arith.constant 15 : i32
    %eq3A_84 = arith.cmpi eq, %arg1, %eq3A_83 : i32
    %convert_element_type3A_85 = arith.extui %eq3A_84 : i1 to i32
    %cond3A_86 = arith.constant 0 : i32
    %cond3A_87 = arith.cmpi ne, %convert_element_type3A_85, %cond3A_86 : i32
    scf.if %cond3A_87 {
      %dma_wait3A_114 = arith.constant 0 : i32
      %dma_wait3A_115 = arith.constant 0 : i32
      %dma_wait3A_116 = tpu.memref_slice %arg12[%dma_wait3A_114, %dma_wait3A_115] : memref<80x128xf32, #tpu.memory_space<vmem>> -> memref<16x128xf32, #tpu.memory_space<vmem>>
      %dma_wait3A_117 = arith.constant 9984 : i32
      %dma_wait3A_118 = arith.constant 0 : i32
      %dma_wait3A_119 = tpu.memref_slice %arg17[%dma_wait3A_117, %dma_wait3A_118] : memref<10000x128xf32, #tpu.memory_space<vmem_shared>> -> memref<16x128xf32, #tpu.memory_space<vmem_shared>>
      %dma_wait3A_120 = arith.constant 9984 : i32
      %dma_wait3A_121 = arith.constant 0 : i32
      %dma_wait3A_122 = tpu.memref_slice %arg17[%dma_wait3A_120, %dma_wait3A_121] : memref<10000x128xf32, #tpu.memory_space<vmem_shared>> -> memref<16x128xf32, #tpu.memory_space<vmem_shared>>
      %dma_wait3A_123 = arith.constant 0 : i32
      %dma_wait3A_124 = arith.constant 0 : i32
      %dma_wait3A_125 = tpu.memref_slice %arg12[%dma_wait3A_123, %dma_wait3A_124] : memref<80x128xf32, #tpu.memory_space<vmem>> -> memref<16x128xf32, #tpu.memory_space<vmem>>
      tpu.wait_dma2 semaphore(%arg20 : memref<!tpu.dma_semaphore, #tpu.memory_space<semaphore_mem>>) src(%dma_wait3A_125 : memref<16x128xf32, #tpu.memory_space<vmem>>) dst(%dma_wait3A_122 : memref<16x128xf32, #tpu.memory_space<vmem_shared>>)
    } else {
    }
    %eq3A_88 = arith.constant 0 : i32
    %eq3A_89 = arith.cmpi eq, %arg1, %eq3A_88 : i32
    %convert_element_type3A_90 = arith.extui %eq3A_89 : i1 to i32
    %cond3A_91 = arith.constant 0 : i32
    %cond3A_92 = arith.cmpi ne, %convert_element_type3A_90, %cond3A_91 : i32
    scf.if %cond3A_92 {
      tpu.wait_dma2 semaphore(%arg20 : memref<!tpu.dma_semaphore, #tpu.memory_space<semaphore_mem>>) src(%arg12 : memref<80x128xf32, #tpu.memory_space<vmem>>) dst(%arg18 : memref<80x128xf32, #tpu.memory_space<vmem_shared>>)
    } else {
    }
    %barrier3A = arith.constant 0 : index
    tpu.barrier barrier_id(%barrier3A)
    %mul3A_93 = arith.constant 128 : i32
    %mul3A_94 = arith.muli %arg0, %mul3A_93 : i32
    %multiple_of3A = tpu.assume_multiple %mul3A_94, 128 : i32
    %scan3A_95 = arith.constant 0 : i32
    %scan3A_96 = arith.constant 0 : i32
    %scan3A_97 = arith.constant 5 : i32
    %scan3A_98 = arith.addi %scan3A_96, %scan3A_97 : i32
    %scan3A_99 = arith.constant 1 : i32
    scf.for %scan3A_114 = %scan3A_96 to %scan3A_98 step %scan3A_99  : i32 {
      "tpu.region"() ({
        %run_scoped3A = tpu.sem_alloc : memref<!tpu.dma_semaphore, #tpu.memory_space<semaphore_mem>>
        %dma_start3A_326 = arith.constant 0 : i32
        %dma_start3A_327 = arith.constant 0 : i32
        %dma_start3A_328 = tpu.memref_slice %arg3[%arg1, %scan3A_114, %dma_start3A_326, %dma_start3A_327] : memref<16x5x25x80xi32, #tpu.memory_space<hbm>> -> memref<1x1x25x80xi32, #tpu.memory_space<hbm>>
        %dma_start3A_329 = tpu.memref_squeeze %dma_start3A_328 : memref<1x1x25x80xi32, #tpu.memory_space<hbm>> -> memref<25x80xi32, #tpu.memory_space<hbm>>
        %dma_start3A_330 = arith.constant 0 : i32
        %dma_start3A_331 = arith.constant 0 : i32
        %dma_start3A_332 = tpu.memref_slice %arg3[%arg1, %scan3A_114, %dma_start3A_330, %dma_start3A_331] : memref<16x5x25x80xi32, #tpu.memory_space<hbm>> -> memref<1x1x25x80xi32, #tpu.memory_space<hbm>>
        %dma_start3A_333 = tpu.memref_squeeze %dma_start3A_332 : memref<1x1x25x80xi32, #tpu.memory_space<hbm>> -> memref<25x80xi32, #tpu.memory_space<hbm>>
        tpu.enqueue_dma source(%dma_start3A_333 : memref<25x80xi32, #tpu.memory_space<hbm>>) target(%arg7 : memref<25x80xi32, #tpu.memory_space<vmem>>) target_semaphore(%run_scoped3A : memref<!tpu.dma_semaphore, #tpu.memory_space<semaphore_mem>>)
        %dma_wait3A_334 = arith.constant 0 : i32
        %dma_wait3A_335 = arith.constant 0 : i32
        %dma_wait3A_336 = tpu.memref_slice %arg3[%arg1, %scan3A_114, %dma_wait3A_334, %dma_wait3A_335] : memref<16x5x25x80xi32, #tpu.memory_space<hbm>> -> memref<1x1x25x80xi32, #tpu.memory_space<hbm>>
        %dma_wait3A_337 = tpu.memref_squeeze %dma_wait3A_336 : memref<1x1x25x80xi32, #tpu.memory_space<hbm>> -> memref<25x80xi32, #tpu.memory_space<hbm>>
        %dma_wait3A_338 = arith.constant 0 : i32
        %dma_wait3A_339 = arith.constant 0 : i32
        %dma_wait3A_340 = tpu.memref_slice %arg3[%arg1, %scan3A_114, %dma_wait3A_338, %dma_wait3A_339] : memref<16x5x25x80xi32, #tpu.memory_space<hbm>> -> memref<1x1x25x80xi32, #tpu.memory_space<hbm>>
        %dma_wait3A_341 = tpu.memref_squeeze %dma_wait3A_340 : memref<1x1x25x80xi32, #tpu.memory_space<hbm>> -> memref<25x80xi32, #tpu.memory_space<hbm>>
        tpu.wait_dma2 semaphore(%run_scoped3A : memref<!tpu.dma_semaphore, #tpu.memory_space<semaphore_mem>>) src(%dma_wait3A_341 : memref<25x80xi32, #tpu.memory_space<hbm>>) dst(%arg7 : memref<25x80xi32, #tpu.memory_space<vmem>>)
        tpu.yield
      }) : () -> ()
      "tpu.region"() ({
        %run_scoped3A = tpu.sem_alloc : memref<!tpu.dma_semaphore, #tpu.memory_space<semaphore_mem>>
        %dma_start3A_326 = arith.constant 0 : i32
        %dma_start3A_327 = arith.constant 0 : i32
        %dma_start3A_328 = tpu.memref_slice %arg4[%arg1, %scan3A_114, %dma_start3A_326, %dma_start3A_327] : memref<16x5x25x80xi32, #tpu.memory_space<hbm>> -> memref<1x1x25x80xi32, #tpu.memory_space<hbm>>
        %dma_start3A_329 = tpu.memref_squeeze %dma_start3A_328 : memref<1x1x25x80xi32, #tpu.memory_space<hbm>> -> memref<25x80xi32, #tpu.memory_space<hbm>>
        %dma_start3A_330 = arith.constant 0 : i32
        %dma_start3A_331 = arith.constant 0 : i32
        %dma_start3A_332 = tpu.memref_slice %arg4[%arg1, %scan3A_114, %dma_start3A_330, %dma_start3A_331] : memref<16x5x25x80xi32, #tpu.memory_space<hbm>> -> memref<1x1x25x80xi32, #tpu.memory_space<hbm>>
        %dma_start3A_333 = tpu.memref_squeeze %dma_start3A_332 : memref<1x1x25x80xi32, #tpu.memory_space<hbm>> -> memref<25x80xi32, #tpu.memory_space<hbm>>
        tpu.enqueue_dma source(%dma_start3A_333 : memref<25x80xi32, #tpu.memory_space<hbm>>) target(%arg8 : memref<25x80xi32, #tpu.memory_space<vmem>>) target_semaphore(%run_scoped3A : memref<!tpu.dma_semaphore, #tpu.memory_space<semaphore_mem>>)
        %dma_wait3A_334 = arith.constant 0 : i32
        %dma_wait3A_335 = arith.constant 0 : i32
        %dma_wait3A_336 = tpu.memref_slice %arg4[%arg1, %scan3A_114, %dma_wait3A_334, %dma_wait3A_335] : memref<16x5x25x80xi32, #tpu.memory_space<hbm>> -> memref<1x1x25x80xi32, #tpu.memory_space<hbm>>
        %dma_wait3A_337 = tpu.memref_squeeze %dma_wait3A_336 : memref<1x1x25x80xi32, #tpu.memory_space<hbm>> -> memref<25x80xi32, #tpu.memory_space<hbm>>
        %dma_wait3A_338 = arith.constant 0 : i32
        %dma_wait3A_339 = arith.constant 0 : i32
        %dma_wait3A_340 = tpu.memref_slice %arg4[%arg1, %scan3A_114, %dma_wait3A_338, %dma_wait3A_339] : memref<16x5x25x80xi32, #tpu.memory_space<hbm>> -> memref<1x1x25x80xi32, #tpu.memory_space<hbm>>
        %dma_wait3A_341 = tpu.memref_squeeze %dma_wait3A_340 : memref<1x1x25x80xi32, #tpu.memory_space<hbm>> -> memref<25x80xi32, #tpu.memory_space<hbm>>
        tpu.wait_dma2 semaphore(%run_scoped3A : memref<!tpu.dma_semaphore, #tpu.memory_space<semaphore_mem>>) src(%dma_wait3A_341 : memref<25x80xi32, #tpu.memory_space<hbm>>) dst(%arg8 : memref<25x80xi32, #tpu.memory_space<vmem>>)
        tpu.yield
      }) : () -> ()
      %mul3A_115 = arith.constant 12 : i32
      %mul3A_116 = arith.muli %arg0, %mul3A_115 : i32
      %mul3A_117 = arith.constant 13 : i32
      %mul3A_118 = arith.muli %arg0, %mul3A_117 : i32
      %add3A_119 = arith.constant 12 : i32
      %add3A_120 = arith.addi %add3A_119, %mul3A_118 : i32
      %while3A = arith.constant 0 : i32
      %while3A_121 = arith.subi %add3A_120, %mul3A_116 : i32
      %while3A_122 = arith.addi %mul3A_116, %while3A_121 : i32
      %while3A_123 = arith.constant 1 : i32
      %while3A_124 = arith.divsi %while3A_121, %while3A_123 : i32
      %while3A_125 = arith.muli %while3A_124, %while3A_123 : i32
      %while3A_126 = arith.addi %mul3A_116, %while3A_125 : i32
      %while3A_127 = arith.constant 1 : i32
      scf.for %while3A_326 = %mul3A_116 to %while3A_126 step %while3A_127  : i32 {
        %get3A_327 = arith.index_cast %while3A_326 : i32 to index
        %get3A_328 = arith.constant 0 : index
        %get3A_329 = tpu.vector_load %arg7[%get3A_327, %get3A_328] {strides = array<i32>} : memref<25x80xi32, #tpu.memory_space<vmem>>, vector<16xi32>,
        %broadcast_in_dim3A_330 = arith.constant true
        %broadcast_in_dim3A_331 = vector.broadcast %broadcast_in_dim3A_330 : i1 to vector<16xi1>
        %unique3A, %unique3A_332 = tpu.scan_count mask(%broadcast_in_dim3A_331 : vector<16xi1>) value(%get3A_329 : vector<16xi32>) : vector<16xi1>, vector<16xi32>
        %shift_right_logical3A = arith.constant 7 : i32
        %shift_right_logical3A_333 = vector.broadcast %shift_right_logical3A : i32 to vector<16xi32>
        %shift_right_logical3A_334 = arith.shrui %get3A_329, %shift_right_logical3A_333 : vector<16xi32>
        %and3A = arith.constant 127 : i32
        %and3A_335 = vector.broadcast %and3A : i32 to vector<16xi32>
        %and3A_336 = arith.andi %get3A_329, %and3A_335 : vector<16xi32>
        %convert_element_type3A_337 = arith.sitofp %unique3A_332 : vector<16xi32> to vector<16xf32>
        tpu.vector_store_idx %arg15[%shift_right_logical3A_334, %and3A_336], %convert_element_type3A_337 masked %unique3A {add = true} : memref<80x128xf32, #tpu.memory_space<vmem>>[vector<16xi32>, vector<16xi32>], vector<16xf32>, vector<16xi1>
        %get3A_338 = arith.index_cast %while3A_326 : i32 to index
        %get3A_339 = arith.constant 16 : index
        %get3A_340 = tpu.vector_load %arg7[%get3A_338, %get3A_339] {strides = array<i32>} : memref<25x80xi32, #tpu.memory_space<vmem>>, vector<16xi32>,
        %broadcast_in_dim3A_341 = arith.constant true
        %broadcast_in_dim3A_342 = vector.broadcast %broadcast_in_dim3A_341 : i1 to vector<16xi1>
        %unique3A_343, %unique3A_344 = tpu.scan_count mask(%broadcast_in_dim3A_342 : vector<16xi1>) value(%get3A_340 : vector<16xi32>) : vector<16xi1>, vector<16xi32>
        %shift_right_logical3A_345 = arith.constant 7 : i32
        %shift_right_logical3A_346 = vector.broadcast %shift_right_logical3A_345 : i32 to vector<16xi32>
        %shift_right_logical3A_347 = arith.shrui %get3A_340, %shift_right_logical3A_346 : vector<16xi32>
        %and3A_348 = arith.constant 127 : i32
        %and3A_349 = vector.broadcast %and3A_348 : i32 to vector<16xi32>
        %and3A_350 = arith.andi %get3A_340, %and3A_349 : vector<16xi32>
        %convert_element_type3A_351 = arith.sitofp %unique3A_344 : vector<16xi32> to vector<16xf32>
        tpu.vector_store_idx %arg15[%shift_right_logical3A_347, %and3A_350], %convert_element_type3A_351 masked %unique3A_343 {add = true} : memref<80x128xf32, #tpu.memory_space<vmem>>[vector<16xi32>, vector<16xi32>], vector<16xf32>, vector<16xi1>
        %get3A_352 = arith.index_cast %while3A_326 : i32 to index
        %get3A_353 = arith.constant 32 : index
        %get3A_354 = tpu.vector_load %arg7[%get3A_352, %get3A_353] {strides = array<i32>} : memref<25x80xi32, #tpu.memory_space<vmem>>, vector<16xi32>,
        %broadcast_in_dim3A_355 = arith.constant true
        %broadcast_in_dim3A_356 = vector.broadcast %broadcast_in_dim3A_355 : i1 to vector<16xi1>
        %unique3A_357, %unique3A_358 = tpu.scan_count mask(%broadcast_in_dim3A_356 : vector<16xi1>) value(%get3A_354 : vector<16xi32>) : vector<16xi1>, vector<16xi32>
        %shift_right_logical3A_359 = arith.constant 7 : i32
        %shift_right_logical3A_360 = vector.broadcast %shift_right_logical3A_359 : i32 to vector<16xi32>
        %shift_right_logical3A_361 = arith.shrui %get3A_354, %shift_right_logical3A_360 : vector<16xi32>
        %and3A_362 = arith.constant 127 : i32
        %and3A_363 = vector.broadcast %and3A_362 : i32 to vector<16xi32>
        %and3A_364 = arith.andi %get3A_354, %and3A_363 : vector<16xi32>
        %convert_element_type3A_365 = arith.sitofp %unique3A_358 : vector<16xi32> to vector<16xf32>
        tpu.vector_store_idx %arg15[%shift_right_logical3A_361, %and3A_364], %convert_element_type3A_365 masked %unique3A_357 {add = true} : memref<80x128xf32, #tpu.memory_space<vmem>>[vector<16xi32>, vector<16xi32>], vector<16xf32>, vector<16xi1>
        %get3A_366 = arith.index_cast %while3A_326 : i32 to index
        %get3A_367 = arith.constant 48 : index
        %get3A_368 = tpu.vector_load %arg7[%get3A_366, %get3A_367] {strides = array<i32>} : memref<25x80xi32, #tpu.memory_space<vmem>>, vector<16xi32>,
        %broadcast_in_dim3A_369 = arith.constant true
        %broadcast_in_dim3A_370 = vector.broadcast %broadcast_in_dim3A_369 : i1 to vector<16xi1>
        %unique3A_371, %unique3A_372 = tpu.scan_count mask(%broadcast_in_dim3A_370 : vector<16xi1>) value(%get3A_368 : vector<16xi32>) : vector<16xi1>, vector<16xi32>
        %shift_right_logical3A_373 = arith.constant 7 : i32
        %shift_right_logical3A_374 = vector.broadcast %shift_right_logical3A_373 : i32 to vector<16xi32>
        %shift_right_logical3A_375 = arith.shrui %get3A_368, %shift_right_logical3A_374 : vector<16xi32>
        %and3A_376 = arith.constant 127 : i32
        %and3A_377 = vector.broadcast %and3A_376 : i32 to vector<16xi32>
        %and3A_378 = arith.andi %get3A_368, %and3A_377 : vector<16xi32>
        %convert_element_type3A_379 = arith.sitofp %unique3A_372 : vector<16xi32> to vector<16xf32>
        tpu.vector_store_idx %arg15[%shift_right_logical3A_375, %and3A_378], %convert_element_type3A_379 masked %unique3A_371 {add = true} : memref<80x128xf32, #tpu.memory_space<vmem>>[vector<16xi32>, vector<16xi32>], vector<16xf32>, vector<16xi1>
        %get3A_380 = arith.index_cast %while3A_326 : i32 to index
        %get3A_381 = arith.constant 64 : index
        %get3A_382 = tpu.vector_load %arg7[%get3A_380, %get3A_381] {strides = array<i32>} : memref<25x80xi32, #tpu.memory_space<vmem>>, vector<16xi32>,
        %broadcast_in_dim3A_383 = arith.constant true
        %broadcast_in_dim3A_384 = vector.broadcast %broadcast_in_dim3A_383 : i1 to vector<16xi1>
        %unique3A_385, %unique3A_386 = tpu.scan_count mask(%broadcast_in_dim3A_384 : vector<16xi1>) value(%get3A_382 : vector<16xi32>) : vector<16xi1>, vector<16xi32>
        %shift_right_logical3A_387 = arith.constant 7 : i32
        %shift_right_logical3A_388 = vector.broadcast %shift_right_logical3A_387 : i32 to vector<16xi32>
        %shift_right_logical3A_389 = arith.shrui %get3A_382, %shift_right_logical3A_388 : vector<16xi32>
        %and3A_390 = arith.constant 127 : i32
        %and3A_391 = vector.broadcast %and3A_390 : i32 to vector<16xi32>
        %and3A_392 = arith.andi %get3A_382, %and3A_391 : vector<16xi32>
        %convert_element_type3A_393 = arith.sitofp %unique3A_386 : vector<16xi32> to vector<16xf32>
        tpu.vector_store_idx %arg15[%shift_right_logical3A_389, %and3A_392], %convert_element_type3A_393 masked %unique3A_385 {add = true} : memref<80x128xf32, #tpu.memory_space<vmem>>[vector<16xi32>, vector<16xi32>], vector<16xf32>, vector<16xi1>
      }
      %while3A_128 = arith.constant 1 : i32
      scf.for %while3A_326 = %while3A_126 to %while3A_122 step %while3A_128  : i32 {
        %get3A_327 = arith.index_cast %while3A_326 : i32 to index
        %get3A_328 = arith.constant 0 : index
        %get3A_329 = tpu.vector_load %arg7[%get3A_327, %get3A_328] {strides = array<i32>} : memref<25x80xi32, #tpu.memory_space<vmem>>, vector<16xi32>,
        %broadcast_in_dim3A_330 = arith.constant true
        %broadcast_in_dim3A_331 = vector.broadcast %broadcast_in_dim3A_330 : i1 to vector<16xi1>
        %unique3A, %unique3A_332 = tpu.scan_count mask(%broadcast_in_dim3A_331 : vector<16xi1>) value(%get3A_329 : vector<16xi32>) : vector<16xi1>, vector<16xi32>
        %shift_right_logical3A = arith.constant 7 : i32
        %shift_right_logical3A_333 = vector.broadcast %shift_right_logical3A : i32 to vector<16xi32>
        %shift_right_logical3A_334 = arith.shrui %get3A_329, %shift_right_logical3A_333 : vector<16xi32>
        %and3A = arith.constant 127 : i32
        %and3A_335 = vector.broadcast %and3A : i32 to vector<16xi32>
        %and3A_336 = arith.andi %get3A_329, %and3A_335 : vector<16xi32>
        %convert_element_type3A_337 = arith.sitofp %unique3A_332 : vector<16xi32> to vector<16xf32>
        tpu.vector_store_idx %arg15[%shift_right_logical3A_334, %and3A_336], %convert_element_type3A_337 masked %unique3A {add = true} : memref<80x128xf32, #tpu.memory_space<vmem>>[vector<16xi32>, vector<16xi32>], vector<16xf32>, vector<16xi1>
        %get3A_338 = arith.index_cast %while3A_326 : i32 to index
        %get3A_339 = arith.constant 16 : index
        %get3A_340 = tpu.vector_load %arg7[%get3A_338, %get3A_339] {strides = array<i32>} : memref<25x80xi32, #tpu.memory_space<vmem>>, vector<16xi32>,
        %broadcast_in_dim3A_341 = arith.constant true
        %broadcast_in_dim3A_342 = vector.broadcast %broadcast_in_dim3A_341 : i1 to vector<16xi1>
        %unique3A_343, %unique3A_344 = tpu.scan_count mask(%broadcast_in_dim3A_342 : vector<16xi1>) value(%get3A_340 : vector<16xi32>) : vector<16xi1>, vector<16xi32>
        %shift_right_logical3A_345 = arith.constant 7 : i32
        %shift_right_logical3A_346 = vector.broadcast %shift_right_logical3A_345 : i32 to vector<16xi32>
        %shift_right_logical3A_347 = arith.shrui %get3A_340, %shift_right_logical3A_346 : vector<16xi32>
        %and3A_348 = arith.constant 127 : i32
        %and3A_349 = vector.broadcast %and3A_348 : i32 to vector<16xi32>
        %and3A_350 = arith.andi %get3A_340, %and3A_349 : vector<16xi32>
        %convert_element_type3A_351 = arith.sitofp %unique3A_344 : vector<16xi32> to vector<16xf32>
        tpu.vector_store_idx %arg15[%shift_right_logical3A_347, %and3A_350], %convert_element_type3A_351 masked %unique3A_343 {add = true} : memref<80x128xf32, #tpu.memory_space<vmem>>[vector<16xi32>, vector<16xi32>], vector<16xf32>, vector<16xi1>
        %get3A_352 = arith.index_cast %while3A_326 : i32 to index
        %get3A_353 = arith.constant 32 : index
        %get3A_354 = tpu.vector_load %arg7[%get3A_352, %get3A_353] {strides = array<i32>} : memref<25x80xi32, #tpu.memory_space<vmem>>, vector<16xi32>,
        %broadcast_in_dim3A_355 = arith.constant true
        %broadcast_in_dim3A_356 = vector.broadcast %broadcast_in_dim3A_355 : i1 to vector<16xi1>
        %unique3A_357, %unique3A_358 = tpu.scan_count mask(%broadcast_in_dim3A_356 : vector<16xi1>) value(%get3A_354 : vector<16xi32>) : vector<16xi1>, vector<16xi32>
        %shift_right_logical3A_359 = arith.constant 7 : i32
        %shift_right_logical3A_360 = vector.broadcast %shift_right_logical3A_359 : i32 to vector<16xi32>
        %shift_right_logical3A_361 = arith.shrui %get3A_354, %shift_right_logical3A_360 : vector<16xi32>
        %and3A_362 = arith.constant 127 : i32
        %and3A_363 = vector.broadcast %and3A_362 : i32 to vector<16xi32>
        %and3A_364 = arith.andi %get3A_354, %and3A_363 : vector<16xi32>
        %convert_element_type3A_365 = arith.sitofp %unique3A_358 : vector<16xi32> to vector<16xf32>
        tpu.vector_store_idx %arg15[%shift_right_logical3A_361, %and3A_364], %convert_element_type3A_365 masked %unique3A_357 {add = true} : memref<80x128xf32, #tpu.memory_space<vmem>>[vector<16xi32>, vector<16xi32>], vector<16xf32>, vector<16xi1>
        %get3A_366 = arith.index_cast %while3A_326 : i32 to index
        %get3A_367 = arith.constant 48 : index
        %get3A_368 = tpu.vector_load %arg7[%get3A_366, %get3A_367] {strides = array<i32>} : memref<25x80xi32, #tpu.memory_space<vmem>>, vector<16xi32>,
        %broadcast_in_dim3A_369 = arith.constant true
        %broadcast_in_dim3A_370 = vector.broadcast %broadcast_in_dim3A_369 : i1 to vector<16xi1>
        %unique3A_371, %unique3A_372 = tpu.scan_count mask(%broadcast_in_dim3A_370 : vector<16xi1>) value(%get3A_368 : vector<16xi32>) : vector<16xi1>, vector<16xi32>
        %shift_right_logical3A_373 = arith.constant 7 : i32
        %shift_right_logical3A_374 = vector.broadcast %shift_right_logical3A_373 : i32 to vector<16xi32>
        %shift_right_logical3A_375 = arith.shrui %get3A_368, %shift_right_logical3A_374 : vector<16xi32>
        %and3A_376 = arith.constant 127 : i32
        %and3A_377 = vector.broadcast %and3A_376 : i32 to vector<16xi32>
        %and3A_378 = arith.andi %get3A_368, %and3A_377 : vector<16xi32>
        %convert_element_type3A_379 = arith.sitofp %unique3A_372 : vector<16xi32> to vector<16xf32>
        tpu.vector_store_idx %arg15[%shift_right_logical3A_375, %and3A_378], %convert_element_type3A_379 masked %unique3A_371 {add = true} : memref<80x128xf32, #tpu.memory_space<vmem>>[vector<16xi32>, vector<16xi32>], vector<16xf32>, vector<16xi1>
        %get3A_380 = arith.index_cast %while3A_326 : i32 to index
        %get3A_381 = arith.constant 64 : index
        %get3A_382 = tpu.vector_load %arg7[%get3A_380, %get3A_381] {strides = array<i32>} : memref<25x80xi32, #tpu.memory_space<vmem>>, vector<16xi32>,
        %broadcast_in_dim3A_383 = arith.constant true
        %broadcast_in_dim3A_384 = vector.broadcast %broadcast_in_dim3A_383 : i1 to vector<16xi1>
        %unique3A_385, %unique3A_386 = tpu.scan_count mask(%broadcast_in_dim3A_384 : vector<16xi1>) value(%get3A_382 : vector<16xi32>) : vector<16xi1>, vector<16xi32>
        %shift_right_logical3A_387 = arith.constant 7 : i32
        %shift_right_logical3A_388 = vector.broadcast %shift_right_logical3A_387 : i32 to vector<16xi32>
        %shift_right_logical3A_389 = arith.shrui %get3A_382, %shift_right_logical3A_388 : vector<16xi32>
        %and3A_390 = arith.constant 127 : i32
        %and3A_391 = vector.broadcast %and3A_390 : i32 to vector<16xi32>
        %and3A_392 = arith.andi %get3A_382, %and3A_391 : vector<16xi32>
        %convert_element_type3A_393 = arith.sitofp %unique3A_386 : vector<16xi32> to vector<16xf32>
        tpu.vector_store_idx %arg15[%shift_right_logical3A_389, %and3A_392], %convert_element_type3A_393 masked %unique3A_385 {add = true} : memref<80x128xf32, #tpu.memory_space<vmem>>[vector<16xi32>, vector<16xi32>], vector<16xf32>, vector<16xi1>
      }
      %dma_start3A_129 = arith.constant 0 : i32
      %dma_start3A_130 = arith.constant 0 : i32
      %dma_start3A_131 = tpu.memref_slice %arg8[%dma_start3A_129, %dma_start3A_130] : memref<25x80xi32, #tpu.memory_space<vmem>> -> memref<1x80xi32, #tpu.memory_space<vmem>>
      %dma_start3A_132 = tpu.memref_squeeze %dma_start3A_131 : memref<1x80xi32, #tpu.memory_space<vmem>> -> memref<80xi32, #tpu.memory_space<vmem>>
      %dma_start3A_133 = arith.constant 0 : i32
      %dma_start3A_134 = tpu.memref_slice %arg2[%dma_start3A_133, %multiple_of3A] : memref<10000x256xf32, #tpu.memory_space<hbm>> -> memref<10000x128xf32, #tpu.memory_space<hbm>>
      tpu.enqueue_indirect_dma source(%dma_start3A_134 : memref<10000x128xf32, #tpu.memory_space<hbm>>) target(%arg12 : memref<80x128xf32, #tpu.memory_space<vmem>>) offsets(%dma_start3A_132 : memref<80xi32, #tpu.memory_space<vmem>>) semaphore(%arg19 : memref<!tpu.dma_semaphore, #tpu.memory_space<semaphore_mem>>)
      %get3A = arith.constant 0 : i32
      %get3A_135 = arith.index_cast %get3A : i32 to index
      %get3A_136 = arith.constant 0 : index
      %get3A_137 = tpu.vector_load %arg7[%get3A_135, %get3A_136] {strides = array<i32>} : memref<25x80xi32, #tpu.memory_space<vmem>>, vector<16xi32>,
      %swap3A_138 = arith.constant 0 : index
      %swap3A_139 = tpu.vector_load %arg9[%swap3A_138] {strides = array<i32>} : memref<80xi32, #tpu.memory_space<vmem>>, vector<16xi32>,
      tpu.vector_store %arg9[%swap3A_138], %get3A_137 {strides = array<i32>} : memref<80xi32, #tpu.memory_space<vmem>>, vector<16xi32>,
      %get3A_140 = arith.constant 0 : i32
      %get3A_141 = arith.index_cast %get3A_140 : i32 to index
      %get3A_142 = arith.constant 16 : index
      %get3A_143 = tpu.vector_load %arg7[%get3A_141, %get3A_142] {strides = array<i32>} : memref<25x80xi32, #tpu.memory_space<vmem>>, vector<16xi32>,
      %swap3A_144 = arith.constant 16 : index
      %swap3A_145 = tpu.vector_load %arg9[%swap3A_144] {strides = array<i32>} : memref<80xi32, #tpu.memory_space<vmem>>, vector<16xi32>,
      tpu.vector_store %arg9[%swap3A_144], %get3A_143 {strides = array<i32>} : memref<80xi32, #tpu.memory_space<vmem>>, vector<16xi32>,
      %get3A_146 = arith.constant 0 : i32
      %get3A_147 = arith.index_cast %get3A_146 : i32 to index
      %get3A_148 = arith.constant 32 : index
      %get3A_149 = tpu.vector_load %arg7[%get3A_147, %get3A_148] {strides = array<i32>} : memref<25x80xi32, #tpu.memory_space<vmem>>, vector<16xi32>,
      %swap3A_150 = arith.constant 32 : index
      %swap3A_151 = tpu.vector_load %arg9[%swap3A_150] {strides = array<i32>} : memref<80xi32, #tpu.memory_space<vmem>>, vector<16xi32>,
      tpu.vector_store %arg9[%swap3A_150], %get3A_149 {strides = array<i32>} : memref<80xi32, #tpu.memory_space<vmem>>, vector<16xi32>,
      %get3A_152 = arith.constant 0 : i32
      %get3A_153 = arith.index_cast %get3A_152 : i32 to index
      %get3A_154 = arith.constant 48 : index
      %get3A_155 = tpu.vector_load %arg7[%get3A_153, %get3A_154] {strides = array<i32>} : memref<25x80xi32, #tpu.memory_space<vmem>>, vector<16xi32>,
      %swap3A_156 = arith.constant 48 : index
      %swap3A_157 = tpu.vector_load %arg9[%swap3A_156] {strides = array<i32>} : memref<80xi32, #tpu.memory_space<vmem>>, vector<16xi32>,
      tpu.vector_store %arg9[%swap3A_156], %get3A_155 {strides = array<i32>} : memref<80xi32, #tpu.memory_space<vmem>>, vector<16xi32>,
      %get3A_158 = arith.constant 0 : i32
      %get3A_159 = arith.index_cast %get3A_158 : i32 to index
      %get3A_160 = arith.constant 64 : index
      %get3A_161 = tpu.vector_load %arg7[%get3A_159, %get3A_160] {strides = array<i32>} : memref<25x80xi32, #tpu.memory_space<vmem>>, vector<16xi32>,
      %swap3A_162 = arith.constant 64 : index
      %swap3A_163 = tpu.vector_load %arg9[%swap3A_162] {strides = array<i32>} : memref<80xi32, #tpu.memory_space<vmem>>, vector<16xi32>,
      tpu.vector_store %arg9[%swap3A_162], %get3A_161 {strides = array<i32>} : memref<80xi32, #tpu.memory_space<vmem>>, vector<16xi32>,
      %dma_start3A_164 = arith.constant 1 : i32
      %dma_start3A_165 = arith.constant 0 : i32
      %dma_start3A_166 = tpu.memref_slice %arg8[%dma_start3A_164, %dma_start3A_165] : memref<25x80xi32, #tpu.memory_space<vmem>> -> memref<1x80xi32, #tpu.memory_space<vmem>>
      %dma_start3A_167 = tpu.memref_squeeze %dma_start3A_166 : memref<1x80xi32, #tpu.memory_space<vmem>> -> memref<80xi32, #tpu.memory_space<vmem>>
      %dma_start3A_168 = arith.constant 0 : i32
      %dma_start3A_169 = tpu.memref_slice %arg2[%dma_start3A_168, %multiple_of3A] : memref<10000x256xf32, #tpu.memory_space<hbm>> -> memref<10000x128xf32, #tpu.memory_space<hbm>>
      tpu.enqueue_indirect_dma source(%dma_start3A_169 : memref<10000x128xf32, #tpu.memory_space<hbm>>) target(%arg13 : memref<80x128xf32, #tpu.memory_space<vmem>>) offsets(%dma_start3A_167 : memref<80xi32, #tpu.memory_space<vmem>>) semaphore(%arg20 : memref<!tpu.dma_semaphore, #tpu.memory_space<semaphore_mem>>)
      %get3A_170 = arith.constant 1 : i32
      %get3A_171 = arith.index_cast %get3A_170 : i32 to index
      %get3A_172 = arith.constant 0 : index
      %get3A_173 = tpu.vector_load %arg7[%get3A_171, %get3A_172] {strides = array<i32>} : memref<25x80xi32, #tpu.memory_space<vmem>>, vector<16xi32>,
      %swap3A_174 = arith.constant 0 : index
      %swap3A_175 = tpu.vector_load %arg10[%swap3A_174] {strides = array<i32>} : memref<80xi32, #tpu.memory_space<vmem>>, vector<16xi32>,
      tpu.vector_store %arg10[%swap3A_174], %get3A_173 {strides = array<i32>} : memref<80xi32, #tpu.memory_space<vmem>>, vector<16xi32>,
      %get3A_176 = arith.constant 1 : i32
      %get3A_177 = arith.index_cast %get3A_176 : i32 to index
      %get3A_178 = arith.constant 16 : index
      %get3A_179 = tpu.vector_load %arg7[%get3A_177, %get3A_178] {strides = array<i32>} : memref<25x80xi32, #tpu.memory_space<vmem>>, vector<16xi32>,
      %swap3A_180 = arith.constant 16 : index
      %swap3A_181 = tpu.vector_load %arg10[%swap3A_180] {strides = array<i32>} : memref<80xi32, #tpu.memory_space<vmem>>, vector<16xi32>,
      tpu.vector_store %arg10[%swap3A_180], %get3A_179 {strides = array<i32>} : memref<80xi32, #tpu.memory_space<vmem>>, vector<16xi32>,
      %get3A_182 = arith.constant 1 : i32
      %get3A_183 = arith.index_cast %get3A_182 : i32 to index
      %get3A_184 = arith.constant 32 : index
      %get3A_185 = tpu.vector_load %arg7[%get3A_183, %get3A_184] {strides = array<i32>} : memref<25x80xi32, #tpu.memory_space<vmem>>, vector<16xi32>,
      %swap3A_186 = arith.constant 32 : index
      %swap3A_187 = tpu.vector_load %arg10[%swap3A_186] {strides = array<i32>} : memref<80xi32, #tpu.memory_space<vmem>>, vector<16xi32>,
      tpu.vector_store %arg10[%swap3A_186], %get3A_185 {strides = array<i32>} : memref<80xi32, #tpu.memory_space<vmem>>, vector<16xi32>,
      %get3A_188 = arith.constant 1 : i32
      %get3A_189 = arith.index_cast %get3A_188 : i32 to index
      %get3A_190 = arith.constant 48 : index
      %get3A_191 = tpu.vector_load %arg7[%get3A_189, %get3A_190] {strides = array<i32>} : memref<25x80xi32, #tpu.memory_space<vmem>>, vector<16xi32>,
      %swap3A_192 = arith.constant 48 : index
      %swap3A_193 = tpu.vector_load %arg10[%swap3A_192] {strides = array<i32>} : memref<80xi32, #tpu.memory_space<vmem>>, vector<16xi32>,
      tpu.vector_store %arg10[%swap3A_192], %get3A_191 {strides = array<i32>} : memref<80xi32, #tpu.memory_space<vmem>>, vector<16xi32>,
      %get3A_194 = arith.constant 1 : i32
      %get3A_195 = arith.index_cast %get3A_194 : i32 to index
      %get3A_196 = arith.constant 64 : index
      %get3A_197 = tpu.vector_load %arg7[%get3A_195, %get3A_196] {strides = array<i32>} : memref<25x80xi32, #tpu.memory_space<vmem>>, vector<16xi32>,
      %swap3A_198 = arith.constant 64 : index
      %swap3A_199 = tpu.vector_load %arg10[%swap3A_198] {strides = array<i32>} : memref<80xi32, #tpu.memory_space<vmem>>, vector<16xi32>,
      tpu.vector_store %arg10[%swap3A_198], %get3A_197 {strides = array<i32>} : memref<80xi32, #tpu.memory_space<vmem>>, vector<16xi32>,
      %dma_wait3A_200 = arith.constant 0 : i32
      %dma_wait3A_201 = arith.constant 0 : i32
      %dma_wait3A_202 = tpu.memref_slice %arg8[%dma_wait3A_200, %dma_wait3A_201] : memref<25x80xi32, #tpu.memory_space<vmem>> -> memref<1x80xi32, #tpu.memory_space<vmem>>
      %dma_wait3A_203 = tpu.memref_squeeze %dma_wait3A_202 : memref<1x80xi32, #tpu.memory_space<vmem>> -> memref<80xi32, #tpu.memory_space<vmem>>
      %dma_wait3A_204 = arith.constant 0 : i32
      %dma_wait3A_205 = tpu.memref_slice %arg2[%dma_wait3A_204, %multiple_of3A] : memref<10000x256xf32, #tpu.memory_space<hbm>> -> memref<10000x128xf32, #tpu.memory_space<hbm>>
      tpu.wait_indirect_dma semaphore(%arg19 : memref<!tpu.dma_semaphore, #tpu.memory_space<semaphore_mem>>) src(%dma_wait3A_205 : memref<10000x128xf32, #tpu.memory_space<hbm>>) dst(%arg12 : memref<80x128xf32, #tpu.memory_space<vmem>>)
      %dma_start3A_206 = arith.constant 0 : i32
      %dma_start3A_207 = arith.constant 0 : i32
      %dma_start3A_208 = tpu.memref_slice %arg17[%dma_start3A_206, %dma_start3A_207] : memref<10000x128xf32, #tpu.memory_space<vmem_shared>> -> memref<10000x128xf32, #tpu.memory_space<vmem_shared>>
      tpu.enqueue_indirect_dma source(%arg12 : memref<80x128xf32, #tpu.memory_space<vmem>>) target(%dma_start3A_208 : memref<10000x128xf32, #tpu.memory_space<vmem_shared>>) offsets(%arg9 : memref<80xi32, #tpu.memory_space<vmem>>) semaphore(%arg22 : memref<!tpu.dma_semaphore, #tpu.memory_space<semaphore_mem>>) {add = true}
      %dma_start3A_209 = arith.constant 2 : i32
      %dma_start3A_210 = arith.constant 0 : i32
      %dma_start3A_211 = tpu.memref_slice %arg8[%dma_start3A_209, %dma_start3A_210] : memref<25x80xi32, #tpu.memory_space<vmem>> -> memref<1x80xi32, #tpu.memory_space<vmem>>
      %dma_start3A_212 = tpu.memref_squeeze %dma_start3A_211 : memref<1x80xi32, #tpu.memory_space<vmem>> -> memref<80xi32, #tpu.memory_space<vmem>>
      %dma_start3A_213 = arith.constant 0 : i32
      %dma_start3A_214 = tpu.memref_slice %arg2[%dma_start3A_213, %multiple_of3A] : memref<10000x256xf32, #tpu.memory_space<hbm>> -> memref<10000x128xf32, #tpu.memory_space<hbm>>
      tpu.enqueue_indirect_dma source(%dma_start3A_214 : memref<10000x128xf32, #tpu.memory_space<hbm>>) target(%arg14 : memref<80x128xf32, #tpu.memory_space<vmem>>) offsets(%dma_start3A_212 : memref<80xi32, #tpu.memory_space<vmem>>) semaphore(%arg21 : memref<!tpu.dma_semaphore, #tpu.memory_space<semaphore_mem>>)
      %get3A_215 = arith.constant 2 : i32
      %get3A_216 = arith.index_cast %get3A_215 : i32 to index
      %get3A_217 = arith.constant 0 : index
      %get3A_218 = tpu.vector_load %arg7[%get3A_216, %get3A_217] {strides = array<i32>} : memref<25x80xi32, #tpu.memory_space<vmem>>, vector<16xi32>,
      %swap3A_219 = arith.constant 0 : index
      %swap3A_220 = tpu.vector_load %arg11[%swap3A_219] {strides = array<i32>} : memref<80xi32, #tpu.memory_space<vmem>>, vector<16xi32>,
      tpu.vector_store %arg11[%swap3A_219], %get3A_218 {strides = array<i32>} : memref<80xi32, #tpu.memory_space<vmem>>, vector<16xi32>,
      %get3A_221 = arith.constant 2 : i32
      %get3A_222 = arith.index_cast %get3A_221 : i32 to index
      %get3A_223 = arith.constant 16 : index
      %get3A_224 = tpu.vector_load %arg7[%get3A_222, %get3A_223] {strides = array<i32>} : memref<25x80xi32, #tpu.memory_space<vmem>>, vector<16xi32>,
      %swap3A_225 = arith.constant 16 : index
      %swap3A_226 = tpu.vector_load %arg11[%swap3A_225] {strides = array<i32>} : memref<80xi32, #tpu.memory_space<vmem>>, vector<16xi32>,
      tpu.vector_store %arg11[%swap3A_225], %get3A_224 {strides = array<i32>} : memref<80xi32, #tpu.memory_space<vmem>>, vector<16xi32>,
      %get3A_227 = arith.constant 2 : i32
      %get3A_228 = arith.index_cast %get3A_227 : i32 to index
      %get3A_229 = arith.constant 32 : index
      %get3A_230 = tpu.vector_load %arg7[%get3A_228, %get3A_229] {strides = array<i32>} : memref<25x80xi32, #tpu.memory_space<vmem>>, vector<16xi32>,
      %swap3A_231 = arith.constant 32 : index
      %swap3A_232 = tpu.vector_load %arg11[%swap3A_231] {strides = array<i32>} : memref<80xi32, #tpu.memory_space<vmem>>, vector<16xi32>,
      tpu.vector_store %arg11[%swap3A_231], %get3A_230 {strides = array<i32>} : memref<80xi32, #tpu.memory_space<vmem>>, vector<16xi32>,
      %get3A_233 = arith.constant 2 : i32
      %get3A_234 = arith.index_cast %get3A_233 : i32 to index
      %get3A_235 = arith.constant 48 : index
      %get3A_236 = tpu.vector_load %arg7[%get3A_234, %get3A_235] {strides = array<i32>} : memref<25x80xi32, #tpu.memory_space<vmem>>, vector<16xi32>,
      %swap3A_237 = arith.constant 48 : index
      %swap3A_238 = tpu.vector_load %arg11[%swap3A_237] {strides = array<i32>} : memref<80xi32, #tpu.memory_space<vmem>>, vector<16xi32>,
      tpu.vector_store %arg11[%swap3A_237], %get3A_236 {strides = array<i32>} : memref<80xi32, #tpu.memory_space<vmem>>, vector<16xi32>,
      %get3A_239 = arith.constant 2 : i32
      %get3A_240 = arith.index_cast %get3A_239 : i32 to index
      %get3A_241 = arith.constant 64 : index
      %get3A_242 = tpu.vector_load %arg7[%get3A_240, %get3A_241] {strides = array<i32>} : memref<25x80xi32, #tpu.memory_space<vmem>>, vector<16xi32>,
      %swap3A_243 = arith.constant 64 : index
      %swap3A_244 = tpu.vector_load %arg11[%swap3A_243] {strides = array<i32>} : memref<80xi32, #tpu.memory_space<vmem>>, vector<16xi32>,
      tpu.vector_store %arg11[%swap3A_243], %get3A_242 {strides = array<i32>} : memref<80xi32, #tpu.memory_space<vmem>>, vector<16xi32>,
      %dma_wait3A_245 = arith.constant 0 : i32
      %dma_wait3A_246 = arith.constant 0 : i32
      %dma_wait3A_247 = tpu.memref_slice %arg8[%dma_wait3A_245, %dma_wait3A_246] : memref<25x80xi32, #tpu.memory_space<vmem>> -> memref<1x80xi32, #tpu.memory_space<vmem>>
      %dma_wait3A_248 = tpu.memref_squeeze %dma_wait3A_247 : memref<1x80xi32, #tpu.memory_space<vmem>> -> memref<80xi32, #tpu.memory_space<vmem>>
      %dma_wait3A_249 = arith.constant 0 : i32
      %dma_wait3A_250 = tpu.memref_slice %arg2[%dma_wait3A_249, %multiple_of3A] : memref<10000x256xf32, #tpu.memory_space<hbm>> -> memref<10000x128xf32, #tpu.memory_space<hbm>>
      tpu.wait_indirect_dma semaphore(%arg20 : memref<!tpu.dma_semaphore, #tpu.memory_space<semaphore_mem>>) src(%dma_wait3A_250 : memref<10000x128xf32, #tpu.memory_space<hbm>>) dst(%arg13 : memref<80x128xf32, #tpu.memory_space<vmem>>)
      %dma_start3A_251 = arith.constant 0 : i32
      %dma_start3A_252 = arith.constant 0 : i32
      %dma_start3A_253 = tpu.memref_slice %arg17[%dma_start3A_251, %dma_start3A_252] : memref<10000x128xf32, #tpu.memory_space<vmem_shared>> -> memref<10000x128xf32, #tpu.memory_space<vmem_shared>>
      tpu.enqueue_indirect_dma source(%arg13 : memref<80x128xf32, #tpu.memory_space<vmem>>) target(%dma_start3A_253 : memref<10000x128xf32, #tpu.memory_space<vmem_shared>>) offsets(%arg10 : memref<80xi32, #tpu.memory_space<vmem>>) semaphore(%arg23 : memref<!tpu.dma_semaphore, #tpu.memory_space<semaphore_mem>>) {add = true}
      %scan3A_254 = arith.constant 0 : i32
      %scan3A_255 = arith.constant 0 : i32
      %scan3A_256 = arith.constant 7 : i32
      %scan3A_257 = arith.addi %scan3A_255, %scan3A_256 : i32
      %scan3A_258 = arith.constant 1 : i32
      scf.for %scan3A_326 = %scan3A_255 to %scan3A_257 step %scan3A_258  : i32 {
        %mul3A_327 = arith.constant 3 : i32
        %mul3A_328 = arith.muli %mul3A_327, %scan3A_326 : i32
        %add3A_329 = arith.constant 2 : i32
        %add3A_330 = arith.addi %add3A_329, %mul3A_328 : i32
        %add3A_331 = arith.constant 0 : i32
        %add3A_332 = arith.addi %add3A_330, %add3A_331 : i32
        %dma_wait3A_333 = arith.constant 0 : i32
        %dma_wait3A_334 = arith.constant 0 : i32
        %dma_wait3A_335 = tpu.memref_slice %arg17[%dma_wait3A_333, %dma_wait3A_334] : memref<10000x128xf32, #tpu.memory_space<vmem_shared>> -> memref<10000x128xf32, #tpu.memory_space<vmem_shared>>
        tpu.wait_indirect_dma semaphore(%arg22 : memref<!tpu.dma_semaphore, #tpu.memory_space<semaphore_mem>>) src(%arg12 : memref<80x128xf32, #tpu.memory_space<vmem>>) dst(%dma_wait3A_335 : memref<10000x128xf32, #tpu.memory_space<vmem_shared>>)
        %add3A_336 = arith.constant 1 : i32
        %add3A_337 = arith.addi %add3A_332, %add3A_336 : i32
        %dma_start3A_338 = arith.constant 0 : i32
        %dma_start3A_339 = tpu.memref_slice %arg8[%add3A_337, %dma_start3A_338] : memref<25x80xi32, #tpu.memory_space<vmem>> -> memref<1x80xi32, #tpu.memory_space<vmem>>
        %dma_start3A_340 = tpu.memref_squeeze %dma_start3A_339 : memref<1x80xi32, #tpu.memory_space<vmem>> -> memref<80xi32, #tpu.memory_space<vmem>>
        %dma_start3A_341 = arith.constant 0 : i32
        %dma_start3A_342 = tpu.memref_slice %arg2[%dma_start3A_341, %multiple_of3A] : memref<10000x256xf32, #tpu.memory_space<hbm>> -> memref<10000x128xf32, #tpu.memory_space<hbm>>
        tpu.enqueue_indirect_dma source(%dma_start3A_342 : memref<10000x128xf32, #tpu.memory_space<hbm>>) target(%arg12 : memref<80x128xf32, #tpu.memory_space<vmem>>) offsets(%dma_start3A_340 : memref<80xi32, #tpu.memory_space<vmem>>) semaphore(%arg19 : memref<!tpu.dma_semaphore, #tpu.memory_space<semaphore_mem>>)
        %add3A_343 = arith.constant 1 : i32
        %add3A_344 = arith.addi %add3A_332, %add3A_343 : i32
        %get3A_345 = arith.index_cast %add3A_344 : i32 to index
        %get3A_346 = arith.constant 0 : index
        %get3A_347 = tpu.vector_load %arg7[%get3A_345, %get3A_346] {strides = array<i32>} : memref<25x80xi32, #tpu.memory_space<vmem>>, vector<16xi32>,
        %swap3A_348 = arith.constant 0 : index
        %swap3A_349 = tpu.vector_load %arg9[%swap3A_348] {strides = array<i32>} : memref<80xi32, #tpu.memory_space<vmem>>, vector<16xi32>,
        tpu.vector_store %arg9[%swap3A_348], %get3A_347 {strides = array<i32>} : memref<80xi32, #tpu.memory_space<vmem>>, vector<16xi32>,
        %get3A_350 = arith.index_cast %add3A_344 : i32 to index
        %get3A_351 = arith.constant 16 : index
        %get3A_352 = tpu.vector_load %arg7[%get3A_350, %get3A_351] {strides = array<i32>} : memref<25x80xi32, #tpu.memory_space<vmem>>, vector<16xi32>,
        %swap3A_353 = arith.constant 16 : index
        %swap3A_354 = tpu.vector_load %arg9[%swap3A_353] {strides = array<i32>} : memref<80xi32, #tpu.memory_space<vmem>>, vector<16xi32>,
        tpu.vector_store %arg9[%swap3A_353], %get3A_352 {strides = array<i32>} : memref<80xi32, #tpu.memory_space<vmem>>, vector<16xi32>,
        %get3A_355 = arith.index_cast %add3A_344 : i32 to index
        %get3A_356 = arith.constant 32 : index
        %get3A_357 = tpu.vector_load %arg7[%get3A_355, %get3A_356] {strides = array<i32>} : memref<25x80xi32, #tpu.memory_space<vmem>>, vector<16xi32>,
        %swap3A_358 = arith.constant 32 : index
        %swap3A_359 = tpu.vector_load %arg9[%swap3A_358] {strides = array<i32>} : memref<80xi32, #tpu.memory_space<vmem>>, vector<16xi32>,
        tpu.vector_store %arg9[%swap3A_358], %get3A_357 {strides = array<i32>} : memref<80xi32, #tpu.memory_space<vmem>>, vector<16xi32>,
        %get3A_360 = arith.index_cast %add3A_344 : i32 to index
        %get3A_361 = arith.constant 48 : index
        %get3A_362 = tpu.vector_load %arg7[%get3A_360, %get3A_361] {strides = array<i32>} : memref<25x80xi32, #tpu.memory_space<vmem>>, vector<16xi32>,
        %swap3A_363 = arith.constant 48 : index
        %swap3A_364 = tpu.vector_load %arg9[%swap3A_363] {strides = array<i32>} : memref<80xi32, #tpu.memory_space<vmem>>, vector<16xi32>,
        tpu.vector_store %arg9[%swap3A_363], %get3A_362 {strides = array<i32>} : memref<80xi32, #tpu.memory_space<vmem>>, vector<16xi32>,
        %get3A_365 = arith.index_cast %add3A_344 : i32 to index
        %get3A_366 = arith.constant 64 : index
        %get3A_367 = tpu.vector_load %arg7[%get3A_365, %get3A_366] {strides = array<i32>} : memref<25x80xi32, #tpu.memory_space<vmem>>, vector<16xi32>,
        %swap3A_368 = arith.constant 64 : index
        %swap3A_369 = tpu.vector_load %arg9[%swap3A_368] {strides = array<i32>} : memref<80xi32, #tpu.memory_space<vmem>>, vector<16xi32>,
        tpu.vector_store %arg9[%swap3A_368], %get3A_367 {strides = array<i32>} : memref<80xi32, #tpu.memory_space<vmem>>, vector<16xi32>,
        %dma_wait3A_370 = arith.constant 0 : i32
        %dma_wait3A_371 = arith.constant 0 : i32
        %dma_wait3A_372 = tpu.memref_slice %arg8[%dma_wait3A_370, %dma_wait3A_371] : memref<25x80xi32, #tpu.memory_space<vmem>> -> memref<1x80xi32, #tpu.memory_space<vmem>>
        %dma_wait3A_373 = tpu.memref_squeeze %dma_wait3A_372 : memref<1x80xi32, #tpu.memory_space<vmem>> -> memref<80xi32, #tpu.memory_space<vmem>>
        %dma_wait3A_374 = arith.constant 0 : i32
        %dma_wait3A_375 = tpu.memref_slice %arg2[%dma_wait3A_374, %multiple_of3A] : memref<10000x256xf32, #tpu.memory_space<hbm>> -> memref<10000x128xf32, #tpu.memory_space<hbm>>
        tpu.wait_indirect_dma semaphore(%arg21 : memref<!tpu.dma_semaphore, #tpu.memory_space<semaphore_mem>>) src(%dma_wait3A_375 : memref<10000x128xf32, #tpu.memory_space<hbm>>) dst(%arg14 : memref<80x128xf32, #tpu.memory_space<vmem>>)
        %dma_start3A_376 = arith.constant 0 : i32
        %dma_start3A_377 = arith.constant 0 : i32
        %dma_start3A_378 = tpu.memref_slice %arg17[%dma_start3A_376, %dma_start3A_377] : memref<10000x128xf32, #tpu.memory_space<vmem_shared>> -> memref<10000x128xf32, #tpu.memory_space<vmem_shared>>
        tpu.enqueue_indirect_dma source(%arg14 : memref<80x128xf32, #tpu.memory_space<vmem>>) target(%dma_start3A_378 : memref<10000x128xf32, #tpu.memory_space<vmem_shared>>) offsets(%arg11 : memref<80xi32, #tpu.memory_space<vmem>>) semaphore(%arg24 : memref<!tpu.dma_semaphore, #tpu.memory_space<semaphore_mem>>) {add = true}
        %add3A_379 = arith.constant 1 : i32
        %add3A_380 = arith.addi %add3A_330, %add3A_379 : i32
        %dma_wait3A_381 = arith.constant 0 : i32
        %dma_wait3A_382 = arith.constant 0 : i32
        %dma_wait3A_383 = tpu.memref_slice %arg17[%dma_wait3A_381, %dma_wait3A_382] : memref<10000x128xf32, #tpu.memory_space<vmem_shared>> -> memref<10000x128xf32, #tpu.memory_space<vmem_shared>>
        tpu.wait_indirect_dma semaphore(%arg23 : memref<!tpu.dma_semaphore, #tpu.memory_space<semaphore_mem>>) src(%arg13 : memref<80x128xf32, #tpu.memory_space<vmem>>) dst(%dma_wait3A_383 : memref<10000x128xf32, #tpu.memory_space<vmem_shared>>)
        %add3A_384 = arith.constant 1 : i32
        %add3A_385 = arith.addi %add3A_380, %add3A_384 : i32
        %dma_start3A_386 = arith.constant 0 : i32
        %dma_start3A_387 = tpu.memref_slice %arg8[%add3A_385, %dma_start3A_386] : memref<25x80xi32, #tpu.memory_space<vmem>> -> memref<1x80xi32, #tpu.memory_space<vmem>>
        %dma_start3A_388 = tpu.memref_squeeze %dma_start3A_387 : memref<1x80xi32, #tpu.memory_space<vmem>> -> memref<80xi32, #tpu.memory_space<vmem>>
        %dma_start3A_389 = arith.constant 0 : i32
        %dma_start3A_390 = tpu.memref_slice %arg2[%dma_start3A_389, %multiple_of3A] : memref<10000x256xf32, #tpu.memory_space<hbm>> -> memref<10000x128xf32, #tpu.memory_space<hbm>>
        tpu.enqueue_indirect_dma source(%dma_start3A_390 : memref<10000x128xf32, #tpu.memory_space<hbm>>) target(%arg13 : memref<80x128xf32, #tpu.memory_space<vmem>>) offsets(%dma_start3A_388 : memref<80xi32, #tpu.memory_space<vmem>>) semaphore(%arg20 : memref<!tpu.dma_semaphore, #tpu.memory_space<semaphore_mem>>)
        %add3A_391 = arith.constant 1 : i32
        %add3A_392 = arith.addi %add3A_380, %add3A_391 : i32
        %get3A_393 = arith.index_cast %add3A_392 : i32 to index
        %get3A_394 = arith.constant 0 : index
        %get3A_395 = tpu.vector_load %arg7[%get3A_393, %get3A_394] {strides = array<i32>} : memref<25x80xi32, #tpu.memory_space<vmem>>, vector<16xi32>,
        %swap3A_396 = arith.constant 0 : index
        %swap3A_397 = tpu.vector_load %arg10[%swap3A_396] {strides = array<i32>} : memref<80xi32, #tpu.memory_space<vmem>>, vector<16xi32>,
        tpu.vector_store %arg10[%swap3A_396], %get3A_395 {strides = array<i32>} : memref<80xi32, #tpu.memory_space<vmem>>, vector<16xi32>,
        %get3A_398 = arith.index_cast %add3A_392 : i32 to index
        %get3A_399 = arith.constant 16 : index
        %get3A_400 = tpu.vector_load %arg7[%get3A_398, %get3A_399] {strides = array<i32>} : memref<25x80xi32, #tpu.memory_space<vmem>>, vector<16xi32>,
        %swap3A_401 = arith.constant 16 : index
        %swap3A_402 = tpu.vector_load %arg10[%swap3A_401] {strides = array<i32>} : memref<80xi32, #tpu.memory_space<vmem>>, vector<16xi32>,
        tpu.vector_store %arg10[%swap3A_401], %get3A_400 {strides = array<i32>} : memref<80xi32, #tpu.memory_space<vmem>>, vector<16xi32>,
        %get3A_403 = arith.index_cast %add3A_392 : i32 to index
        %get3A_404 = arith.constant 32 : index
        %get3A_405 = tpu.vector_load %arg7[%get3A_403, %get3A_404] {strides = array<i32>} : memref<25x80xi32, #tpu.memory_space<vmem>>, vector<16xi32>,
        %swap3A_406 = arith.constant 32 : index
        %swap3A_407 = tpu.vector_load %arg10[%swap3A_406] {strides = array<i32>} : memref<80xi32, #tpu.memory_space<vmem>>, vector<16xi32>,
        tpu.vector_store %arg10[%swap3A_406], %get3A_405 {strides = array<i32>} : memref<80xi32, #tpu.memory_space<vmem>>, vector<16xi32>,
        %get3A_408 = arith.index_cast %add3A_392 : i32 to index
        %get3A_409 = arith.constant 48 : index
        %get3A_410 = tpu.vector_load %arg7[%get3A_408, %get3A_409] {strides = array<i32>} : memref<25x80xi32, #tpu.memory_space<vmem>>, vector<16xi32>,
        %swap3A_411 = arith.constant 48 : index
        %swap3A_412 = tpu.vector_load %arg10[%swap3A_411] {strides = array<i32>} : memref<80xi32, #tpu.memory_space<vmem>>, vector<16xi32>,
        tpu.vector_store %arg10[%swap3A_411], %get3A_410 {strides = array<i32>} : memref<80xi32, #tpu.memory_space<vmem>>, vector<16xi32>,
        %get3A_413 = arith.index_cast %add3A_392 : i32 to index
        %get3A_414 = arith.constant 64 : index
        %get3A_415 = tpu.vector_load %arg7[%get3A_413, %get3A_414] {strides = array<i32>} : memref<25x80xi32, #tpu.memory_space<vmem>>, vector<16xi32>,
        %swap3A_416 = arith.constant 64 : index
        %swap3A_417 = tpu.vector_load %arg10[%swap3A_416] {strides = array<i32>} : memref<80xi32, #tpu.memory_space<vmem>>, vector<16xi32>,
        tpu.vector_store %arg10[%swap3A_416], %get3A_415 {strides = array<i32>} : memref<80xi32, #tpu.memory_space<vmem>>, vector<16xi32>,
        %dma_wait3A_418 = arith.constant 0 : i32
        %dma_wait3A_419 = arith.constant 0 : i32
        %dma_wait3A_420 = tpu.memref_slice %arg8[%dma_wait3A_418, %dma_wait3A_419] : memref<25x80xi32, #tpu.memory_space<vmem>> -> memref<1x80xi32, #tpu.memory_space<vmem>>
        %dma_wait3A_421 = tpu.memref_squeeze %dma_wait3A_420 : memref<1x80xi32, #tpu.memory_space<vmem>> -> memref<80xi32, #tpu.memory_space<vmem>>
        %dma_wait3A_422 = arith.constant 0 : i32
        %dma_wait3A_423 = tpu.memref_slice %arg2[%dma_wait3A_422, %multiple_of3A] : memref<10000x256xf32, #tpu.memory_space<hbm>> -> memref<10000x128xf32, #tpu.memory_space<hbm>>
        tpu.wait_indirect_dma semaphore(%arg19 : memref<!tpu.dma_semaphore, #tpu.memory_space<semaphore_mem>>) src(%dma_wait3A_423 : memref<10000x128xf32, #tpu.memory_space<hbm>>) dst(%arg12 : memref<80x128xf32, #tpu.memory_space<vmem>>)
        %dma_start3A_424 = arith.constant 0 : i32
        %dma_start3A_425 = arith.constant 0 : i32
        %dma_start3A_426 = tpu.memref_slice %arg17[%dma_start3A_424, %dma_start3A_425] : memref<10000x128xf32, #tpu.memory_space<vmem_shared>> -> memref<10000x128xf32, #tpu.memory_space<vmem_shared>>
        tpu.enqueue_indirect_dma source(%arg12 : memref<80x128xf32, #tpu.memory_space<vmem>>) target(%dma_start3A_426 : memref<10000x128xf32, #tpu.memory_space<vmem_shared>>) offsets(%arg9 : memref<80xi32, #tpu.memory_space<vmem>>) semaphore(%arg22 : memref<!tpu.dma_semaphore, #tpu.memory_space<semaphore_mem>>) {add = true}
        %add3A_427 = arith.constant 2 : i32
        %add3A_428 = arith.addi %add3A_330, %add3A_427 : i32
        %dma_wait3A_429 = arith.constant 0 : i32
        %dma_wait3A_430 = arith.constant 0 : i32
        %dma_wait3A_431 = tpu.memref_slice %arg17[%dma_wait3A_429, %dma_wait3A_430] : memref<10000x128xf32, #tpu.memory_space<vmem_shared>> -> memref<10000x128xf32, #tpu.memory_space<vmem_shared>>
        tpu.wait_indirect_dma semaphore(%arg24 : memref<!tpu.dma_semaphore, #tpu.memory_space<semaphore_mem>>) src(%arg14 : memref<80x128xf32, #tpu.memory_space<vmem>>) dst(%dma_wait3A_431 : memref<10000x128xf32, #tpu.memory_space<vmem_shared>>)
        %add3A_432 = arith.constant 1 : i32
        %add3A_433 = arith.addi %add3A_428, %add3A_432 : i32
        %dma_start3A_434 = arith.constant 0 : i32
        %dma_start3A_435 = tpu.memref_slice %arg8[%add3A_433, %dma_start3A_434] : memref<25x80xi32, #tpu.memory_space<vmem>> -> memref<1x80xi32, #tpu.memory_space<vmem>>
        %dma_start3A_436 = tpu.memref_squeeze %dma_start3A_435 : memref<1x80xi32, #tpu.memory_space<vmem>> -> memref<80xi32, #tpu.memory_space<vmem>>
        %dma_start3A_437 = arith.constant 0 : i32
        %dma_start3A_438 = tpu.memref_slice %arg2[%dma_start3A_437, %multiple_of3A] : memref<10000x256xf32, #tpu.memory_space<hbm>> -> memref<10000x128xf32, #tpu.memory_space<hbm>>
        tpu.enqueue_indirect_dma source(%dma_start3A_438 : memref<10000x128xf32, #tpu.memory_space<hbm>>) target(%arg14 : memref<80x128xf32, #tpu.memory_space<vmem>>) offsets(%dma_start3A_436 : memref<80xi32, #tpu.memory_space<vmem>>) semaphore(%arg21 : memref<!tpu.dma_semaphore, #tpu.memory_space<semaphore_mem>>)
        %add3A_439 = arith.constant 1 : i32
        %add3A_440 = arith.addi %add3A_428, %add3A_439 : i32
        %get3A_441 = arith.index_cast %add3A_440 : i32 to index
        %get3A_442 = arith.constant 0 : index
        %get3A_443 = tpu.vector_load %arg7[%get3A_441, %get3A_442] {strides = array<i32>} : memref<25x80xi32, #tpu.memory_space<vmem>>, vector<16xi32>,
        %swap3A_444 = arith.constant 0 : index
        %swap3A_445 = tpu.vector_load %arg11[%swap3A_444] {strides = array<i32>} : memref<80xi32, #tpu.memory_space<vmem>>, vector<16xi32>,
        tpu.vector_store %arg11[%swap3A_444], %get3A_443 {strides = array<i32>} : memref<80xi32, #tpu.memory_space<vmem>>, vector<16xi32>,
        %get3A_446 = arith.index_cast %add3A_440 : i32 to index
        %get3A_447 = arith.constant 16 : index
        %get3A_448 = tpu.vector_load %arg7[%get3A_446, %get3A_447] {strides = array<i32>} : memref<25x80xi32, #tpu.memory_space<vmem>>, vector<16xi32>,
        %swap3A_449 = arith.constant 16 : index
        %swap3A_450 = tpu.vector_load %arg11[%swap3A_449] {strides = array<i32>} : memref<80xi32, #tpu.memory_space<vmem>>, vector<16xi32>,
        tpu.vector_store %arg11[%swap3A_449], %get3A_448 {strides = array<i32>} : memref<80xi32, #tpu.memory_space<vmem>>, vector<16xi32>,
        %get3A_451 = arith.index_cast %add3A_440 : i32 to index
        %get3A_452 = arith.constant 32 : index
        %get3A_453 = tpu.vector_load %arg7[%get3A_451, %get3A_452] {strides = array<i32>} : memref<25x80xi32, #tpu.memory_space<vmem>>, vector<16xi32>,
        %swap3A_454 = arith.constant 32 : index
        %swap3A_455 = tpu.vector_load %arg11[%swap3A_454] {strides = array<i32>} : memref<80xi32, #tpu.memory_space<vmem>>, vector<16xi32>,
        tpu.vector_store %arg11[%swap3A_454], %get3A_453 {strides = array<i32>} : memref<80xi32, #tpu.memory_space<vmem>>, vector<16xi32>,
        %get3A_456 = arith.index_cast %add3A_440 : i32 to index
        %get3A_457 = arith.constant 48 : index
        %get3A_458 = tpu.vector_load %arg7[%get3A_456, %get3A_457] {strides = array<i32>} : memref<25x80xi32, #tpu.memory_space<vmem>>, vector<16xi32>,
        %swap3A_459 = arith.constant 48 : index
        %swap3A_460 = tpu.vector_load %arg11[%swap3A_459] {strides = array<i32>} : memref<80xi32, #tpu.memory_space<vmem>>, vector<16xi32>,
        tpu.vector_store %arg11[%swap3A_459], %get3A_458 {strides = array<i32>} : memref<80xi32, #tpu.memory_space<vmem>>, vector<16xi32>,
        %get3A_461 = arith.index_cast %add3A_440 : i32 to index
        %get3A_462 = arith.constant 64 : index
        %get3A_463 = tpu.vector_load %arg7[%get3A_461, %get3A_462] {strides = array<i32>} : memref<25x80xi32, #tpu.memory_space<vmem>>, vector<16xi32>,
        %swap3A_464 = arith.constant 64 : index
        %swap3A_465 = tpu.vector_load %arg11[%swap3A_464] {strides = array<i32>} : memref<80xi32, #tpu.memory_space<vmem>>, vector<16xi32>,
        tpu.vector_store %arg11[%swap3A_464], %get3A_463 {strides = array<i32>} : memref<80xi32, #tpu.memory_space<vmem>>, vector<16xi32>,
        %dma_wait3A_466 = arith.constant 0 : i32
        %dma_wait3A_467 = arith.constant 0 : i32
        %dma_wait3A_468 = tpu.memref_slice %arg8[%dma_wait3A_466, %dma_wait3A_467] : memref<25x80xi32, #tpu.memory_space<vmem>> -> memref<1x80xi32, #tpu.memory_space<vmem>>
        %dma_wait3A_469 = tpu.memref_squeeze %dma_wait3A_468 : memref<1x80xi32, #tpu.memory_space<vmem>> -> memref<80xi32, #tpu.memory_space<vmem>>
        %dma_wait3A_470 = arith.constant 0 : i32
        %dma_wait3A_471 = tpu.memref_slice %arg2[%dma_wait3A_470, %multiple_of3A] : memref<10000x256xf32, #tpu.memory_space<hbm>> -> memref<10000x128xf32, #tpu.memory_space<hbm>>
        tpu.wait_indirect_dma semaphore(%arg20 : memref<!tpu.dma_semaphore, #tpu.memory_space<semaphore_mem>>) src(%dma_wait3A_471 : memref<10000x128xf32, #tpu.memory_space<hbm>>) dst(%arg13 : memref<80x128xf32, #tpu.memory_space<vmem>>)
        %dma_start3A_472 = arith.constant 0 : i32
        %dma_start3A_473 = arith.constant 0 : i32
        %dma_start3A_474 = tpu.memref_slice %arg17[%dma_start3A_472, %dma_start3A_473] : memref<10000x128xf32, #tpu.memory_space<vmem_shared>> -> memref<10000x128xf32, #tpu.memory_space<vmem_shared>>
        tpu.enqueue_indirect_dma source(%arg13 : memref<80x128xf32, #tpu.memory_space<vmem>>) target(%dma_start3A_474 : memref<10000x128xf32, #tpu.memory_space<vmem_shared>>) offsets(%arg10 : memref<80xi32, #tpu.memory_space<vmem>>) semaphore(%arg23 : memref<!tpu.dma_semaphore, #tpu.memory_space<semaphore_mem>>) {add = true}
      }
      %scan3A_259 = arith.constant 7 : i32
      %dma_wait3A_260 = arith.constant 0 : i32
      %dma_wait3A_261 = arith.constant 0 : i32
      %dma_wait3A_262 = tpu.memref_slice %arg17[%dma_wait3A_260, %dma_wait3A_261] : memref<10000x128xf32, #tpu.memory_space<vmem_shared>> -> memref<10000x128xf32, #tpu.memory_space<vmem_shared>>
      tpu.wait_indirect_dma semaphore(%arg22 : memref<!tpu.dma_semaphore, #tpu.memory_space<semaphore_mem>>) src(%arg12 : memref<80x128xf32, #tpu.memory_space<vmem>>) dst(%dma_wait3A_262 : memref<10000x128xf32, #tpu.memory_space<vmem_shared>>)
      %dma_start3A_263 = arith.constant 24 : i32
      %dma_start3A_264 = arith.constant 0 : i32
      %dma_start3A_265 = tpu.memref_slice %arg8[%dma_start3A_263, %dma_start3A_264] : memref<25x80xi32, #tpu.memory_space<vmem>> -> memref<1x80xi32, #tpu.memory_space<vmem>>
      %dma_start3A_266 = tpu.memref_squeeze %dma_start3A_265 : memref<1x80xi32, #tpu.memory_space<vmem>> -> memref<80xi32, #tpu.memory_space<vmem>>
      %dma_start3A_267 = arith.constant 0 : i32
      %dma_start3A_268 = tpu.memref_slice %arg2[%dma_start3A_267, %multiple_of3A] : memref<10000x256xf32, #tpu.memory_space<hbm>> -> memref<10000x128xf32, #tpu.memory_space<hbm>>
      tpu.enqueue_indirect_dma source(%dma_start3A_268 : memref<10000x128xf32, #tpu.memory_space<hbm>>) target(%arg12 : memref<80x128xf32, #tpu.memory_space<vmem>>) offsets(%dma_start3A_266 : memref<80xi32, #tpu.memory_space<vmem>>) semaphore(%arg19 : memref<!tpu.dma_semaphore, #tpu.memory_space<semaphore_mem>>)
      %get3A_269 = arith.constant 24 : i32
      %get3A_270 = arith.index_cast %get3A_269 : i32 to index
      %get3A_271 = arith.constant 0 : index
      %get3A_272 = tpu.vector_load %arg7[%get3A_270, %get3A_271] {strides = array<i32>} : memref<25x80xi32, #tpu.memory_space<vmem>>, vector<16xi32>,
      %swap3A_273 = arith.constant 0 : index
      %swap3A_274 = tpu.vector_load %arg9[%swap3A_273] {strides = array<i32>} : memref<80xi32, #tpu.memory_space<vmem>>, vector<16xi32>,
      tpu.vector_store %arg9[%swap3A_273], %get3A_272 {strides = array<i32>} : memref<80xi32, #tpu.memory_space<vmem>>, vector<16xi32>,
      %get3A_275 = arith.constant 24 : i32
      %get3A_276 = arith.index_cast %get3A_275 : i32 to index
      %get3A_277 = arith.constant 16 : index
      %get3A_278 = tpu.vector_load %arg7[%get3A_276, %get3A_277] {strides = array<i32>} : memref<25x80xi32, #tpu.memory_space<vmem>>, vector<16xi32>,
      %swap3A_279 = arith.constant 16 : index
      %swap3A_280 = tpu.vector_load %arg9[%swap3A_279] {strides = array<i32>} : memref<80xi32, #tpu.memory_space<vmem>>, vector<16xi32>,
      tpu.vector_store %arg9[%swap3A_279], %get3A_278 {strides = array<i32>} : memref<80xi32, #tpu.memory_space<vmem>>, vector<16xi32>,
      %get3A_281 = arith.constant 24 : i32
      %get3A_282 = arith.index_cast %get3A_281 : i32 to index
      %get3A_283 = arith.constant 32 : index
      %get3A_284 = tpu.vector_load %arg7[%get3A_282, %get3A_283] {strides = array<i32>} : memref<25x80xi32, #tpu.memory_space<vmem>>, vector<16xi32>,
      %swap3A_285 = arith.constant 32 : index
      %swap3A_286 = tpu.vector_load %arg9[%swap3A_285] {strides = array<i32>} : memref<80xi32, #tpu.memory_space<vmem>>, vector<16xi32>,
      tpu.vector_store %arg9[%swap3A_285], %get3A_284 {strides = array<i32>} : memref<80xi32, #tpu.memory_space<vmem>>, vector<16xi32>,
      %get3A_287 = arith.constant 24 : i32
      %get3A_288 = arith.index_cast %get3A_287 : i32 to index
      %get3A_289 = arith.constant 48 : index
      %get3A_290 = tpu.vector_load %arg7[%get3A_288, %get3A_289] {strides = array<i32>} : memref<25x80xi32, #tpu.memory_space<vmem>>, vector<16xi32>,
      %swap3A_291 = arith.constant 48 : index
      %swap3A_292 = tpu.vector_load %arg9[%swap3A_291] {strides = array<i32>} : memref<80xi32, #tpu.memory_space<vmem>>, vector<16xi32>,
      tpu.vector_store %arg9[%swap3A_291], %get3A_290 {strides = array<i32>} : memref<80xi32, #tpu.memory_space<vmem>>, vector<16xi32>,
      %get3A_293 = arith.constant 24 : i32
      %get3A_294 = arith.index_cast %get3A_293 : i32 to index
      %get3A_295 = arith.constant 64 : index
      %get3A_296 = tpu.vector_load %arg7[%get3A_294, %get3A_295] {strides = array<i32>} : memref<25x80xi32, #tpu.memory_space<vmem>>, vector<16xi32>,
      %swap3A_297 = arith.constant 64 : index
      %swap3A_298 = tpu.vector_load %arg9[%swap3A_297] {strides = array<i32>} : memref<80xi32, #tpu.memory_space<vmem>>, vector<16xi32>,
      tpu.vector_store %arg9[%swap3A_297], %get3A_296 {strides = array<i32>} : memref<80xi32, #tpu.memory_space<vmem>>, vector<16xi32>,
      %dma_wait3A_299 = arith.constant 0 : i32
      %dma_wait3A_300 = arith.constant 0 : i32
      %dma_wait3A_301 = tpu.memref_slice %arg8[%dma_wait3A_299, %dma_wait3A_300] : memref<25x80xi32, #tpu.memory_space<vmem>> -> memref<1x80xi32, #tpu.memory_space<vmem>>
      %dma_wait3A_302 = tpu.memref_squeeze %dma_wait3A_301 : memref<1x80xi32, #tpu.memory_space<vmem>> -> memref<80xi32, #tpu.memory_space<vmem>>
      %dma_wait3A_303 = arith.constant 0 : i32
      %dma_wait3A_304 = tpu.memref_slice %arg2[%dma_wait3A_303, %multiple_of3A] : memref<10000x256xf32, #tpu.memory_space<hbm>> -> memref<10000x128xf32, #tpu.memory_space<hbm>>
      tpu.wait_indirect_dma semaphore(%arg21 : memref<!tpu.dma_semaphore, #tpu.memory_space<semaphore_mem>>) src(%dma_wait3A_304 : memref<10000x128xf32, #tpu.memory_space<hbm>>) dst(%arg14 : memref<80x128xf32, #tpu.memory_space<vmem>>)
      %dma_start3A_305 = arith.constant 0 : i32
      %dma_start3A_306 = arith.constant 0 : i32
      %dma_start3A_307 = tpu.memref_slice %arg17[%dma_start3A_305, %dma_start3A_306] : memref<10000x128xf32, #tpu.memory_space<vmem_shared>> -> memref<10000x128xf32, #tpu.memory_space<vmem_shared>>
      tpu.enqueue_indirect_dma source(%arg14 : memref<80x128xf32, #tpu.memory_space<vmem>>) target(%dma_start3A_307 : memref<10000x128xf32, #tpu.memory_space<vmem_shared>>) offsets(%arg11 : memref<80xi32, #tpu.memory_space<vmem>>) semaphore(%arg24 : memref<!tpu.dma_semaphore, #tpu.memory_space<semaphore_mem>>) {add = true}
      %dma_wait3A_308 = arith.constant 0 : i32
      %dma_wait3A_309 = arith.constant 0 : i32
      %dma_wait3A_310 = tpu.memref_slice %arg17[%dma_wait3A_308, %dma_wait3A_309] : memref<10000x128xf32, #tpu.memory_space<vmem_shared>> -> memref<10000x128xf32, #tpu.memory_space<vmem_shared>>
      tpu.wait_indirect_dma semaphore(%arg23 : memref<!tpu.dma_semaphore, #tpu.memory_space<semaphore_mem>>) src(%arg13 : memref<80x128xf32, #tpu.memory_space<vmem>>) dst(%dma_wait3A_310 : memref<10000x128xf32, #tpu.memory_space<vmem_shared>>)
      %dma_wait3A_311 = arith.constant 0 : i32
      %dma_wait3A_312 = arith.constant 0 : i32
      %dma_wait3A_313 = tpu.memref_slice %arg8[%dma_wait3A_311, %dma_wait3A_312] : memref<25x80xi32, #tpu.memory_space<vmem>> -> memref<1x80xi32, #tpu.memory_space<vmem>>
      %dma_wait3A_314 = tpu.memref_squeeze %dma_wait3A_313 : memref<1x80xi32, #tpu.memory_space<vmem>> -> memref<80xi32, #tpu.memory_space<vmem>>
      %dma_wait3A_315 = arith.constant 0 : i32
      %dma_wait3A_316 = tpu.memref_slice %arg2[%dma_wait3A_315, %multiple_of3A] : memref<10000x256xf32, #tpu.memory_space<hbm>> -> memref<10000x128xf32, #tpu.memory_space<hbm>>
      tpu.wait_indirect_dma semaphore(%arg19 : memref<!tpu.dma_semaphore, #tpu.memory_space<semaphore_mem>>) src(%dma_wait3A_316 : memref<10000x128xf32, #tpu.memory_space<hbm>>) dst(%arg12 : memref<80x128xf32, #tpu.memory_space<vmem>>)
      %dma_start3A_317 = arith.constant 0 : i32
      %dma_start3A_318 = arith.constant 0 : i32
      %dma_start3A_319 = tpu.memref_slice %arg17[%dma_start3A_317, %dma_start3A_318] : memref<10000x128xf32, #tpu.memory_space<vmem_shared>> -> memref<10000x128xf32, #tpu.memory_space<vmem_shared>>
      tpu.enqueue_indirect_dma source(%arg12 : memref<80x128xf32, #tpu.memory_space<vmem>>) target(%dma_start3A_319 : memref<10000x128xf32, #tpu.memory_space<vmem_shared>>) offsets(%arg9 : memref<80xi32, #tpu.memory_space<vmem>>) semaphore(%arg22 : memref<!tpu.dma_semaphore, #tpu.memory_space<semaphore_mem>>) {add = true}
      %dma_wait3A_320 = arith.constant 0 : i32
      %dma_wait3A_321 = arith.constant 0 : i32
      %dma_wait3A_322 = tpu.memref_slice %arg17[%dma_wait3A_320, %dma_wait3A_321] : memref<10000x128xf32, #tpu.memory_space<vmem_shared>> -> memref<10000x128xf32, #tpu.memory_space<vmem_shared>>
      tpu.wait_indirect_dma semaphore(%arg24 : memref<!tpu.dma_semaphore, #tpu.memory_space<semaphore_mem>>) src(%arg14 : memref<80x128xf32, #tpu.memory_space<vmem>>) dst(%dma_wait3A_322 : memref<10000x128xf32, #tpu.memory_space<vmem_shared>>)
      %dma_wait3A_323 = arith.constant 0 : i32
      %dma_wait3A_324 = arith.constant 0 : i32
      %dma_wait3A_325 = tpu.memref_slice %arg17[%dma_wait3A_323, %dma_wait3A_324] : memref<10000x128xf32, #tpu.memory_space<vmem_shared>> -> memref<10000x128xf32, #tpu.memory_space<vmem_shared>>
      tpu.wait_indirect_dma semaphore(%arg22 : memref<!tpu.dma_semaphore, #tpu.memory_space<semaphore_mem>>) src(%arg12 : memref<80x128xf32, #tpu.memory_space<vmem>>) dst(%dma_wait3A_325 : memref<10000x128xf32, #tpu.memory_space<vmem_shared>>)
    }
    %scan3A_100 = arith.constant 5 : i32
    "tpu.region"() ({
      %run_scoped3A = tpu.sem_alloc : memref<!tpu.dma_semaphore, #tpu.memory_space<semaphore_mem>>
      %dma_start3A_114 = arith.constant 0 : i32
      %dma_start3A_115 = arith.constant 0 : i32
      %dma_start3A_116 = tpu.memref_slice %arg18[%dma_start3A_114, %dma_start3A_115] : memref<80x128xf32, #tpu.memory_space<vmem_shared>> -> memref<80x128xf32, #tpu.memory_space<vmem_shared>>
      tpu.enqueue_indirect_dma source(%arg15 : memref<80x128xf32, #tpu.memory_space<vmem>>) target(%dma_start3A_116 : memref<80x128xf32, #tpu.memory_space<vmem_shared>>) offsets(%arg16 : memref<80xi32, #tpu.memory_space<vmem>>) semaphore(%run_scoped3A : memref<!tpu.dma_semaphore, #tpu.memory_space<semaphore_mem>>) {add = true}
      %dma_wait3A_117 = arith.constant 0 : i32
      %dma_wait3A_118 = arith.constant 0 : i32
      %dma_wait3A_119 = tpu.memref_slice %arg18[%dma_wait3A_117, %dma_wait3A_118] : memref<80x128xf32, #tpu.memory_space<vmem_shared>> -> memref<80x128xf32, #tpu.memory_space<vmem_shared>>
      tpu.wait_indirect_dma semaphore(%run_scoped3A : memref<!tpu.dma_semaphore, #tpu.memory_space<semaphore_mem>>) src(%arg15 : memref<80x128xf32, #tpu.memory_space<vmem>>) dst(%dma_wait3A_119 : memref<80x128xf32, #tpu.memory_space<vmem_shared>>)
      tpu.yield
    }) : () -> ()
    %barrier3A_101 = arith.constant 0 : index
    tpu.barrier barrier_id(%barrier3A_101)
    %mul3A_102 = arith.constant 624 : i32
    %mul3A_103 = arith.muli %arg1, %mul3A_102 : i32
    "tpu.region"() ({
      %run_scoped3A = tpu.sem_alloc : memref<!tpu.dma_semaphore, #tpu.memory_space<semaphore_mem>>
      %dma_start3A_114 = arith.constant 0 : i32
      %dma_start3A_115 = tpu.memref_slice %arg5[%arg0, %mul3A_103, %dma_start3A_114] : memref<2x10000x128xf32, #tpu.memory_space<hbm>> -> memref<1x624x128xf32, #tpu.memory_space<hbm>>
      %dma_start3A_116 = tpu.memref_squeeze %dma_start3A_115 : memref<1x624x128xf32, #tpu.memory_space<hbm>> -> memref<624x128xf32, #tpu.memory_space<hbm>>
      %dma_start3A_117 = arith.constant 0 : i32
      %dma_start3A_118 = tpu.memref_slice %arg17[%mul3A_103, %dma_start3A_117] : memref<10000x128xf32, #tpu.memory_space<vmem_shared>> -> memref<624x128xf32, #tpu.memory_space<vmem_shared>>
      tpu.enqueue_dma source(%dma_start3A_118 : memref<624x128xf32, #tpu.memory_space<vmem_shared>>) target(%dma_start3A_116 : memref<624x128xf32, #tpu.memory_space<hbm>>) target_semaphore(%run_scoped3A : memref<!tpu.dma_semaphore, #tpu.memory_space<semaphore_mem>>)
      %dma_wait3A_119 = arith.constant 0 : i32
      %dma_wait3A_120 = tpu.memref_slice %arg5[%arg0, %mul3A_103, %dma_wait3A_119] : memref<2x10000x128xf32, #tpu.memory_space<hbm>> -> memref<1x624x128xf32, #tpu.memory_space<hbm>>
      %dma_wait3A_121 = tpu.memref_squeeze %dma_wait3A_120 : memref<1x624x128xf32, #tpu.memory_space<hbm>> -> memref<624x128xf32, #tpu.memory_space<hbm>>
      %dma_wait3A_122 = arith.constant 0 : i32
      %dma_wait3A_123 = tpu.memref_slice %arg17[%mul3A_103, %dma_wait3A_122] : memref<10000x128xf32, #tpu.memory_space<vmem_shared>> -> memref<624x128xf32, #tpu.memory_space<vmem_shared>>
      tpu.wait_dma2 semaphore(%run_scoped3A : memref<!tpu.dma_semaphore, #tpu.memory_space<semaphore_mem>>) src(%dma_wait3A_123 : memref<624x128xf32, #tpu.memory_space<vmem_shared>>) dst(%dma_wait3A_121 : memref<624x128xf32, #tpu.memory_space<hbm>>)
      tpu.yield
    }) : () -> ()
    %eq3A_104 = arith.constant 15 : i32
    %eq3A_105 = arith.cmpi eq, %arg1, %eq3A_104 : i32
    %convert_element_type3A_106 = arith.extui %eq3A_105 : i1 to i32
    %cond3A_107 = arith.constant 0 : i32
    %cond3A_108 = arith.cmpi ne, %convert_element_type3A_106, %cond3A_107 : i32
    scf.if %cond3A_108 {
      "tpu.region"() ({
        %run_scoped3A = tpu.sem_alloc : memref<!tpu.dma_semaphore, #tpu.memory_space<semaphore_mem>>
        %dma_start3A_114 = arith.constant 9984 : i32
        %dma_start3A_115 = arith.constant 0 : i32
        %dma_start3A_116 = tpu.memref_slice %arg5[%arg0, %dma_start3A_114, %dma_start3A_115] : memref<2x10000x128xf32, #tpu.memory_space<hbm>> -> memref<1x16x128xf32, #tpu.memory_space<hbm>>
        %dma_start3A_117 = tpu.memref_squeeze %dma_start3A_116 : memref<1x16x128xf32, #tpu.memory_space<hbm>> -> memref<16x128xf32, #tpu.memory_space<hbm>>
        %dma_start3A_118 = arith.constant 9984 : i32
        %dma_start3A_119 = arith.constant 0 : i32
        %dma_start3A_120 = tpu.memref_slice %arg17[%dma_start3A_118, %dma_start3A_119] : memref<10000x128xf32, #tpu.memory_space<vmem_shared>> -> memref<16x128xf32, #tpu.memory_space<vmem_shared>>
        tpu.enqueue_dma source(%dma_start3A_120 : memref<16x128xf32, #tpu.memory_space<vmem_shared>>) target(%dma_start3A_117 : memref<16x128xf32, #tpu.memory_space<hbm>>) target_semaphore(%run_scoped3A : memref<!tpu.dma_semaphore, #tpu.memory_space<semaphore_mem>>)
        %dma_wait3A_121 = arith.constant 9984 : i32
        %dma_wait3A_122 = arith.constant 0 : i32
        %dma_wait3A_123 = tpu.memref_slice %arg5[%arg0, %dma_wait3A_121, %dma_wait3A_122] : memref<2x10000x128xf32, #tpu.memory_space<hbm>> -> memref<1x16x128xf32, #tpu.memory_space<hbm>>
        %dma_wait3A_124 = tpu.memref_squeeze %dma_wait3A_123 : memref<1x16x128xf32, #tpu.memory_space<hbm>> -> memref<16x128xf32, #tpu.memory_space<hbm>>
        %dma_wait3A_125 = arith.constant 9984 : i32
        %dma_wait3A_126 = arith.constant 0 : i32
        %dma_wait3A_127 = tpu.memref_slice %arg17[%dma_wait3A_125, %dma_wait3A_126] : memref<10000x128xf32, #tpu.memory_space<vmem_shared>> -> memref<16x128xf32, #tpu.memory_space<vmem_shared>>
        tpu.wait_dma2 semaphore(%run_scoped3A : memref<!tpu.dma_semaphore, #tpu.memory_space<semaphore_mem>>) src(%dma_wait3A_127 : memref<16x128xf32, #tpu.memory_space<vmem_shared>>) dst(%dma_wait3A_124 : memref<16x128xf32, #tpu.memory_space<hbm>>)
        tpu.yield
      }) : () -> ()
    } else {
    }
    %eq3A_109 = arith.constant 0 : i32
    %eq3A_110 = arith.cmpi eq, %arg1, %eq3A_109 : i32
    %convert_element_type3A_111 = arith.extui %eq3A_110 : i1 to i32
    %cond3A_112 = arith.constant 0 : i32
    %cond3A_113 = arith.cmpi ne, %convert_element_type3A_111, %cond3A_112 : i32
    scf.if %cond3A_113 {
      "tpu.region"() ({
        %run_scoped3A = tpu.sem_alloc : memref<!tpu.dma_semaphore, #tpu.memory_space<semaphore_mem>>
        %dma_start3A_114 = arith.constant 0 : i32
        %dma_start3A_115 = arith.constant 0 : i32
        %dma_start3A_116 = tpu.memref_slice %arg6[%arg0, %dma_start3A_114, %dma_start3A_115] : memref<2x80x128xf32, #tpu.memory_space<hbm>> -> memref<1x80x128xf32, #tpu.memory_space<hbm>>
        %dma_start3A_117 = tpu.memref_squeeze %dma_start3A_116 : memref<1x80x128xf32, #tpu.memory_space<hbm>> -> memref<80x128xf32, #tpu.memory_space<hbm>>
        tpu.enqueue_dma source(%arg18 : memref<80x128xf32, #tpu.memory_space<vmem_shared>>) target(%dma_start3A_117 : memref<80x128xf32, #tpu.memory_space<hbm>>) target_semaphore(%run_scoped3A : memref<!tpu.dma_semaphore, #tpu.memory_space<semaphore_mem>>)
        %dma_wait3A_118 = arith.constant 0 : i32
        %dma_wait3A_119 = arith.constant 0 : i32
        %dma_wait3A_120 = tpu.memref_slice %arg6[%arg0, %dma_wait3A_118, %dma_wait3A_119] : memref<2x80x128xf32, #tpu.memory_space<hbm>> -> memref<1x80x128xf32, #tpu.memory_space<hbm>>
        %dma_wait3A_121 = tpu.memref_squeeze %dma_wait3A_120 : memref<1x80x128xf32, #tpu.memory_space<hbm>> -> memref<80x128xf32, #tpu.memory_space<hbm>>
        tpu.wait_dma2 semaphore(%run_scoped3A : memref<!tpu.dma_semaphore, #tpu.memory_space<semaphore_mem>>) src(%arg18 : memref<80x128xf32, #tpu.memory_space<vmem_shared>>) dst(%dma_wait3A_121 : memref<80x128xf32, #tpu.memory_space<hbm>>)
        tpu.yield
      }) : () -> ()
    } else {
    }
    return
  }
}

module attributes {stable_mosaic.version = 14 : i64} {
  func.func @body(%arg0: i32, %arg1: memref<1000x128xf32, #tpu.memory_space<vmem>>, %arg2: memref<1000x128xf32, #tpu.memory_space<vmem>>, %arg3: memref<1000x1xf32, #tpu.memory_space<vmem>>, %arg4: memref<128x256xf32, #tpu.memory_space<vmem>>, %arg5: memref<128x256xf32, #tpu.memory_space<vmem>>, %arg6: memref<1000x256xf32, #tpu.memory_space<vmem>>) attributes {dimension_semantics = [#tpu.dimension_semantics<arbitrary>], iteration_bounds = array<i64: 10>, scalar_prefetch = 0 : i64, scratch_operands = 0 : i64, tpu.core_type = #tpu.core_type<tc>, window_params = [{transform_indices = @transform_0, window_bounds = array<i64: 1000, 128>}, {transform_indices = @transform_1, window_bounds = array<i64: 1000, 128>}, {transform_indices = @transform_2, window_bounds = array<i64: 1000, 1>}, {pipeline_mode = #tpu.pipeline_mode<synchronous>, transform_indices = @transform_3, window_bounds = array<i64: 128, 256>}, {pipeline_mode = #tpu.pipeline_mode<synchronous>, transform_indices = @transform_4, window_bounds = array<i64: 128, 256>}, {transform_indices = @transform_5, window_bounds = array<i64: 1000, 256>}]} {
    %get3A = arith.constant 0 : index
    %get3A_0 = arith.constant 0 : index
    %get3A_1 = vector.load %arg1[%get3A, %get3A_0] : memref<1000x128xf32, #tpu.memory_space<vmem>>, vector<1000x128xf32>
    %get3A_2 = arith.constant 0 : index
    %get3A_3 = arith.constant 0 : index
    %get3A_4 = vector.load %arg2[%get3A_2, %get3A_3] : memref<1000x128xf32, #tpu.memory_space<vmem>>, vector<1000x128xf32>
    %get3A_5 = arith.constant 0 : index
    %get3A_6 = arith.constant 0 : index
    %get3A_7 = vector.load %arg3[%get3A_5, %get3A_6] : memref<1000x1xf32, #tpu.memory_space<vmem>>, vector<1000x1xf32>
    %max3A = arith.constant 1.000000e+00 : f32
    %max3A_8 = vector.broadcast %max3A : f32 to vector<1000x1xf32>
    %max3A_9 = arith.maximumf %get3A_7, %max3A_8 : vector<1000x1xf32>
    %div3A = arith.constant 1.000000e+00 : f32
    %div3A_10 = vector.broadcast %div3A : f32 to vector<1000x1xf32>
    %div3A_11 = arith.divf %div3A_10, %max3A_9 : vector<1000x1xf32>
    %get3A_12 = arith.constant 0 : index
    %get3A_13 = arith.constant 0 : index
    %get3A_14 = vector.load %arg4[%get3A_12, %get3A_13] : memref<128x256xf32, #tpu.memory_space<vmem>>, vector<128x256xf32>
    %dot_general3A = arith.constant dense<0.000000e+00> : vector<1000x256xf32>
    %dot_general3A_15 = tpu.matmul %get3A_1, %get3A_14, %dot_general3A {dimension_numbers = #tpu.dot_dimension_numbers<[1], [0], [0], [1], [0, 0, 1, 1], [], []>, transpose_lhs_hint = false} : vector<1000x128xf32>, vector<128x256xf32>, vector<1000x256xf32> -> vector<1000x256xf32>
    %get3A_16 = arith.constant 0 : index
    %get3A_17 = arith.constant 0 : index
    %get3A_18 = vector.load %arg5[%get3A_16, %get3A_17] : memref<128x256xf32, #tpu.memory_space<vmem>>, vector<128x256xf32>
    %dot_general3A_19 = arith.constant dense<0.000000e+00> : vector<1000x256xf32>
    %dot_general3A_20 = tpu.matmul %get3A_4, %get3A_18, %dot_general3A_19 {dimension_numbers = #tpu.dot_dimension_numbers<[1], [0], [0], [1], [0, 0, 1, 1], [], []>, transpose_lhs_hint = false} : vector<1000x128xf32>, vector<128x256xf32>, vector<1000x256xf32> -> vector<1000x256xf32>
    %add3A = arith.addf %dot_general3A_15, %dot_general3A_20 : vector<1000x256xf32>
    %mul3A = vector.broadcast %div3A_11 : vector<1000x1xf32> to vector<1000x256xf32>
    %mul3A_21 = arith.mulf %add3A, %mul3A : vector<1000x256xf32>
    %swap3A = arith.constant 0 : index
    %swap3A_22 = arith.constant 0 : index
    %swap3A_23 = vector.load %arg6[%swap3A, %swap3A_22] : memref<1000x256xf32, #tpu.memory_space<vmem>>, vector<1000x256xf32>
    tpu.vector_store %arg6[%swap3A, %swap3A_22], %mul3A_21 {strides = array<i32>} : memref<1000x256xf32, #tpu.memory_space<vmem>>, vector<1000x256xf32>,
    return
  }
  func.func @transform_0(%arg0: i32) -> (i32, i32) {
    %c0_i32 = arith.constant 0 : i32
    %c0_i32_0 = arith.constant 0 : i32
    return %arg0, %c0_i32 : i32, i32
  }
  func.func @transform_1(%arg0: i32) -> (i32, i32) {
    %c0_i32 = arith.constant 0 : i32
    %c0_i32_0 = arith.constant 0 : i32
    return %arg0, %c0_i32 : i32, i32
  }
  func.func @transform_2(%arg0: i32) -> (i32, i32) {
    %c0_i32 = arith.constant 0 : i32
    %c0_i32_0 = arith.constant 0 : i32
    return %arg0, %c0_i32 : i32, i32
  }
  func.func @transform_3(%arg0: i32) -> (i32, i32) {
    %c0_i32 = arith.constant 0 : i32
    %c0_i32_0 = arith.constant 0 : i32
    %c0_i32_1 = arith.constant 0 : i32
    return %c0_i32, %c0_i32_0 : i32, i32
  }
  func.func @transform_4(%arg0: i32) -> (i32, i32) {
    %c0_i32 = arith.constant 0 : i32
    %c0_i32_0 = arith.constant 0 : i32
    %c0_i32_1 = arith.constant 0 : i32
    return %c0_i32, %c0_i32_0 : i32, i32
  }
  func.func @transform_5(%arg0: i32) -> (i32, i32) {
    %c0_i32 = arith.constant 0 : i32
    %c0_i32_0 = arith.constant 0 : i32
    return %arg0, %c0_i32 : i32, i32
  }
}

</mosaic_0001>

<sc_bundles>
// kernel: kernel.4.cloned.1.call-start
scs
__scs_entry_jumppad:
0x0: {  	(pc) =	sbr.rel $0x88, $3  }
0x1: {  	(tag) =	ssettag $0x0;
	lr =	simm.s32 $0x1  }
0x2: {  	[smem:$0x3F9E] =	sst lr;
	_ =	strace $0xD0000000  }
0x3: {  	_ = 	snop  }
0x4: {  	_ = 	snop  }
0x5: {  	_ = 	snop  }
0x6: {  	_ = 	snop  }
0x7: {  	_ = 	snop  }
__scs_overlays_trampoline_lowered:
0x8: {  	[smem:$0x3FAD] =	sst s0  }
0x9: {  	[smem:$0x3FAE] =	sst s1  }
0xa: {  	[smem:$0x3FAF] =	sst s2  }
0xb: {  	[smem:$0x3FB0] =	sst s3  }
0xc: {  	[smem:$0x3FB1] =	sst s4  }
0xd: {  	[smem:$0x3FB2] =	sst s5  }
0xe: {  	[smem:$0x3FB3] =	sst s6  }
0xf: {  	[smem:$0x3FB4] =	sst s7  }
0x10: {  	[smem:$0x3FB5] =	sst s8  }
0x11: {  	[smem:$0x3FB6] =	sst s9;
	s0 =	simm.s32 @!p0 $0x0  }
0x12: {  	s1 =	sld [smem:$0x3F9C];
	s0 =	simm.s32 @p0 $0x1  }
0x13: {  	[smem:$0x3FB7] =	sst s0;
	s0 =	simm.s32 @!p1 $0x0  }
0x14: {  	s2 =	sld [smem:$0x3F9B];
	s0 =	simm.s32 @p1 $0x1  }
0x15: {  	[smem:$0x3FB8] =	sst s0;
	s0 =	simm.s32 @!p2 $0x0  }
0x16: {  	s3 =	sld [smem:$0x3FDB];
	s0 =	simm.s32 @p2 $0x1  }
0x17: {  	s4 =	simm.s32 $0x1BF5;
	[smem:$0x3FBA] =	sst s0  }
0x18: {  	s0 =	sld [smem:$0x3F9D];
	_ =	swait.ge [sflag:s4], $0x0  }
0x19: {  	s7 =	sld [smem:$0x3F9E]  }
0x1a: {  	s8 =	sadd.s32 $0xFFFFE003, lr  }
0x1b: {  	s9 =	sadd.s32 $0xFFFFFEF7, lr;
	s5 =	simm.s32 $0xFFFFFFFF;
	p2 =	slt.u32 s8, $0xFFFFF086  }
0x1c: {  	p1 =	slt.u32 s9, $0xF7A;
	s5 =	simm.s32 @!p2 $0x0  }
0x1d: {  	s5 =	simm.s32 @p1 $0x1;
	p0 =	seq.s32 s7, s2  }
0x1e: {  	s7 =	smul.u32 @!p0 $0xF7A, s2;
	p2 =	seq.s32 @!p0 s5, $0x0  }
0x1f: {  	s9 =	smul.u32 $0xF7A, s1;
	s8 =	simm.s32 @!p0 $0x1BF5;
	p2 =	por !p2, p0  }
0x20: {  	[sflag:s8] =	ssyncset.s32 @!p0 $0xFFFFF086;
	s6 =	sadd.s32 @!p0 s3, s7;
	s7 =	simm.s32 @!p0 $0x108  }
0x21: {  	s3 =	sadd.s32 s3, s9;
	s6 =	sadd.s32 @!p0 $0x88, s6;
	s7 =	simm.s32 @p2 $0x1082  }
0x22: {  	[simem:s7], [sflag:s8] =	dma.local @!p0 [hbm:s6], $0xF7A  }
0x23: {  	s9 =	sor.u32 $0xD0000000, s2;
	s6 =	simm.s32 $0x108;
	_ =	swait.ge @!p0 [sflag:s8], $0x0  }
0x24: {  	s3 =	sadd.s32 $0x88, s3;
	s6 =	simm.s32 @!p1 $0x1082;
	[sflag:s4] =	ssyncset.s32 $0xFFFFF086  }
0x25: {  	[simem:s6], [sflag:s4] =	dma.local [hbm:s3], $0xF7A  }
0x26: {  	[smem:$0x3F9E] =	sst s1;
	(tag) =	ssettag s2;
	_ =	strace s9  }
0x27: {  	s1 =	sld [smem:$0x3FAE]  }
0x28: {  	s2 =	sld [smem:$0x3FAF]  }
0x29: {  	s4 =	sld [smem:$0x3FB1]  }
0x2a: {  	p0 =	seq.s32 s5, $0x0;
	s5 =	sld [smem:$0x3FB2]  }
0x2b: {  	s6 =	sld [smem:$0x3FB3]  }
0x2c: {  	s7 =	sld [smem:$0x3FB4]  }
0x2d: {  	s3 =	simm.s32 $0x108;
	s8 =	sld [smem:$0x3FB5]  }
0x2e: {  	s3 =	simm.s32 @!p0 $0x1082;
	s9 =	sld [smem:$0x3FB6]  }
0x2f: {  	lr =	sadd.s32 s0, s3;
	s0 =	sld [smem:$0x3FAD]  }
0x30: {  	s3 =	sld [smem:$0x3FB0]  }
0x31: {  	[smem:$0x3FB9] =	sst s10  }
0x32: {  	s10 =	sld [smem:$0x3FB7];
	_ =	sdelay $0x3  }
0x33: {  	p0 =	seq.s32 s10, $0x1;
	s10 =	sld [smem:$0x3FB9];
	_ =	sdelay $0x3  }
0x34: {  	[smem:$0x3FB9] =	sst s10  }
0x35: {  	s10 =	sld [smem:$0x3FB8];
	_ =	sdelay $0x3  }
0x36: {  	p1 =	seq.s32 s10, $0x1;
	s10 =	sld [smem:$0x3FB9];
	_ =	sdelay $0x3  }
0x37: {  	[smem:$0x3FB9] =	sst s10  }
0x38: {  	s10 =	sld [smem:$0x3FBA]  }
0x39: {  	_ = 	snop;
	(pc) =	sbr.ind lr, $3  }
0x3a: {  	_ = 	snop  }
0x3b: {  	_ = 	snop  }
0x3c: {  	p2 =	seq.s32 s10, $0x1;
	s10 =	sld [smem:$0x3FB9]  }
0x3d: {  	_ =	shalt  }
0x3e: {  	_ =	shalt  }
0x3f: {  	_ =	shalt  }
0x40: {  	_ =	shalt  }
0x41: {  	_ =	shalt  }
0x42: {  	_ =	shalt  }
0x43: {  	_ =	shalt  }
0x44: {  	_ =	shalt  }
0x45: {  	_ =	shalt  }
0x46: {  	_ =	shalt  }
0x47: {  	_ =	shalt  }
0x48: {  	_ =	shalt  }
0x49: {  	_ =	shalt  }
0x4a: {  	_ =	shalt  }
0x4b: {  	_ =	shalt  }
0x4c: {  	_ =	shalt  }
0x4d: {  	_ =	shalt  }
0x4e: {  	_ =	shalt  }
0x4f: {  	_ =	shalt  }
0x50: {  	_ =	shalt  }
0x51: {  	_ =	shalt  }
0x52: {  	_ =	shalt  }
0x53: {  	_ =	shalt  }
0x54: {  	_ =	shalt  }
0x55: {  	_ =	shalt  }
0x56: {  	_ =	shalt  }
0x57: {  	_ =	shalt  }
0x58: {  	_ =	shalt  }
0x59: {  	_ =	shalt  }
0x5a: {  	_ =	shalt  }
0x5b: {  	_ =	shalt  }
0x5c: {  	_ =	shalt  }
0x5d: {  	_ =	shalt  }
0x5e: {  	_ =	shalt  }
0x5f: {  	_ =	shalt  }
0x60: {  	_ =	shalt  }
0x61: {  	_ =	shalt  }
0x62: {  	_ =	shalt  }
0x63: {  	_ =	shalt  }
0x64: {  	_ =	shalt  }
0x65: {  	_ =	shalt  }
0x66: {  	_ =	shalt  }
0x67: {  	_ =	shalt  }
0x68: {  	_ =	shalt  }
0x69: {  	_ =	shalt  }
0x6a: {  	_ =	shalt  }
0x6b: {  	_ =	shalt  }
0x6c: {  	_ =	shalt  }
0x6d: {  	_ =	shalt  }
0x6e: {  	_ =	shalt  }
0x6f: {  	_ =	shalt  }
0x70: {  	_ =	shalt  }
0x71: {  	_ =	shalt  }
0x72: {  	_ =	shalt  }
0x73: {  	_ =	shalt  }
0x74: {  	_ =	shalt  }
0x75: {  	_ =	shalt  }
0x76: {  	_ =	shalt  }
0x77: {  	_ =	shalt  }
0x78: {  	_ =	shalt  }
0x79: {  	_ =	shalt  }
0x7a: {  	_ =	shalt  }
0x7b: {  	_ =	shalt  }
0x7c: {  	_ =	shalt  }
0x7d: {  	_ =	shalt  }
0x7e: {  	_ =	shalt  }
0x7f: {  	_ =	shalt  }
0x80: {  	_ =	shalt  }
0x81: {  	_ =	shalt  }
0x82: {  	_ =	shalt  }
0x83: {  	_ =	shalt  }
0x84: {  	_ =	shalt  }
0x85: {  	_ =	shalt  }
0x86: {  	_ =	shalt  }
0x87: {  	_ =	shalt  }
.Lfunc_end0:
.L_simem_size_0:
called_computation_lowered:
.L_overlay_start_0:
0x88: {  	s2 =	sld [smem:$0x3FD9]  }
0x89: {  	s3 =	sld [smem:$0x3FFE];
	_ =	sdelay $0x1  }
0x8a: {  	s1 =	srdreg.scid  }
0x8b: {  	s0 =	sand.u32 $0x1, s1  }
0x8c: {  	s17 =	sshll.u32 s0, $0xA;
	s2 =	sadd.s32 s3, s2  }
0x8d: {  	s2 =	sadd.s32 s2, s17  }
0x8e: {  	[smem:$0x3FC5] =	sst s2  }
0x8f: {  	_ = 	snop  }
0x90: {  	s2 =	sld [smem:$0x3FC9]  }
0x91: {  	s18 =	sld [smem:$0x3FD0];
	(tm) =	ssettm $0x1  }
0x92: {  	s4 =	sld [smem:$0x3FFB];
	_ =	sdelay $0x3  }
0x93: {  	_ =	strace s4  }
0x94: {  	s4 =	sld [smem:$0x3FFC];
	_ =	sdelay $0x3  }
0x95: {  	_ =	strace s4  }
0x96: {  	s4 =	sld [smem:$0x3FFD];
	_ =	sdelay $0x3  }
0x97: {  	_ =	strace s4  }
0x98: {  	_ =	strace $0x8FFFFFFF  }
0x99: {  	s19 =	sld [smem:$0x3FDB];
	_ =	sdelay $0x1  }
0x9a: {  	s5 =	simm.s32 $_scs_section_size  }
0x9b: {  	s6 =	simm.s32 $_size__tile_overlayer_lowered;
	s7 =	simm.s32 $_tile_overlayer_lowered  }
0x9c: {  	s22 =	simm.s32 $0x1BFF;
	s21 =	sshll.u32 s7, $0x1;
	s4 =	sadd.s32 s5, s19  }
0x9d: {  	s8 =	simm.s32 $0x0;
	s20 =	sshll.u32 s6, $0x1;
	s6 =	sadd.s32 s21, s4  }
0x9e: {  	[timem:s8], [sflag:s22] =	dma.local [hbm:s6], s20  }
0x9f: {  	_ =	swait.ge [sflag:s22], s20  }
0xa0: {  	s5 =	ssub.s32 $0x0, s20;
	[sflag:s22] =	ssyncset.done $0x0  }
0xa1: {  	[sflag:s22] =	ssyncadd.s32 s5;
	_ =	sdelay $0x1  }
0xa2: {  	s23 =	simm.s32 $0x1B8B  }
0xa3: {  	_ =	swait.ge [sflag:s23], $0x1  }
0xa4: {  	[sflag:s23] =	ssyncset.done $0x0  }
0xa5: {  	s25 =	simm.s32 $0x1B8E;
	s24 =	sld [smem:$0x3FFE];
	[sflag:s23] =	ssyncadd.s32 $0xFFFFFFFF  }
0xa6: {  	s26 =	simm.s32 $execute0_lowered;
	[smem:$0x3FD2] =	sst s25  }
0xa7: {  	s6 =	sshll.u32 s26, $0x1;
	_ =	strace $0x80000046;
	[dreg:$0x1] =	wrdreg $0xFFFFFFFF  }
0xa8: {  	s28 =	simm.s32 $_size_execute0_lowered;
	s4 =	sadd.s32 s4, s6;
	[dreg:$0x0] =	wrdreg $0x0  }
0xa9: {  	s6 =	sshll.u32 s28, $0x1;
	[dreg:$0x2] =	wrdreg s4  }
0xaa: {  	[dreg:$0x3] =	wrdreg s6  }
0xab: {  	[dreg:$0x4] =	wrdreg $0xC0  }
0xac: {  	_ =	task [dreg:s8], $0x5FFFF  }
0xad: {  	[dreg:$0x1] =	wrdreg $0xFFFFFFFF  }
0xae: {  	[dreg:$0x0] =	wrdreg $0x60  }
0xaf: {  	[dreg:$0x2] =	wrdreg s2  }
0xb0: {  	[dreg:$0x3] =	wrdreg s24  }
0xb1: {  	[dreg:$0x4] =	wrdreg s18  }
0xb2: {  	[dreg:$0x5] =	wrdreg $0xC2000  }
0xb3: {  	[dreg:$0x6] =	wrdreg $0x1FA800  }
0xb4: {  	[dreg:$0x7] =	wrdreg $0x9  }
0xb5: {  	_ =	task.clear_ibuf [dreg:s8], $0x8FFFF;
	_ =	strace $0x90000046  }
0xb6: {  	s29 =	simm.s32 $0x9;
	_ =	strace $0x80000048  }
0xb7: {  	_ =	swait.ge [sflag:s29], $0x1  }
0xb8: {  	[sflag:s29] =	ssyncadd.s32 $0xFFFFFFFF  }
0xb9: {  	_ =	strace $0x90000048  }
0xba: {  	_ =	sfence  }
0xbb: {  	s30 =	sld [smem:$0x0];
	_ =	sdelay $0x2  }
0xbc: {  	s31 =	sshll.u32 s1, $0xD;
	s1 =	sshrl.u32 s1, $0x2  }
0xbd: {  	s3 =	sand.u32 $0x4000, s31;
	s1 =	sadd.s32 s1, s30  }
0xbe: {  	s0 =	sor.u32 s3, s0;
	s1 =	sshll.u32 s1, $0x11  }
0xbf: {  	s0 =	sor.u32 s1, s0  }
0xc0: {  	s0 =	sadd.s32 $0x8F2B, s0  }
0xc1: {  	[sflag:s0] =	ssyncadd.remote.s32 $0x1  }
0xc2: {  	_ =	sfence.sel $0xFFFF  }
0xc3: {  	[dreg:$0x0] =	wrdreg $0xFFFFFFFF;
	(pc) =	sbr.abs _section_cstart, $3  }
0xc4: {  	[dreg:$0x1] =	wrdreg $0xFFFFFFFF  }
0xc5: {  	_ =	task.clear_ibuf [dreg:s8], $0x2FFFF;
	_ =	strace $0x9FFFFFFF  }
0xc6: {  	(tm) =	ssettm $0x7FFFFFFF  }
0xc7: {  	_ =	shalt  }
tec
execute0_lowered:
.L_overlay_start_1:
0x0: {  	(tag) =	ssettag $0x1  }
0x1: {  	s0 =	rddreg [dreg:$0x0]  }
0x2: {  	s2 =	rddreg [dreg:$0x1]  }
0x3: {  	s4 =	rddreg [dreg:$0x2]  }
0x4: {  	s1 =	rddreg [dreg:$0x3]  }
0x5: {  	s3 =	simm.s32 $0x0;
	s5 =	srdreg.scid;
	s12 =	stileid.u32  }
0x6: {  	s28 =	simm.s32 $0x9280;
	s30 =	simm.s32 $0x9300;
	s31 =	simm.s32 $0x9400  }
0x7: {  	s29 =	simm.s32 $0x9380;
	[smem:$0x7FF] =	sst s3;
	s20 =	smul.u32 $0x4E000, s12  }
0x8: {  	s5 =	sand.u32 $0x1, s5;
	s7 =	sadd.s32 $0xA600, s2;
	s21 =	smul.u32 $0x5000, s12  }
0x9: {  	s8 =	sadd.s32 $0x600, s2;
	s26 =	smul.u32 $0x13800, s12;
	s10 =	sadd.s32 $0x138000, s1  }
0xa: {  	p0 =	seq.s32 s12, $0x0;
	p5 =	sne.s32 s12, $0xF;
	s6 =	smul.u32 $0x500, s5  }
0xb: {  	_ =	strace $0x80000047;
	[dreg:$0x6] =	wrdreg s7;
	s23 =	smul.u32 $0xD, s5  }
0xc: {  	[dreg:$0x7] =	wrdreg s8;
	s22 =	ssub.s32 $0x2, s5;
	s24 =	smul.u32 $0x138800, s5  }
0xd: {  	[dreg:$0xb] =	wrdreg s10;
	s14 =	smul.u32 $0xC, s5;
	s11 =	sshll.u32 s5, $0x7  }
0xe: {  	p4 =	sne.s32 @!p0 s12, $0xF;
	s12 =	simm.s32 $0x50;
	s10 =	simm.s32 $0x9680  }
0xf: {  	[dreg:$0x8] =	wrdreg s21;
	s7 =	sshrl.u32 s20, $0x2;
	s9 =	sshrl.u32 s22, $0x1  }
0x10: {  	s11 =	sadd.s32 s0, s11;
	s20 =	smul.u32 $0x1800, s5;
	p2 =	por p4, p0  }
0x11: {  	s2 =	sadd.s32 s6, s2;
	s13 =	sadd.s32 s7, s1;
	s6 =	ssub.s32 s22, s9  }
0x12: {  	s8 =	sadd.s32 $0xC, s23;
	s9 =	sadd.s32 s26, s24;
	s7 =	sshrl.u32 s24, $0x3  }
0x13: {  	s26 =	sor.u32 $0xC, s5;
	s5 =	simm.s32 $0x0;
	[dreg:$0x9] =	wrdreg s13  }
0x14: {  	s25 =	sadd.s32 $0x11800, s13;
	s15 =	sshrl.u32 s9, $0x3;
	[dreg:$0x16] =	wrdreg s26  }
0x15: {  	s7 =	sadd.s32 s4, s7;
	s17 =	sadd.s32 $0x14600, s2;
	[dreg:$0xa] =	wrdreg s25  }
0x16: {  	s18 =	smax.u32 s6, $0x1;
	s19 =	sadd.s32 $0x2800, s13;
	[dreg:$0xe] =	wrdreg s17  }
0x17: {  	s21 =	sadd.s32 $0x5000, s13;
	s22 =	sadd.s32 $0x7800, s13;
	[dreg:$0xf] =	wrdreg s18  }
0x18: {  	s23 =	sadd.s32 $0xA000, s13;
	s24 =	sadd.s32 $0xC800, s13;
	[dreg:$0x10] =	wrdreg s19  }
0x19: {  	p1 =	sge.u32 s14, s8;
	s2 =	simm.s32 @!p2 $0x0;
	[dreg:$0x11] =	wrdreg s21  }
0x1a: {  	s8 =	simm.s32 $0x9580;
	s14 =	simm.s32 $0x9500;
	[dreg:$0x12] =	wrdreg s22  }
0x1b: {  	s9 =	simm.s32 $0x9180;
	s6 =	simm.s32 $0x3;
	[dreg:$0x13] =	wrdreg s23  }
0x1c: {  	s0 =	sadd.s32 s4, s15;
	s16 =	sadd.s32 $0x27000, s7;
	[dreg:$0x14] =	wrdreg s24  }
0x1d: {  	s25 =	sadd.s32 $0xF000, s13;
	s2 =	simm.s32 @p2 $0x1;
	p2 =	por !p4, p0  }
0x1e: {  	v0 =	vlaneseq.u32;
	v1 =	vimm.f32 $0.0e+00;
	v6 =	vimm.s32 $0x7;
	s4 =	simm.s32 $0x9980;
	s7 =	simm.s32 $0x7180;
	s13 =	simm.s32 $0x9700  }
0x1f: {  	v7 =	vimm.s32 $0x1;
	v8 =	vimm.s32 $0x0;
	vm0 =	vmmov $0x1;
	s24 =	simm.s32 $0x9200;
	s15 =	simm.s32 $0x2;
	[dreg:$0xc] =	wrdreg s0  }
0x20: {  	v10 =	vimm.s32 $0x2;
	v11 =	vimm.s32 $0x3;
	v12 =	vimm.s32 $0x4;
	s19 =	simm.s32 $0x4;
	s23 =	simm.s32 $0x5;
	[dreg:$0xd] =	wrdreg s16  }
0x21: {  	v13 =	vimm.s32 $0x5;
	v14 =	vimm.s32 $0x6;
	v15 =	vimm.s32 $0x8;
	s22 =	simm.s32 $0x6;
	p4 =	por $0x0, $0x0;
	[dreg:$0x15] =	wrdreg s25  }
0x22: {  	v16 =	vimm.s32 $0x9;
	v17 =	vimm.s32 $0xA;
	v18 =	vimm.s32 $0xB;
	s18 =	simm.s32 $0x2180;
	s0 =	sshrl.u32 s20, $0x2;
	[smem:$0x7FC] =	sst s2  }
0x23: {  	v19 =	vimm.s32 $0xC;
	v20 =	vimm.s32 $0xD;
	v21 =	vimm.s32 $0xE;
	s2 =	simm.s32 @!p2 $0x0;
	s25 =	simm.s32 $0x1;
	s0 =	sor.u32 $0x20, s0  }
0x24: {  	v22 =	vimm.s32 $0xF;
	v2 =	vor.u32 $0x10, v0;
	v3 =	vor.u32 $0x20, v0;
	s20 =	simm.s32 $0x9480;
	s2 =	simm.s32 @p2 $0x1;
	[dreg:$0x17] =	wrdreg s0  }
0x25: {  	v4 =	vor.u32 $0x30, v0;
	v5 =	vor.u32 $0x40, v0;
	v9 =	vmul.u32 $0x8, v0;
	s0 =	simm.s32 $0x2180;
	[smem:$0x7FD] =	sst s2;
	s2 =	simm.s32 $0x4980  }
.LBB2_1:
0x26: {  	s16 =	simm.s32 $0x0;
	s26 =	simm.s32 $0x200  }
.LBB2_2:
0x27: {  	p6 =	sne.s32 s26, $0x9E00;
	[tilespmem:s16+$0x21F0] =	vst v1  }
0x28: {  	[tilespmem:s16+$0x2180] =	vst v1  }
0x29: {  	[tilespmem:s16+$0x2190] =	vst v1  }
.Ltmp0:
0x2a: {  	[tilespmem:s16+$0x21A0] =	vst v1;
	(pc) =	sbr.rel @p6 .LBB2_2-.Ltmp0, $4  }
0x2b: {  	[tilespmem:s16+$0x21B0] =	vst v1  }
0x2c: {  	[tilespmem:s16+$0x21C0] =	vst v1  }
0x2d: {  	[tilespmem:s16+$0x21D0] =	vst v1  }
0x2e: {  	[tilespmem:s16+$0x21E0] =	vst v1;
	s16 =	sshra.s32 s26, $0x2;
	s26 =	sadd.s32 $0x200, s26  }
0x2f: {  	[tilespmem:s16+$0x21F0] =	vst v1  }
0x30: {  	[tilespmem:s16+$0x2180] =	vst v1  }
0x31: {  	[tilespmem:s16+$0x2190] =	vst v1  }
0x32: {  	[tilespmem:s16+$0x21A0] =	vst v1  }
0x33: {  	[tilespmem:s16+$0x21B0] =	vst v1  }
0x34: {  	[tilespmem:s16+$0x21C0] =	vst v1  }
0x35: {  	[tilespmem:s16+$0x21D0] =	vst v1  }
0x36: {  	[tilespmem:s16+$0x21E0] =	vst v1;
	s16 =	simm.s32 $0x0;
	s26 =	simm.s32 $0x200  }
.LBB2_4:
0x37: {  	p6 =	sne.s32 s26, $0x9E00;
	[tilespmem:s16+$0x99F0] =	vst v1  }
0x38: {  	[tilespmem:s16+$0x9980] =	vst v1  }
0x39: {  	[tilespmem:s16+$0x9990] =	vst v1  }
.Ltmp1:
0x3a: {  	[tilespmem:s16+$0x99A0] =	vst v1;
	(pc) =	sbr.rel @p6 .LBB2_4-.Ltmp1, $4  }
0x3b: {  	[tilespmem:s16+$0x99B0] =	vst v1  }
0x3c: {  	[tilespmem:s16+$0x99C0] =	vst v1  }
0x3d: {  	[tilespmem:s16+$0x99D0] =	vst v1  }
0x3e: {  	[tilespmem:s16+$0x99E0] =	vst v1;
	s16 =	sshra.s32 s26, $0x2;
	s26 =	sadd.s32 $0x200, s26  }
0x3f: {  	[tilespmem:s16+$0x99F0] =	vst v1  }
0x40: {  	[tilespmem:s16+$0x9980] =	vst v1  }
0x41: {  	[tilespmem:s16+$0x9990] =	vst v1  }
0x42: {  	[tilespmem:s16+$0x99A0] =	vst v1  }
0x43: {  	[tilespmem:s16+$0x99B0] =	vst v1  }
0x44: {  	[tilespmem:s16+$0x99C0] =	vst v1  }
0x45: {  	[tilespmem:s16+$0x99D0] =	vst v1  }
0x46: {  	[tilespmem:s16+$0x99E0] =	vst v1  }
0x47: {  	[tilespmem:$0xC180] =	vst v0  }
0x48: {  	[tilespmem:$0xC190] =	vst v2  }
0x49: {  	[dreg:$0x18] =	wrdreg s5;
	[tilespmem:$0xC1A0] =	vst v3  }
0x4a: {  	s21 =	rddreg [dreg:$0x9];
	[tilespmem:$0xC1B0] =	vst v4  }
0x4b: {  	s26 =	rddreg [dreg:$0x10];
	[tilespmem:$0xC1C0] =	vst v5  }
0x4c: {  	[spmem:s21] =	stream.linear.scatter [tilespmem:s0], [sflag:$0x1], $0x2800, $0x38;
	[tilespmem:$0x1FD00] =	vst v63  }
0x4d: {  	s5 =	rddreg [dreg:$0x11]  }
0x4e: {  	[spmem:s26] =	stream.linear.scatter [tilespmem:s0], [sflag:$0x1], $0x2800, $0x38;
	[tilespmem:$0x1FD00] =	vst v63  }
0x4f: {  	s17 =	rddreg [dreg:$0x12]  }
0x50: {  	[spmem:s5] =	stream.linear.scatter [tilespmem:s0], [sflag:$0x1], $0x2800, $0x38;
	[tilespmem:$0x1FD00] =	vst v63  }
0x51: {  	s21 =	rddreg [dreg:$0x13]  }
0x52: {  	[spmem:s17] =	stream.linear.scatter [tilespmem:s0], [sflag:$0x1], $0x2800, $0x38;
	[tilespmem:$0x1FD00] =	vst v63  }
0x53: {  	s26 =	rddreg [dreg:$0x14]  }
0x54: {  	[spmem:s21] =	stream.linear.scatter [tilespmem:s0], [sflag:$0x1], $0x2800, $0x38;
	[tilespmem:$0x1FD00] =	vst v63  }
0x55: {  	s5 =	rddreg [dreg:$0x15]  }
0x56: {  	[spmem:s26] =	stream.linear.scatter [tilespmem:s0], [sflag:$0x1], $0x2800, $0x38;
	[tilespmem:$0x1FD00] =	vst v63  }
0x57: {  	s21 =	sld [smem:$0x7FC]  }
0x58: {  	[spmem:s5] =	stream.linear.scatter [tilespmem:s0], [sflag:$0x1], $0x2800, $0x38;
	[tilespmem:$0x1FD00] =	vst v63  }
0x59: {  	s17 =	rddreg [dreg:$0xa]  }
0x5a: {  	[spmem:s17] =	stream.linear.scatter [tilespmem:s0], [sflag:$0x1], $0x2000, $0x38;
	[tilespmem:$0x1FD00] =	vst v63  }
0x5b: {  	s16 =	simm.s32 @p0 $0x2180;
	s26 =	rddreg [dreg:$0x4];
	p2 =	seq.s32 s21, $0x1  }
0x5c: {  	[spmem:s26] =	stream.linear.scatter @p0 [tilespmem:s16], [sflag:$0x2], $0x2800, $0x38;
	[tilespmem:$0x1FD00] =	vst v63  }
0x5d: {  	s16 =	simm.s32 @!p2 $0x2180;
	s26 =	rddreg [dreg:$0xb]  }
0x5e: {  	[spmem:s26] =	stream.linear.scatter @!p2 [tilespmem:s16], [sflag:$0x2], $0x800, $0x38;
	[tilespmem:$0x1FD00] =	vst v63  }
0x5f: {  	_ =	swait.ge [sflag:s25], $0x2800  }
0x60: {  	[sflag:s25] =	ssyncset.done $0x0  }
0x61: {  	[sflag:s25] =	ssyncadd.s32 $0xFFFFD800  }
0x62: {  	_ =	swait.ge [sflag:s25], $0x2800  }
0x63: {  	[sflag:s25] =	ssyncset.done $0x0  }
0x64: {  	[sflag:s25] =	ssyncadd.s32 $0xFFFFD800  }
0x65: {  	_ =	swait.ge [sflag:s25], $0x2800  }
0x66: {  	[sflag:s25] =	ssyncset.done $0x0  }
0x67: {  	[sflag:s25] =	ssyncadd.s32 $0xFFFFD800  }
0x68: {  	_ =	swait.ge [sflag:s25], $0x2800  }
0x69: {  	[sflag:s25] =	ssyncset.done $0x0  }
0x6a: {  	[sflag:s25] =	ssyncadd.s32 $0xFFFFD800  }
0x6b: {  	_ =	swait.ge [sflag:s25], $0x2800  }
0x6c: {  	[sflag:s25] =	ssyncset.done $0x0  }
0x6d: {  	[sflag:s25] =	ssyncadd.s32 $0xFFFFD800  }
0x6e: {  	_ =	swait.ge [sflag:s25], $0x2800  }
0x6f: {  	[sflag:s25] =	ssyncset.done $0x0  }
0x70: {  	[sflag:s25] =	ssyncadd.s32 $0xFFFFD800  }
0x71: {  	_ =	swait.ge [sflag:s25], $0x2800  }
0x72: {  	[sflag:s25] =	ssyncset.done $0x0  }
0x73: {  	[sflag:s25] =	ssyncadd.s32 $0xFFFFD800  }
0x74: {  	_ =	swait.ge [sflag:s25], $0x2000  }
0x75: {  	s26 =	sld [smem:$0x7FD];
	_ =	sdelay $0x1  }
0x76: {  	p2 =	por @!p2 $0x0, $0x0;
	[sflag:s25] =	ssyncset.done $0x0  }
0x77: {  	s16 =	simm.s32 @!p5 $0x2;
	[sflag:s25] =	ssyncadd.s32 $0xFFFFE000;
	p3 =	seq.s32 s26, $0x1  }
0x78: {  	p6 =	por @p0 $0x1, $0x1;
	_ =	swait.ge @!p5 [sflag:s16], $0x800;
	p2 =	por @!p3 p4, p4  }
0x79: {  	[sflag:s16] =	ssyncset.done @!p5 $0x0;
	p6 =	por @!p0 p2, p2  }
0x7a: {  	[sflag:s16] =	ssyncadd.s32 @!p5 $0xFFFFF800;
	s16 =	simm.s32 @p6 $0x2  }
0x7b: {  	_ =	swait.ge @p6 [sflag:s16], $0x2800  }
0x7c: {  	[sflag:s16] =	ssyncset.done @p6 $0x0  }
0x7d: {  	[sflag:s16] =	ssyncadd.s32 @p6 $0xFFFFD800  }
0x7e: {  	s5 =	simm.s32 $0x0;
	[bflag:$0x0] =	sbarrier.arrive $0xFFFF  }
.LBB2_6:
0x7f: {  	s16 =	sshll.u32 s5, $0xC;
	s26 =	rddreg [dreg:$0x8]  }
0x80: {  	s16 =	sadd.s32 s26, s16  }
0x81: {  	s21 =	rddreg [dreg:$0x6];
	s16 =	sshrl.u32 s16, $0x3  }
0x82: {  	[dreg:$0x19] =	wrdreg s5;
	s26 =	sadd.s32 s21, s16;
	s21 =	simm.s32 $0x7  }
0x83: {  	[tilespmem:s3], [sflag:$0x7] =	stream.linear.gather [hbm4b:s26+s3], $0xC80, $0x38;
	[tilespmem:$0x1FD00] =	vst v63  }
0x84: {  	_ =	swait.ge [sflag:s21], $0xC80  }
0x85: {  	s17 =	simm.s32 $0x1000;
	[sflag:s21] =	ssyncset.done $0x0;
	s5 =	rddreg [dreg:$0x7]  }
.Ltmp2:
0x86: {  	[sflag:s21] =	ssyncadd.s32 $0xFFFFF380;
	s16 =	sadd.s32 s5, s16;
	(pc) =	sbr.rel @p1 .LBB2_8-.Ltmp2, $4  }
0x87: {  	[tilespmem:s17], [sflag:$0x7] =	stream.linear.gather [hbm4b:s16+s3], $0xC80, $0x38;
	[tilespmem:$0x1FD00] =	vst v63  }
0x88: {  	_ =	swait.ge [sflag:s21], $0xC80  }
0x89: {  	[sflag:s21] =	ssyncset.done $0x0;
	s16 =	rddreg [dreg:$0x17]  }
0x8a: {  	s26 =	rddreg [dreg:$0x16];
	[sflag:s21] =	ssyncadd.s32 $0xFFFFF380  }
.LBB2_7:
0x8b: {  	v23 =	vld [tilespmem:s16+$0xFFFFFFE0];
	_ =	sdelay $0x4  }
0x8c: {  	(xrf1) =	vunique.msk.u32 $0xffff, v23;
	_ =	sdelay $0xd  }
0x8d: {  	_, v24, vm1 =	vpop (xrf1);
	_ =	sdelay $0x3  }
0x8e: {  	v24 =	vcvt.s32.f32 v24;
	_ =	sdelay $0x1  }
0x8f: {  	[tilespmem:v23+s4+$0x0] =	vst.idx.add.f32.msk vm1, v24  }
0x90: {  	v23 =	vld [tilespmem:s16+$0xFFFFFFF0];
	_ =	sdelay $0x4  }
0x91: {  	(xrf1) =	vunique.msk.u32 $0xffff, v23;
	_ =	sdelay $0xd  }
0x92: {  	_, v24, vm1 =	vpop (xrf1);
	_ =	sdelay $0x3  }
0x93: {  	v24 =	vcvt.s32.f32 v24;
	_ =	sdelay $0x1  }
0x94: {  	[tilespmem:v23+s4+$0x0] =	vst.idx.add.f32.msk vm1, v24  }
0x95: {  	v23 =	vld [tilespmem:s16+$0x0];
	_ =	sdelay $0x4  }
0x96: {  	(xrf1) =	vunique.msk.u32 $0xffff, v23;
	_ =	sdelay $0xd  }
0x97: {  	_, v24, vm1 =	vpop (xrf1);
	_ =	sdelay $0x3  }
0x98: {  	v24 =	vcvt.s32.f32 v24;
	_ =	sdelay $0x1  }
0x99: {  	[tilespmem:v23+s4+$0x0] =	vst.idx.add.f32.msk vm1, v24  }
0x9a: {  	v23 =	vld [tilespmem:s16+$0x10];
	_ =	sdelay $0x4  }
0x9b: {  	(xrf1) =	vunique.msk.u32 $0xffff, v23;
	_ =	sdelay $0xd  }
0x9c: {  	_, v24, vm1 =	vpop (xrf1);
	_ =	sdelay $0x3  }
0x9d: {  	v24 =	vcvt.s32.f32 v24;
	_ =	sdelay $0x1  }
0x9e: {  	[tilespmem:v23+s4+$0x0] =	vst.idx.add.f32.msk vm1, v24  }
0x9f: {  	v23 =	vld [tilespmem:s16+$0x20];
	_ =	sdelay $0x4  }
0xa0: {  	(xrf1) =	vunique.msk.u32 $0xffff, v23;
	_ =	sdelay $0xd  }
0xa1: {  	_, v24, vm1 =	vpop (xrf1)  }
0xa2: {  	p2 =	sne.s32 s26, $0x1  }
.Ltmp3:
0xa3: {  	_ = 	snop;
	(pc) =	sbr.rel @p2 .LBB2_7-.Ltmp3, $3  }
0xa4: {  	_ = 	snop  }
0xa5: {  	v24 =	vcvt.s32.f32 v24;
	_ =	sdelay $0x1  }
0xa6: {  	s26 =	sadd.s32 $0xFFFFFFFF, s26;
	s16 =	sadd.s32 $0x80, s16;
	[tilespmem:v23+s4+$0x0] =	vst.idx.add.f32.msk vm1, v24  }
.LBB2_8:
0xa7: {  	v23 =	vld [tilespmem:$0x1000];
	_ =	sdelay $0x4  }
0xa8: {  	v24 =	vshll.u32 v23, $0x1  }
0xa9: {  	v23 =	vand.u32 $0x7, v23;
	v24 =	vand.u32 $0xFFFFFFF0, v24  }
0xaa: {  	v23 =	vor.u32 v23, v24  }
0xab: {  	v24 =	vperm.xlane v23, v8;
	_ =	sdelay $0x1  }
0xac: {  	v25 =	vperm.xlane v23, v7;
	v24 =	vadd.s32 v9, v24;
	_ =	sdelay $0x1  }
0xad: {  	v26 =	vperm.xlane v23, v10;
	v25 =	vadd.s32 v9, v25;
	_ =	sdelay $0x1  }
0xae: {  	v27 =	vperm.xlane v23, v11;
	v26 =	vadd.s32 v9, v26  }
0xaf: {  	[tilespmem:s0], [sflag:$0x1] =	stream.indirect_vreg.gather [hbm4b:s11+s3], $0x80, v24, vm0, $0xb8;
	[tilespmem:$0x1FD00] =	vst v63  }
0xb0: {  	s16 =	simm.s32 $0x2200;
	v31 =	vperm.xlane v23, v12;
	v30 =	vadd.s32 v9, v27  }
0xb1: {  	[tilespmem:s16], [sflag:$0x1] =	stream.indirect_vreg.gather [hbm4b:s11+s3], $0x80, v25, vm0, $0xb8;
	[tilespmem:$0x1FD00] =	vst v63  }
0xb2: {  	s17 =	simm.s32 $0x2280;
	v33 =	vperm.xlane v23, v13;
	v32 =	vadd.s32 v9, v31  }
0xb3: {  	[tilespmem:s17], [sflag:$0x1] =	stream.indirect_vreg.gather [hbm4b:s11+s3], $0x80, v26, vm0, $0xb8;
	[tilespmem:$0x1FD00] =	vst v63  }
0xb4: {  	s21 =	simm.s32 $0x2300;
	v35 =	vperm.xlane v23, v14;
	v34 =	vadd.s32 v9, v33  }
0xb5: {  	[tilespmem:s21], [sflag:$0x1] =	stream.indirect_vreg.gather [hbm4b:s11+s3], $0x80, v30, vm0, $0xb8;
	[tilespmem:$0x1FD00] =	vst v63  }
0xb6: {  	s26 =	simm.s32 $0x2380;
	v37 =	vperm.xlane v23, v6;
	v36 =	vadd.s32 v9, v35  }
0xb7: {  	[tilespmem:s26], [sflag:$0x1] =	stream.indirect_vreg.gather [hbm4b:s11+s3], $0x80, v32, vm0, $0xb8;
	[tilespmem:$0x1FD00] =	vst v63  }
0xb8: {  	s4 =	simm.s32 $0x2400;
	v39 =	vperm.xlane v23, v15;
	v38 =	vadd.s32 v9, v37  }
0xb9: {  	[tilespmem:s4], [sflag:$0x1] =	stream.indirect_vreg.gather [hbm4b:s11+s3], $0x80, v34, vm0, $0xb8;
	[tilespmem:$0x1FD00] =	vst v63  }
0xba: {  	s5 =	simm.s32 $0x2480;
	v41 =	vperm.xlane v23, v16;
	v40 =	vadd.s32 v9, v39  }
0xbb: {  	[tilespmem:s5], [sflag:$0x1] =	stream.indirect_vreg.gather [hbm4b:s11+s3], $0x80, v36, vm0, $0xb8;
	[tilespmem:$0x1FD00] =	vst v63  }
0xbc: {  	v43 =	vperm.xlane v23, v17;
	v42 =	vadd.s32 v9, v41;
	s16 =	simm.s32 $0x2500  }
0xbd: {  	[tilespmem:s16], [sflag:$0x1] =	stream.indirect_vreg.gather [hbm4b:s11+s3], $0x80, v38, vm0, $0xb8;
	[tilespmem:$0x1FD00] =	vst v63  }
0xbe: {  	v45 =	vperm.xlane v23, v18;
	v44 =	vadd.s32 v9, v43;
	s17 =	simm.s32 $0x2580  }
0xbf: {  	[tilespmem:s17], [sflag:$0x1] =	stream.indirect_vreg.gather [hbm4b:s11+s3], $0x80, v40, vm0, $0xb8;
	[tilespmem:$0x1FD00] =	vst v63  }
0xc0: {  	v47 =	vperm.xlane v23, v19;
	v46 =	vadd.s32 v9, v45;
	s21 =	simm.s32 $0x2600  }
0xc1: {  	[tilespmem:s21], [sflag:$0x1] =	stream.indirect_vreg.gather [hbm4b:s11+s3], $0x80, v42, vm0, $0xb8;
	[tilespmem:$0x1FD00] =	vst v63  }
0xc2: {  	v49 =	vperm.xlane v23, v20;
	v48 =	vadd.s32 v9, v47;
	s26 =	simm.s32 $0x2680  }
0xc3: {  	[tilespmem:s26], [sflag:$0x1] =	stream.indirect_vreg.gather [hbm4b:s11+s3], $0x80, v44, vm0, $0xb8;
	[tilespmem:$0x1FD00] =	vst v63  }
0xc4: {  	v51 =	vperm.xlane v23, v21;
	v50 =	vadd.s32 v9, v49;
	s4 =	simm.s32 $0x2700  }
0xc5: {  	[tilespmem:s4], [sflag:$0x1] =	stream.indirect_vreg.gather [hbm4b:s11+s3], $0x80, v46, vm0, $0xb8;
	[tilespmem:$0x1FD00] =	vst v63  }
0xc6: {  	v23 =	vperm.xlane v23, v22;
	v52 =	vadd.s32 v9, v51;
	s5 =	simm.s32 $0x2780  }
0xc7: {  	[tilespmem:s5], [sflag:$0x1] =	stream.indirect_vreg.gather [hbm4b:s11+s3], $0x80, v48, vm0, $0xb8;
	[tilespmem:$0x1FD00] =	vst v63  }
0xc8: {  	v23 =	vadd.s32 v9, v23;
	s16 =	simm.s32 $0x2800  }
0xc9: {  	[tilespmem:s16], [sflag:$0x1] =	stream.indirect_vreg.gather [hbm4b:s11+s3], $0x80, v50, vm0, $0xb8;
	[tilespmem:$0x1FD00] =	vst v63  }
0xca: {  	s17 =	simm.s32 $0x2880  }
0xcb: {  	[tilespmem:s17], [sflag:$0x1] =	stream.indirect_vreg.gather [hbm4b:s11+s3], $0x80, v52, vm0, $0xb8;
	[tilespmem:$0x1FD00] =	vst v63  }
0xcc: {  	s21 =	simm.s32 $0x2900  }
0xcd: {  	[tilespmem:s21], [sflag:$0x1] =	stream.indirect_vreg.gather [hbm4b:s11+s3], $0x80, v23, vm0, $0xb8;
	[tilespmem:$0x1FD00] =	vst v63  }
0xce: {  	v23 =	vld [tilespmem:$0x1010];
	_ =	sdelay $0x4  }
0xcf: {  	v53 =	vshll.u32 v23, $0x1  }
0xd0: {  	v23 =	vand.u32 $0x7, v23;
	v24 =	vand.u32 $0xFFFFFFF0, v53  }
0xd1: {  	v23 =	vor.u32 v23, v24  }
0xd2: {  	v24 =	vperm.xlane v23, v8;
	_ =	sdelay $0x1  }
0xd3: {  	v54 =	vperm.xlane v23, v7;
	v24 =	vadd.s32 v9, v24;
	_ =	sdelay $0x1  }
0xd4: {  	v55 =	vperm.xlane v23, v10;
	v25 =	vadd.s32 v9, v54;
	_ =	sdelay $0x1  }
0xd5: {  	s26 =	simm.s32 $0x2980;
	v56 =	vperm.xlane v23, v11;
	v26 =	vadd.s32 v9, v55  }
0xd6: {  	[tilespmem:s26], [sflag:$0x1] =	stream.indirect_vreg.gather [hbm4b:s11+s3], $0x80, v24, vm0, $0xb8;
	[tilespmem:$0x1FD00] =	vst v63  }
0xd7: {  	s4 =	simm.s32 $0x2A00;
	v58 =	vperm.xlane v23, v12;
	v57 =	vadd.s32 v9, v56  }
0xd8: {  	[tilespmem:s4], [sflag:$0x1] =	stream.indirect_vreg.gather [hbm4b:s11+s3], $0x80, v25, vm0, $0xb8;
	[tilespmem:$0x1FD00] =	vst v63  }
0xd9: {  	s5 =	simm.s32 $0x2A80;
	v60 =	vperm.xlane v23, v13;
	v59 =	vadd.s32 v9, v58  }
0xda: {  	[tilespmem:s5], [sflag:$0x1] =	stream.indirect_vreg.gather [hbm4b:s11+s3], $0x80, v26, vm0, $0xb8;
	[tilespmem:$0x1FD00] =	vst v63  }
0xdb: {  	s16 =	simm.s32 $0x2B00;
	v62 =	vperm.xlane v23, v14;
	v61 =	vadd.s32 v9, v60  }
0xdc: {  	[tilespmem:s16], [sflag:$0x1] =	stream.indirect_vreg.gather [hbm4b:s11+s3], $0x80, v57, vm0, $0xb8;
	[tilespmem:$0x1FD00] =	vst v63  }
0xdd: {  	s17 =	simm.s32 $0x2B80;
	v30 =	vperm.xlane v23, v6;
	v63 =	vadd.s32 v9, v62  }
0xde: {  	[tilespmem:s17], [sflag:$0x1] =	stream.indirect_vreg.gather [hbm4b:s11+s3], $0x80, v59, vm0, $0xb8;
	[tilespmem:$0x1FD00] =	vst v63  }
0xdf: {  	s21 =	simm.s32 $0x2C00;
	v32 =	vperm.xlane v23, v15;
	v31 =	vadd.s32 v9, v30  }
0xe0: {  	[tilespmem:s21], [sflag:$0x1] =	stream.indirect_vreg.gather [hbm4b:s11+s3], $0x80, v61, vm0, $0xb8;
	[tilespmem:$0x1FD00] =	vst v63  }
0xe1: {  	v34 =	vperm.xlane v23, v16;
	v33 =	vadd.s32 v9, v32;
	s26 =	simm.s32 $0x2C80  }
0xe2: {  	[tilespmem:s26], [sflag:$0x1] =	stream.indirect_vreg.gather [hbm4b:s11+s3], $0x80, v63, vm0, $0xb8;
	[tilespmem:$0x1FD00] =	vst v63  }
0xe3: {  	v36 =	vperm.xlane v23, v17;
	v35 =	vadd.s32 v9, v34;
	s4 =	simm.s32 $0x2D00  }
0xe4: {  	[tilespmem:s4], [sflag:$0x1] =	stream.indirect_vreg.gather [hbm4b:s11+s3], $0x80, v31, vm0, $0xb8;
	[tilespmem:$0x1FD00] =	vst v63  }
0xe5: {  	v38 =	vperm.xlane v23, v18;
	v37 =	vadd.s32 v9, v36;
	s5 =	simm.s32 $0x2D80  }
0xe6: {  	[tilespmem:s5], [sflag:$0x1] =	stream.indirect_vreg.gather [hbm4b:s11+s3], $0x80, v33, vm0, $0xb8;
	[tilespmem:$0x1FD00] =	vst v63  }
0xe7: {  	v40 =	vperm.xlane v23, v19;
	v39 =	vadd.s32 v9, v38;
	s16 =	simm.s32 $0x2E00  }
0xe8: {  	[tilespmem:s16], [sflag:$0x1] =	stream.indirect_vreg.gather [hbm4b:s11+s3], $0x80, v35, vm0, $0xb8;
	[tilespmem:$0x1FD00] =	vst v63  }
0xe9: {  	v42 =	vperm.xlane v23, v20;
	v41 =	vadd.s32 v9, v40;
	s17 =	simm.s32 $0x2E80  }
0xea: {  	[tilespmem:s17], [sflag:$0x1] =	stream.indirect_vreg.gather [hbm4b:s11+s3], $0x80, v37, vm0, $0xb8;
	[tilespmem:$0x1FD00] =	vst v63  }
0xeb: {  	v44 =	vperm.xlane v23, v21;
	v43 =	vadd.s32 v9, v42;
	s21 =	simm.s32 $0x2F00  }
0xec: {  	[tilespmem:s21], [sflag:$0x1] =	stream.indirect_vreg.gather [hbm4b:s11+s3], $0x80, v39, vm0, $0xb8;
	[tilespmem:$0x1FD00] =	vst v63  }
0xed: {  	v23 =	vperm.xlane v23, v22;
	v45 =	vadd.s32 v9, v44;
	s26 =	simm.s32 $0x2F80  }
0xee: {  	[tilespmem:s26], [sflag:$0x1] =	stream.indirect_vreg.gather [hbm4b:s11+s3], $0x80, v41, vm0, $0xb8;
	[tilespmem:$0x1FD00] =	vst v63  }
0xef: {  	v23 =	vadd.s32 v9, v23;
	s4 =	simm.s32 $0x3000  }
0xf0: {  	[tilespmem:s4], [sflag:$0x1] =	stream.indirect_vreg.gather [hbm4b:s11+s3], $0x80, v43, vm0, $0xb8;
	[tilespmem:$0x1FD00] =	vst v63  }
0xf1: {  	s5 =	simm.s32 $0x3080  }
0xf2: {  	[tilespmem:s5], [sflag:$0x1] =	stream.indirect_vreg.gather [hbm4b:s11+s3], $0x80, v45, vm0, $0xb8;
	[tilespmem:$0x1FD00] =	vst v63  }
0xf3: {  	s16 =	simm.s32 $0x3100  }
0xf4: {  	[tilespmem:s16], [sflag:$0x1] =	stream.indirect_vreg.gather [hbm4b:s11+s3], $0x80, v23, vm0, $0xb8;
	[tilespmem:$0x1FD00] =	vst v63  }
0xf5: {  	v23 =	vld [tilespmem:$0x1020];
	_ =	sdelay $0x4  }
0xf6: {  	v46 =	vshll.u32 v23, $0x1  }
0xf7: {  	v23 =	vand.u32 $0x7, v23;
	v24 =	vand.u32 $0xFFFFFFF0, v46  }
0xf8: {  	v23 =	vor.u32 v23, v24  }
0xf9: {  	v24 =	vperm.xlane v23, v8;
	_ =	sdelay $0x1  }
0xfa: {  	v47 =	vperm.xlane v23, v7;
	v24 =	vadd.s32 v9, v24;
	_ =	sdelay $0x1  }
0xfb: {  	v48 =	vperm.xlane v23, v10;
	v25 =	vadd.s32 v9, v47;
	_ =	sdelay $0x1  }
0xfc: {  	s17 =	simm.s32 $0x3180;
	v49 =	vperm.xlane v23, v11;
	v26 =	vadd.s32 v9, v48  }
0xfd: {  	[tilespmem:s17], [sflag:$0x1] =	stream.indirect_vreg.gather [hbm4b:s11+s3], $0x80, v24, vm0, $0xb8;
	[tilespmem:$0x1FD00] =	vst v63  }
0xfe: {  	s21 =	simm.s32 $0x3200;
	v51 =	vperm.xlane v23, v12;
	v50 =	vadd.s32 v9, v49  }
0xff: {  	[tilespmem:s21], [sflag:$0x1] =	stream.indirect_vreg.gather [hbm4b:s11+s3], $0x80, v25, vm0, $0xb8;
	[tilespmem:$0x1FD00] =	vst v63  }
0x100: {  	s26 =	simm.s32 $0x3280;
	v53 =	vperm.xlane v23, v13;
	v52 =	vadd.s32 v9, v51  }
0x101: {  	[tilespmem:s26], [sflag:$0x1] =	stream.indirect_vreg.gather [hbm4b:s11+s3], $0x80, v26, vm0, $0xb8;
	[tilespmem:$0x1FD00] =	vst v63  }
0x102: {  	s4 =	simm.s32 $0x3300;
	v55 =	vperm.xlane v23, v14;
	v54 =	vadd.s32 v9, v53  }
0x103: {  	[tilespmem:s4], [sflag:$0x1] =	stream.indirect_vreg.gather [hbm4b:s11+s3], $0x80, v50, vm0, $0xb8;
	[tilespmem:$0x1FD00] =	vst v63  }
0x104: {  	s5 =	simm.s32 $0x3380;
	v57 =	vperm.xlane v23, v6;
	v56 =	vadd.s32 v9, v55  }
0x105: {  	[tilespmem:s5], [sflag:$0x1] =	stream.indirect_vreg.gather [hbm4b:s11+s3], $0x80, v52, vm0, $0xb8;
	[tilespmem:$0x1FD00] =	vst v63  }
0x106: {  	s16 =	simm.s32 $0x3400;
	v59 =	vperm.xlane v23, v15;
	v58 =	vadd.s32 v9, v57  }
0x107: {  	[tilespmem:s16], [sflag:$0x1] =	stream.indirect_vreg.gather [hbm4b:s11+s3], $0x80, v54, vm0, $0xb8;
	[tilespmem:$0x1FD00] =	vst v63  }
0x108: {  	v61 =	vperm.xlane v23, v16;
	v60 =	vadd.s32 v9, v59;
	s17 =	simm.s32 $0x3480  }
0x109: {  	[tilespmem:s17], [sflag:$0x1] =	stream.indirect_vreg.gather [hbm4b:s11+s3], $0x80, v56, vm0, $0xb8;
	[tilespmem:$0x1FD00] =	vst v63  }
0x10a: {  	v63 =	vperm.xlane v23, v17;
	v62 =	vadd.s32 v9, v61;
	s21 =	simm.s32 $0x3500  }
0x10b: {  	[tilespmem:s21], [sflag:$0x1] =	stream.indirect_vreg.gather [hbm4b:s11+s3], $0x80, v58, vm0, $0xb8;
	[tilespmem:$0x1FD00] =	vst v63  }
0x10c: {  	v31 =	vperm.xlane v23, v18;
	v30 =	vadd.s32 v9, v63;
	s26 =	simm.s32 $0x3580  }
0x10d: {  	[tilespmem:s26], [sflag:$0x1] =	stream.indirect_vreg.gather [hbm4b:s11+s3], $0x80, v60, vm0, $0xb8;
	[tilespmem:$0x1FD00] =	vst v63  }
0x10e: {  	v33 =	vperm.xlane v23, v19;
	v32 =	vadd.s32 v9, v31;
	s4 =	simm.s32 $0x3600  }
0x10f: {  	[tilespmem:s4], [sflag:$0x1] =	stream.indirect_vreg.gather [hbm4b:s11+s3], $0x80, v62, vm0, $0xb8;
	[tilespmem:$0x1FD00] =	vst v63  }
0x110: {  	v35 =	vperm.xlane v23, v20;
	v34 =	vadd.s32 v9, v33;
	s5 =	simm.s32 $0x3680  }
0x111: {  	[tilespmem:s5], [sflag:$0x1] =	stream.indirect_vreg.gather [hbm4b:s11+s3], $0x80, v30, vm0, $0xb8;
	[tilespmem:$0x1FD00] =	vst v63  }
0x112: {  	v37 =	vperm.xlane v23, v21;
	v36 =	vadd.s32 v9, v35;
	s16 =	simm.s32 $0x3700  }
0x113: {  	[tilespmem:s16], [sflag:$0x1] =	stream.indirect_vreg.gather [hbm4b:s11+s3], $0x80, v32, vm0, $0xb8;
	[tilespmem:$0x1FD00] =	vst v63  }
0x114: {  	v23 =	vperm.xlane v23, v22;
	v38 =	vadd.s32 v9, v37;
	s17 =	simm.s32 $0x3780  }
0x115: {  	[tilespmem:s17], [sflag:$0x1] =	stream.indirect_vreg.gather [hbm4b:s11+s3], $0x80, v34, vm0, $0xb8;
	[tilespmem:$0x1FD00] =	vst v63  }
0x116: {  	v23 =	vadd.s32 v9, v23;
	s21 =	simm.s32 $0x3800  }
0x117: {  	[tilespmem:s21], [sflag:$0x1] =	stream.indirect_vreg.gather [hbm4b:s11+s3], $0x80, v36, vm0, $0xb8;
	[tilespmem:$0x1FD00] =	vst v63  }
0x118: {  	s26 =	simm.s32 $0x3880  }
0x119: {  	[tilespmem:s26], [sflag:$0x1] =	stream.indirect_vreg.gather [hbm4b:s11+s3], $0x80, v38, vm0, $0xb8;
	[tilespmem:$0x1FD00] =	vst v63  }
0x11a: {  	s4 =	simm.s32 $0x3900  }
0x11b: {  	[tilespmem:s4], [sflag:$0x1] =	stream.indirect_vreg.gather [hbm4b:s11+s3], $0x80, v23, vm0, $0xb8;
	[tilespmem:$0x1FD00] =	vst v63  }
0x11c: {  	v23 =	vld [tilespmem:$0x1030];
	_ =	sdelay $0x4  }
0x11d: {  	v39 =	vshll.u32 v23, $0x1  }
0x11e: {  	v23 =	vand.u32 $0x7, v23;
	v24 =	vand.u32 $0xFFFFFFF0, v39  }
0x11f: {  	v23 =	vor.u32 v23, v24  }
0x120: {  	v24 =	vperm.xlane v23, v8;
	_ =	sdelay $0x1  }
0x121: {  	v40 =	vperm.xlane v23, v7;
	v24 =	vadd.s32 v9, v24;
	_ =	sdelay $0x1  }
0x122: {  	v41 =	vperm.xlane v23, v10;
	v25 =	vadd.s32 v9, v40;
	_ =	sdelay $0x1  }
0x123: {  	s5 =	simm.s32 $0x3980;
	v42 =	vperm.xlane v23, v11;
	v26 =	vadd.s32 v9, v41  }
0x124: {  	[tilespmem:s5], [sflag:$0x1] =	stream.indirect_vreg.gather [hbm4b:s11+s3], $0x80, v24, vm0, $0xb8;
	[tilespmem:$0x1FD00] =	vst v63  }
0x125: {  	s16 =	simm.s32 $0x3A00;
	v44 =	vperm.xlane v23, v12;
	v43 =	vadd.s32 v9, v42  }
0x126: {  	[tilespmem:s16], [sflag:$0x1] =	stream.indirect_vreg.gather [hbm4b:s11+s3], $0x80, v25, vm0, $0xb8;
	[tilespmem:$0x1FD00] =	vst v63  }
0x127: {  	s17 =	simm.s32 $0x3A80;
	v46 =	vperm.xlane v23, v13;
	v45 =	vadd.s32 v9, v44  }
0x128: {  	[tilespmem:s17], [sflag:$0x1] =	stream.indirect_vreg.gather [hbm4b:s11+s3], $0x80, v26, vm0, $0xb8;
	[tilespmem:$0x1FD00] =	vst v63  }
0x129: {  	s21 =	simm.s32 $0x3B00;
	v48 =	vperm.xlane v23, v14;
	v47 =	vadd.s32 v9, v46  }
0x12a: {  	[tilespmem:s21], [sflag:$0x1] =	stream.indirect_vreg.gather [hbm4b:s11+s3], $0x80, v43, vm0, $0xb8;
	[tilespmem:$0x1FD00] =	vst v63  }
0x12b: {  	s26 =	simm.s32 $0x3B80;
	v50 =	vperm.xlane v23, v6;
	v49 =	vadd.s32 v9, v48  }
0x12c: {  	[tilespmem:s26], [sflag:$0x1] =	stream.indirect_vreg.gather [hbm4b:s11+s3], $0x80, v45, vm0, $0xb8;
	[tilespmem:$0x1FD00] =	vst v63  }
0x12d: {  	s4 =	simm.s32 $0x3C00;
	v52 =	vperm.xlane v23, v15;
	v51 =	vadd.s32 v9, v50  }
0x12e: {  	[tilespmem:s4], [sflag:$0x1] =	stream.indirect_vreg.gather [hbm4b:s11+s3], $0x80, v47, vm0, $0xb8;
	[tilespmem:$0x1FD00] =	vst v63  }
0x12f: {  	v54 =	vperm.xlane v23, v16;
	v53 =	vadd.s32 v9, v52;
	s5 =	simm.s32 $0x3C80  }
0x130: {  	[tilespmem:s5], [sflag:$0x1] =	stream.indirect_vreg.gather [hbm4b:s11+s3], $0x80, v49, vm0, $0xb8;
	[tilespmem:$0x1FD00] =	vst v63  }
0x131: {  	v56 =	vperm.xlane v23, v17;
	v55 =	vadd.s32 v9, v54;
	s16 =	simm.s32 $0x3D00  }
0x132: {  	[tilespmem:s16], [sflag:$0x1] =	stream.indirect_vreg.gather [hbm4b:s11+s3], $0x80, v51, vm0, $0xb8;
	[tilespmem:$0x1FD00] =	vst v63  }
0x133: {  	v58 =	vperm.xlane v23, v18;
	v57 =	vadd.s32 v9, v56;
	s17 =	simm.s32 $0x3D80  }
0x134: {  	[tilespmem:s17], [sflag:$0x1] =	stream.indirect_vreg.gather [hbm4b:s11+s3], $0x80, v53, vm0, $0xb8;
	[tilespmem:$0x1FD00] =	vst v63  }
0x135: {  	v60 =	vperm.xlane v23, v19;
	v59 =	vadd.s32 v9, v58;
	s21 =	simm.s32 $0x3E00  }
0x136: {  	[tilespmem:s21], [sflag:$0x1] =	stream.indirect_vreg.gather [hbm4b:s11+s3], $0x80, v55, vm0, $0xb8;
	[tilespmem:$0x1FD00] =	vst v63  }
0x137: {  	v62 =	vperm.xlane v23, v20;
	v61 =	vadd.s32 v9, v60;
	s26 =	simm.s32 $0x3E80  }
0x138: {  	[tilespmem:s26], [sflag:$0x1] =	stream.indirect_vreg.gather [hbm4b:s11+s3], $0x80, v57, vm0, $0xb8;
	[tilespmem:$0x1FD00] =	vst v63  }
0x139: {  	v30 =	vperm.xlane v23, v21;
	v63 =	vadd.s32 v9, v62;
	s4 =	simm.s32 $0x3F00  }
0x13a: {  	[tilespmem:s4], [sflag:$0x1] =	stream.indirect_vreg.gather [hbm4b:s11+s3], $0x80, v59, vm0, $0xb8;
	[tilespmem:$0x1FD00] =	vst v63  }
0x13b: {  	v23 =	vperm.xlane v23, v22;
	v31 =	vadd.s32 v9, v30;
	s5 =	simm.s32 $0x3F80  }
0x13c: {  	[tilespmem:s5], [sflag:$0x1] =	stream.indirect_vreg.gather [hbm4b:s11+s3], $0x80, v61, vm0, $0xb8;
	[tilespmem:$0x1FD00] =	vst v63  }
0x13d: {  	v23 =	vadd.s32 v9, v23;
	s16 =	simm.s32 $0x4000  }
0x13e: {  	[tilespmem:s16], [sflag:$0x1] =	stream.indirect_vreg.gather [hbm4b:s11+s3], $0x80, v63, vm0, $0xb8;
	[tilespmem:$0x1FD00] =	vst v63  }
0x13f: {  	s17 =	simm.s32 $0x4080  }
0x140: {  	[tilespmem:s17], [sflag:$0x1] =	stream.indirect_vreg.gather [hbm4b:s11+s3], $0x80, v31, vm0, $0xb8;
	[tilespmem:$0x1FD00] =	vst v63  }
0x141: {  	s21 =	simm.s32 $0x4100  }
0x142: {  	[tilespmem:s21], [sflag:$0x1] =	stream.indirect_vreg.gather [hbm4b:s11+s3], $0x80, v23, vm0, $0xb8;
	[tilespmem:$0x1FD00] =	vst v63  }
0x143: {  	v23 =	vld [tilespmem:$0x1040];
	_ =	sdelay $0x4  }
0x144: {  	v32 =	vshll.u32 v23, $0x1  }
0x145: {  	v23 =	vand.u32 $0x7, v23;
	v24 =	vand.u32 $0xFFFFFFF0, v32  }
0x146: {  	v23 =	vor.u32 v23, v24  }
0x147: {  	v24 =	vperm.xlane v23, v8;
	_ =	sdelay $0x1  }
0x148: {  	v33 =	vperm.xlane v23, v7;
	v24 =	vadd.s32 v9, v24;
	_ =	sdelay $0x1  }
0x149: {  	v34 =	vperm.xlane v23, v10;
	v25 =	vadd.s32 v9, v33;
	_ =	sdelay $0x1  }
0x14a: {  	s26 =	simm.s32 $0x4180;
	v35 =	vperm.xlane v23, v11;
	v26 =	vadd.s32 v9, v34  }
0x14b: {  	[tilespmem:s26], [sflag:$0x1] =	stream.indirect_vreg.gather [hbm4b:s11+s3], $0x80, v24, vm0, $0xb8;
	[tilespmem:$0x1FD00] =	vst v63  }
0x14c: {  	s4 =	simm.s32 $0x4200;
	v37 =	vperm.xlane v23, v12;
	v36 =	vadd.s32 v9, v35  }
0x14d: {  	[tilespmem:s4], [sflag:$0x1] =	stream.indirect_vreg.gather [hbm4b:s11+s3], $0x80, v25, vm0, $0xb8;
	[tilespmem:$0x1FD00] =	vst v63  }
0x14e: {  	s5 =	simm.s32 $0x4280;
	v39 =	vperm.xlane v23, v13;
	v38 =	vadd.s32 v9, v37  }
0x14f: {  	[tilespmem:s5], [sflag:$0x1] =	stream.indirect_vreg.gather [hbm4b:s11+s3], $0x80, v26, vm0, $0xb8;
	[tilespmem:$0x1FD00] =	vst v63  }
0x150: {  	s16 =	simm.s32 $0x4300;
	v41 =	vperm.xlane v23, v14;
	v40 =	vadd.s32 v9, v39  }
0x151: {  	[tilespmem:s16], [sflag:$0x1] =	stream.indirect_vreg.gather [hbm4b:s11+s3], $0x80, v36, vm0, $0xb8;
	[tilespmem:$0x1FD00] =	vst v63  }
0x152: {  	s17 =	simm.s32 $0x4380;
	v43 =	vperm.xlane v23, v6;
	v42 =	vadd.s32 v9, v41  }
0x153: {  	[tilespmem:s17], [sflag:$0x1] =	stream.indirect_vreg.gather [hbm4b:s11+s3], $0x80, v38, vm0, $0xb8;
	[tilespmem:$0x1FD00] =	vst v63  }
0x154: {  	s21 =	simm.s32 $0x4400;
	v45 =	vperm.xlane v23, v15;
	v44 =	vadd.s32 v9, v43  }
0x155: {  	[tilespmem:s21], [sflag:$0x1] =	stream.indirect_vreg.gather [hbm4b:s11+s3], $0x80, v40, vm0, $0xb8;
	[tilespmem:$0x1FD00] =	vst v63  }
0x156: {  	v47 =	vperm.xlane v23, v16;
	v46 =	vadd.s32 v9, v45;
	s26 =	simm.s32 $0x4480  }
0x157: {  	[tilespmem:s26], [sflag:$0x1] =	stream.indirect_vreg.gather [hbm4b:s11+s3], $0x80, v42, vm0, $0xb8;
	[tilespmem:$0x1FD00] =	vst v63  }
0x158: {  	v49 =	vperm.xlane v23, v17;
	v48 =	vadd.s32 v9, v47;
	s4 =	simm.s32 $0x4500  }
0x159: {  	[tilespmem:s4], [sflag:$0x1] =	stream.indirect_vreg.gather [hbm4b:s11+s3], $0x80, v44, vm0, $0xb8;
	[tilespmem:$0x1FD00] =	vst v63  }
0x15a: {  	v51 =	vperm.xlane v23, v18;
	v50 =	vadd.s32 v9, v49;
	s5 =	simm.s32 $0x4580  }
0x15b: {  	[tilespmem:s5], [sflag:$0x1] =	stream.indirect_vreg.gather [hbm4b:s11+s3], $0x80, v46, vm0, $0xb8;
	[tilespmem:$0x1FD00] =	vst v63  }
0x15c: {  	v53 =	vperm.xlane v23, v19;
	v52 =	vadd.s32 v9, v51;
	s16 =	simm.s32 $0x4600  }
0x15d: {  	[tilespmem:s16], [sflag:$0x1] =	stream.indirect_vreg.gather [hbm4b:s11+s3], $0x80, v48, vm0, $0xb8;
	[tilespmem:$0x1FD00] =	vst v63  }
0x15e: {  	v55 =	vperm.xlane v23, v20;
	v54 =	vadd.s32 v9, v53;
	s17 =	simm.s32 $0x4680  }
0x15f: {  	[tilespmem:s17], [sflag:$0x1] =	stream.indirect_vreg.gather [hbm4b:s11+s3], $0x80, v50, vm0, $0xb8;
	[tilespmem:$0x1FD00] =	vst v63  }
0x160: {  	v57 =	vperm.xlane v23, v21;
	v56 =	vadd.s32 v9, v55;
	s21 =	simm.s32 $0x4700  }
0x161: {  	[tilespmem:s21], [sflag:$0x1] =	stream.indirect_vreg.gather [hbm4b:s11+s3], $0x80, v52, vm0, $0xb8;
	[tilespmem:$0x1FD00] =	vst v63  }
0x162: {  	v23 =	vperm.xlane v23, v22;
	v58 =	vadd.s32 v9, v57;
	s26 =	simm.s32 $0x4780  }
0x163: {  	[tilespmem:s26], [sflag:$0x1] =	stream.indirect_vreg.gather [hbm4b:s11+s3], $0x80, v54, vm0, $0xb8;
	[tilespmem:$0x1FD00] =	vst v63  }
0x164: {  	v23 =	vadd.s32 v9, v23;
	s4 =	simm.s32 $0x4800  }
0x165: {  	[tilespmem:s4], [sflag:$0x1] =	stream.indirect_vreg.gather [hbm4b:s11+s3], $0x80, v56, vm0, $0xb8;
	[tilespmem:$0x1FD00] =	vst v63  }
0x166: {  	s5 =	simm.s32 $0x4880  }
0x167: {  	[tilespmem:s5], [sflag:$0x1] =	stream.indirect_vreg.gather [hbm4b:s11+s3], $0x80, v58, vm0, $0xb8;
	[tilespmem:$0x1FD00] =	vst v63  }
0x168: {  	s16 =	simm.s32 $0x4900  }
0x169: {  	[tilespmem:s16], [sflag:$0x1] =	stream.indirect_vreg.gather [hbm4b:s11+s3], $0x80, v23, vm0, $0xb8;
	[tilespmem:$0x1FD00] =	vst v63  }
0x16a: {  	v23 =	vld [tilespmem:$0x1080];
	_ =	sdelay $0x4  }
0x16b: {  	v24 =	vld [tilespmem:$0x0];
	v59 =	vshll.u32 v23, $0x1  }
0x16c: {  	v26 =	vld [tilespmem:$0x10];
	v23 =	vand.u32 $0x7, v23;
	v25 =	vand.u32 $0xFFFFFFF0, v59  }
0x16d: {  	v60 =	vld [tilespmem:$0x20];
	v23 =	vor.u32 v23, v25  }
0x16e: {  	v61 =	vld [tilespmem:$0x30];
	v28 =	vperm.xlane v23, v8  }
0x16f: {  	v29 =	vld [tilespmem:$0x40]  }
0x170: {  	[tilespmem:$0x2000] =	vst v24;
	v63 =	vperm.xlane v23, v7;
	v62 =	vadd.s32 v9, v28  }
0x171: {  	[tilespmem:$0x2010] =	vst v26  }
0x172: {  	[tilespmem:$0x2020] =	vst v60;
	v31 =	vperm.xlane v23, v10;
	v30 =	vadd.s32 v9, v63  }
0x173: {  	[tilespmem:$0x2030] =	vst v61  }
0x174: {  	[tilespmem:$0x2040] =	vst v29;
	v33 =	vperm.xlane v23, v11;
	v32 =	vadd.s32 v9, v31  }
0x175: {  	[tilespmem:s2], [sflag:$0x2] =	stream.indirect_vreg.gather [hbm4b:s11+s3], $0x80, v62, vm0, $0xb8;
	[tilespmem:$0x1FD00] =	vst v63  }
0x176: {  	s17 =	simm.s32 $0x4A00;
	v35 =	vperm.xlane v23, v12;
	v34 =	vadd.s32 v9, v33  }
0x177: {  	[tilespmem:s17], [sflag:$0x2] =	stream.indirect_vreg.gather [hbm4b:s11+s3], $0x80, v30, vm0, $0xb8;
	[tilespmem:$0x1FD00] =	vst v63  }
0x178: {  	s21 =	simm.s32 $0x4A80;
	v37 =	vperm.xlane v23, v13;
	v36 =	vadd.s32 v9, v35  }
0x179: {  	[tilespmem:s21], [sflag:$0x2] =	stream.indirect_vreg.gather [hbm4b:s11+s3], $0x80, v32, vm0, $0xb8;
	[tilespmem:$0x1FD00] =	vst v63  }
0x17a: {  	s26 =	simm.s32 $0x4B00;
	v39 =	vperm.xlane v23, v14;
	v38 =	vadd.s32 v9, v37  }
0x17b: {  	[tilespmem:s26], [sflag:$0x2] =	stream.indirect_vreg.gather [hbm4b:s11+s3], $0x80, v34, vm0, $0xb8;
	[tilespmem:$0x1FD00] =	vst v63  }
0x17c: {  	v41 =	vperm.xlane v23, v6;
	v40 =	vadd.s32 v9, v39;
	s2 =	simm.s32 $0x4B80  }
0x17d: {  	[tilespmem:s2], [sflag:$0x2] =	stream.indirect_vreg.gather [hbm4b:s11+s3], $0x80, v36, vm0, $0xb8;
	[tilespmem:$0x1FD00] =	vst v63  }
0x17e: {  	s4 =	simm.s32 $0x4C00;
	v43 =	vperm.xlane v23, v15;
	v42 =	vadd.s32 v9, v41  }
0x17f: {  	[tilespmem:s4], [sflag:$0x2] =	stream.indirect_vreg.gather [hbm4b:s11+s3], $0x80, v38, vm0, $0xb8;
	[tilespmem:$0x1FD00] =	vst v63  }
0x180: {  	s5 =	simm.s32 $0x4C80;
	v45 =	vperm.xlane v23, v16;
	v44 =	vadd.s32 v9, v43  }
0x181: {  	[tilespmem:s5], [sflag:$0x2] =	stream.indirect_vreg.gather [hbm4b:s11+s3], $0x80, v40, vm0, $0xb8;
	[tilespmem:$0x1FD00] =	vst v63  }
0x182: {  	s16 =	simm.s32 $0x4D00;
	v47 =	vperm.xlane v23, v17;
	v46 =	vadd.s32 v9, v45  }
0x183: {  	[tilespmem:s16], [sflag:$0x2] =	stream.indirect_vreg.gather [hbm4b:s11+s3], $0x80, v42, vm0, $0xb8;
	[tilespmem:$0x1FD00] =	vst v63  }
0x184: {  	v49 =	vperm.xlane v23, v18;
	v48 =	vadd.s32 v9, v47;
	s17 =	simm.s32 $0x4D80  }
0x185: {  	[tilespmem:s17], [sflag:$0x2] =	stream.indirect_vreg.gather [hbm4b:s11+s3], $0x80, v44, vm0, $0xb8;
	[tilespmem:$0x1FD00] =	vst v63  }
0x186: {  	v51 =	vperm.xlane v23, v19;
	v50 =	vadd.s32 v9, v49;
	s21 =	simm.s32 $0x4E00  }
0x187: {  	[tilespmem:s21], [sflag:$0x2] =	stream.indirect_vreg.gather [hbm4b:s11+s3], $0x80, v46, vm0, $0xb8;
	[tilespmem:$0x1FD00] =	vst v63  }
0x188: {  	v53 =	vperm.xlane v23, v20;
	v52 =	vadd.s32 v9, v51;
	s26 =	simm.s32 $0x4E80  }
0x189: {  	[tilespmem:s26], [sflag:$0x2] =	stream.indirect_vreg.gather [hbm4b:s11+s3], $0x80, v48, vm0, $0xb8;
	[tilespmem:$0x1FD00] =	vst v63  }
0x18a: {  	v55 =	vperm.xlane v23, v21;
	v54 =	vadd.s32 v9, v53;
	s2 =	simm.s32 $0x4F00  }
0x18b: {  	[tilespmem:s2], [sflag:$0x2] =	stream.indirect_vreg.gather [hbm4b:s11+s3], $0x80, v50, vm0, $0xb8;
	[tilespmem:$0x1FD00] =	vst v63  }
0x18c: {  	v23 =	vperm.xlane v23, v22;
	v56 =	vadd.s32 v9, v55;
	s4 =	simm.s32 $0x4F80  }
0x18d: {  	[tilespmem:s4], [sflag:$0x2] =	stream.indirect_vreg.gather [hbm4b:s11+s3], $0x80, v52, vm0, $0xb8;
	[tilespmem:$0x1FD00] =	vst v63  }
0x18e: {  	v23 =	vadd.s32 v9, v23;
	s5 =	simm.s32 $0x5000  }
0x18f: {  	[tilespmem:s5], [sflag:$0x2] =	stream.indirect_vreg.gather [hbm4b:s11+s3], $0x80, v54, vm0, $0xb8;
	[tilespmem:$0x1FD00] =	vst v63  }
0x190: {  	s16 =	simm.s32 $0x5080  }
0x191: {  	[tilespmem:s16], [sflag:$0x2] =	stream.indirect_vreg.gather [hbm4b:s11+s3], $0x80, v56, vm0, $0xb8;
	[tilespmem:$0x1FD00] =	vst v63  }
0x192: {  	s17 =	simm.s32 $0x5100  }
0x193: {  	[tilespmem:s17], [sflag:$0x2] =	stream.indirect_vreg.gather [hbm4b:s11+s3], $0x80, v23, vm0, $0xb8;
	[tilespmem:$0x1FD00] =	vst v63  }
0x194: {  	v23 =	vld [tilespmem:$0x1090];
	_ =	sdelay $0x4  }
0x195: {  	v57 =	vshll.u32 v23, $0x1  }
0x196: {  	v23 =	vand.u32 $0x7, v23;
	v24 =	vand.u32 $0xFFFFFFF0, v57  }
0x197: {  	v23 =	vor.u32 v23, v24  }
0x198: {  	v24 =	vperm.xlane v23, v8;
	_ =	sdelay $0x1  }
0x199: {  	v58 =	vperm.xlane v23, v7;
	v24 =	vadd.s32 v9, v24;
	_ =	sdelay $0x1  }
0x19a: {  	v59 =	vperm.xlane v23, v10;
	v25 =	vadd.s32 v9, v58;
	_ =	sdelay $0x1  }
0x19b: {  	s21 =	simm.s32 $0x5180;
	v60 =	vperm.xlane v23, v11;
	v26 =	vadd.s32 v9, v59  }
0x19c: {  	[tilespmem:s21], [sflag:$0x2] =	stream.indirect_vreg.gather [hbm4b:s11+s3], $0x80, v24, vm0, $0xb8;
	[tilespmem:$0x1FD00] =	vst v63  }
0x19d: {  	s26 =	simm.s32 $0x5200;
	v62 =	vperm.xlane v23, v12;
	v61 =	vadd.s32 v9, v60  }
0x19e: {  	[tilespmem:s26], [sflag:$0x2] =	stream.indirect_vreg.gather [hbm4b:s11+s3], $0x80, v25, vm0, $0xb8;
	[tilespmem:$0x1FD00] =	vst v63  }
0x19f: {  	s2 =	simm.s32 $0x5280;
	v30 =	vperm.xlane v23, v13;
	v63 =	vadd.s32 v9, v62  }
0x1a0: {  	[tilespmem:s2], [sflag:$0x2] =	stream.indirect_vreg.gather [hbm4b:s11+s3], $0x80, v26, vm0, $0xb8;
	[tilespmem:$0x1FD00] =	vst v63  }
0x1a1: {  	s4 =	simm.s32 $0x5300;
	v32 =	vperm.xlane v23, v14;
	v31 =	vadd.s32 v9, v30  }
0x1a2: {  	[tilespmem:s4], [sflag:$0x2] =	stream.indirect_vreg.gather [hbm4b:s11+s3], $0x80, v61, vm0, $0xb8;
	[tilespmem:$0x1FD00] =	vst v63  }
0x1a3: {  	s5 =	simm.s32 $0x5380;
	v34 =	vperm.xlane v23, v6;
	v33 =	vadd.s32 v9, v32  }
0x1a4: {  	[tilespmem:s5], [sflag:$0x2] =	stream.indirect_vreg.gather [hbm4b:s11+s3], $0x80, v63, vm0, $0xb8;
	[tilespmem:$0x1FD00] =	vst v63  }
0x1a5: {  	s16 =	simm.s32 $0x5400;
	v36 =	vperm.xlane v23, v15;
	v35 =	vadd.s32 v9, v34  }
0x1a6: {  	[tilespmem:s16], [sflag:$0x2] =	stream.indirect_vreg.gather [hbm4b:s11+s3], $0x80, v31, vm0, $0xb8;
	[tilespmem:$0x1FD00] =	vst v63  }
0x1a7: {  	s17 =	simm.s32 $0x5480;
	v38 =	vperm.xlane v23, v16;
	v37 =	vadd.s32 v9, v36  }
0x1a8: {  	[tilespmem:s17], [sflag:$0x2] =	stream.indirect_vreg.gather [hbm4b:s11+s3], $0x80, v33, vm0, $0xb8;
	[tilespmem:$0x1FD00] =	vst v63  }
0x1a9: {  	v40 =	vperm.xlane v23, v17;
	v39 =	vadd.s32 v9, v38;
	s21 =	simm.s32 $0x5500  }
0x1aa: {  	[tilespmem:s21], [sflag:$0x2] =	stream.indirect_vreg.gather [hbm4b:s11+s3], $0x80, v35, vm0, $0xb8;
	[tilespmem:$0x1FD00] =	vst v63  }
0x1ab: {  	v42 =	vperm.xlane v23, v18;
	v41 =	vadd.s32 v9, v40;
	s26 =	simm.s32 $0x5580  }
0x1ac: {  	[tilespmem:s26], [sflag:$0x2] =	stream.indirect_vreg.gather [hbm4b:s11+s3], $0x80, v37, vm0, $0xb8;
	[tilespmem:$0x1FD00] =	vst v63  }
0x1ad: {  	v44 =	vperm.xlane v23, v19;
	v43 =	vadd.s32 v9, v42;
	s2 =	simm.s32 $0x5600  }
0x1ae: {  	[tilespmem:s2], [sflag:$0x2] =	stream.indirect_vreg.gather [hbm4b:s11+s3], $0x80, v39, vm0, $0xb8;
	[tilespmem:$0x1FD00] =	vst v63  }
0x1af: {  	v46 =	vperm.xlane v23, v20;
	v45 =	vadd.s32 v9, v44;
	s4 =	simm.s32 $0x5680  }
0x1b0: {  	[tilespmem:s4], [sflag:$0x2] =	stream.indirect_vreg.gather [hbm4b:s11+s3], $0x80, v41, vm0, $0xb8;
	[tilespmem:$0x1FD00] =	vst v63  }
0x1b1: {  	v48 =	vperm.xlane v23, v21;
	v47 =	vadd.s32 v9, v46;
	s5 =	simm.s32 $0x5700  }
0x1b2: {  	[tilespmem:s5], [sflag:$0x2] =	stream.indirect_vreg.gather [hbm4b:s11+s3], $0x80, v43, vm0, $0xb8;
	[tilespmem:$0x1FD00] =	vst v63  }
0x1b3: {  	v23 =	vperm.xlane v23, v22;
	v49 =	vadd.s32 v9, v48;
	s16 =	simm.s32 $0x5780  }
0x1b4: {  	[tilespmem:s16], [sflag:$0x2] =	stream.indirect_vreg.gather [hbm4b:s11+s3], $0x80, v45, vm0, $0xb8;
	[tilespmem:$0x1FD00] =	vst v63  }
0x1b5: {  	v23 =	vadd.s32 v9, v23;
	s17 =	simm.s32 $0x5800  }
0x1b6: {  	[tilespmem:s17], [sflag:$0x2] =	stream.indirect_vreg.gather [hbm4b:s11+s3], $0x80, v47, vm0, $0xb8;
	[tilespmem:$0x1FD00] =	vst v63  }
0x1b7: {  	s21 =	simm.s32 $0x5880  }
0x1b8: {  	[tilespmem:s21], [sflag:$0x2] =	stream.indirect_vreg.gather [hbm4b:s11+s3], $0x80, v49, vm0, $0xb8;
	[tilespmem:$0x1FD00] =	vst v63  }
0x1b9: {  	s26 =	simm.s32 $0x5900  }
0x1ba: {  	[tilespmem:s26], [sflag:$0x2] =	stream.indirect_vreg.gather [hbm4b:s11+s3], $0x80, v23, vm0, $0xb8;
	[tilespmem:$0x1FD00] =	vst v63  }
0x1bb: {  	v23 =	vld [tilespmem:$0x10A0];
	_ =	sdelay $0x4  }
0x1bc: {  	v50 =	vshll.u32 v23, $0x1  }
0x1bd: {  	v23 =	vand.u32 $0x7, v23;
	v24 =	vand.u32 $0xFFFFFFF0, v50  }
0x1be: {  	v23 =	vor.u32 v23, v24  }
0x1bf: {  	v24 =	vperm.xlane v23, v8;
	_ =	sdelay $0x1  }
0x1c0: {  	v51 =	vperm.xlane v23, v7;
	v24 =	vadd.s32 v9, v24;
	_ =	sdelay $0x1  }
0x1c1: {  	v52 =	vperm.xlane v23, v10;
	v25 =	vadd.s32 v9, v51;
	_ =	sdelay $0x1  }
0x1c2: {  	s2 =	simm.s32 $0x5980;
	v53 =	vperm.xlane v23, v11;
	v26 =	vadd.s32 v9, v52  }
0x1c3: {  	[tilespmem:s2], [sflag:$0x2] =	stream.indirect_vreg.gather [hbm4b:s11+s3], $0x80, v24, vm0, $0xb8;
	[tilespmem:$0x1FD00] =	vst v63  }
0x1c4: {  	s4 =	simm.s32 $0x5A00;
	v55 =	vperm.xlane v23, v12;
	v54 =	vadd.s32 v9, v53  }
0x1c5: {  	[tilespmem:s4], [sflag:$0x2] =	stream.indirect_vreg.gather [hbm4b:s11+s3], $0x80, v25, vm0, $0xb8;
	[tilespmem:$0x1FD00] =	vst v63  }
0x1c6: {  	s5 =	simm.s32 $0x5A80;
	v57 =	vperm.xlane v23, v13;
	v56 =	vadd.s32 v9, v55  }
0x1c7: {  	[tilespmem:s5], [sflag:$0x2] =	stream.indirect_vreg.gather [hbm4b:s11+s3], $0x80, v26, vm0, $0xb8;
	[tilespmem:$0x1FD00] =	vst v63  }
0x1c8: {  	s16 =	simm.s32 $0x5B00;
	v59 =	vperm.xlane v23, v14;
	v58 =	vadd.s32 v9, v57  }
0x1c9: {  	[tilespmem:s16], [sflag:$0x2] =	stream.indirect_vreg.gather [hbm4b:s11+s3], $0x80, v54, vm0, $0xb8;
	[tilespmem:$0x1FD00] =	vst v63  }
0x1ca: {  	s17 =	simm.s32 $0x5B80;
	v61 =	vperm.xlane v23, v6;
	v60 =	vadd.s32 v9, v59  }
0x1cb: {  	[tilespmem:s17], [sflag:$0x2] =	stream.indirect_vreg.gather [hbm4b:s11+s3], $0x80, v56, vm0, $0xb8;
	[tilespmem:$0x1FD00] =	vst v63  }
0x1cc: {  	s21 =	simm.s32 $0x5C00;
	v63 =	vperm.xlane v23, v15;
	v62 =	vadd.s32 v9, v61  }
0x1cd: {  	[tilespmem:s21], [sflag:$0x2] =	stream.indirect_vreg.gather [hbm4b:s11+s3], $0x80, v58, vm0, $0xb8;
	[tilespmem:$0x1FD00] =	vst v63  }
0x1ce: {  	s26 =	simm.s32 $0x5C80;
	v31 =	vperm.xlane v23, v16;
	v30 =	vadd.s32 v9, v63  }
0x1cf: {  	[tilespmem:s26], [sflag:$0x2] =	stream.indirect_vreg.gather [hbm4b:s11+s3], $0x80, v60, vm0, $0xb8;
	[tilespmem:$0x1FD00] =	vst v63  }
0x1d0: {  	v33 =	vperm.xlane v23, v17;
	v32 =	vadd.s32 v9, v31;
	s2 =	simm.s32 $0x5D00  }
0x1d1: {  	[tilespmem:s2], [sflag:$0x2] =	stream.indirect_vreg.gather [hbm4b:s11+s3], $0x80, v62, vm0, $0xb8;
	[tilespmem:$0x1FD00] =	vst v63  }
0x1d2: {  	v35 =	vperm.xlane v23, v18;
	v34 =	vadd.s32 v9, v33;
	s4 =	simm.s32 $0x5D80  }
0x1d3: {  	[tilespmem:s4], [sflag:$0x2] =	stream.indirect_vreg.gather [hbm4b:s11+s3], $0x80, v30, vm0, $0xb8;
	[tilespmem:$0x1FD00] =	vst v63  }
0x1d4: {  	v37 =	vperm.xlane v23, v19;
	v36 =	vadd.s32 v9, v35;
	s5 =	simm.s32 $0x5E00  }
0x1d5: {  	[tilespmem:s5], [sflag:$0x2] =	stream.indirect_vreg.gather [hbm4b:s11+s3], $0x80, v32, vm0, $0xb8;
	[tilespmem:$0x1FD00] =	vst v63  }
0x1d6: {  	v39 =	vperm.xlane v23, v20;
	v38 =	vadd.s32 v9, v37;
	s16 =	simm.s32 $0x5E80  }
0x1d7: {  	[tilespmem:s16], [sflag:$0x2] =	stream.indirect_vreg.gather [hbm4b:s11+s3], $0x80, v34, vm0, $0xb8;
	[tilespmem:$0x1FD00] =	vst v63  }
0x1d8: {  	v41 =	vperm.xlane v23, v21;
	v40 =	vadd.s32 v9, v39;
	s17 =	simm.s32 $0x5F00  }
0x1d9: {  	[tilespmem:s17], [sflag:$0x2] =	stream.indirect_vreg.gather [hbm4b:s11+s3], $0x80, v36, vm0, $0xb8;
	[tilespmem:$0x1FD00] =	vst v63  }
0x1da: {  	v23 =	vperm.xlane v23, v22;
	v42 =	vadd.s32 v9, v41;
	s21 =	simm.s32 $0x5F80  }
0x1db: {  	[tilespmem:s21], [sflag:$0x2] =	stream.indirect_vreg.gather [hbm4b:s11+s3], $0x80, v38, vm0, $0xb8;
	[tilespmem:$0x1FD00] =	vst v63  }
0x1dc: {  	v23 =	vadd.s32 v9, v23;
	s26 =	simm.s32 $0x6000  }
0x1dd: {  	[tilespmem:s26], [sflag:$0x2] =	stream.indirect_vreg.gather [hbm4b:s11+s3], $0x80, v40, vm0, $0xb8;
	[tilespmem:$0x1FD00] =	vst v63  }
0x1de: {  	s2 =	simm.s32 $0x6080  }
0x1df: {  	[tilespmem:s2], [sflag:$0x2] =	stream.indirect_vreg.gather [hbm4b:s11+s3], $0x80, v42, vm0, $0xb8;
	[tilespmem:$0x1FD00] =	vst v63  }
0x1e0: {  	s4 =	simm.s32 $0x6100  }
0x1e1: {  	[tilespmem:s4], [sflag:$0x2] =	stream.indirect_vreg.gather [hbm4b:s11+s3], $0x80, v23, vm0, $0xb8;
	[tilespmem:$0x1FD00] =	vst v63  }
0x1e2: {  	v23 =	vld [tilespmem:$0x10B0];
	_ =	sdelay $0x4  }
0x1e3: {  	v43 =	vshll.u32 v23, $0x1  }
0x1e4: {  	v23 =	vand.u32 $0x7, v23;
	v24 =	vand.u32 $0xFFFFFFF0, v43  }
0x1e5: {  	v23 =	vor.u32 v23, v24  }
0x1e6: {  	v24 =	vperm.xlane v23, v8;
	_ =	sdelay $0x1  }
0x1e7: {  	v44 =	vperm.xlane v23, v7;
	v24 =	vadd.s32 v9, v24;
	_ =	sdelay $0x1  }
0x1e8: {  	v45 =	vperm.xlane v23, v10;
	v25 =	vadd.s32 v9, v44;
	_ =	sdelay $0x1  }
0x1e9: {  	s5 =	simm.s32 $0x6180;
	v46 =	vperm.xlane v23, v11;
	v26 =	vadd.s32 v9, v45  }
0x1ea: {  	[tilespmem:s5], [sflag:$0x2] =	stream.indirect_vreg.gather [hbm4b:s11+s3], $0x80, v24, vm0, $0xb8;
	[tilespmem:$0x1FD00] =	vst v63  }
0x1eb: {  	s16 =	simm.s32 $0x6200;
	v48 =	vperm.xlane v23, v12;
	v47 =	vadd.s32 v9, v46  }
0x1ec: {  	[tilespmem:s16], [sflag:$0x2] =	stream.indirect_vreg.gather [hbm4b:s11+s3], $0x80, v25, vm0, $0xb8;
	[tilespmem:$0x1FD00] =	vst v63  }
0x1ed: {  	s17 =	simm.s32 $0x6280;
	v50 =	vperm.xlane v23, v13;
	v49 =	vadd.s32 v9, v48  }
0x1ee: {  	[tilespmem:s17], [sflag:$0x2] =	stream.indirect_vreg.gather [hbm4b:s11+s3], $0x80, v26, vm0, $0xb8;
	[tilespmem:$0x1FD00] =	vst v63  }
0x1ef: {  	s21 =	simm.s32 $0x6300;
	v52 =	vperm.xlane v23, v14;
	v51 =	vadd.s32 v9, v50  }
0x1f0: {  	[tilespmem:s21], [sflag:$0x2] =	stream.indirect_vreg.gather [hbm4b:s11+s3], $0x80, v47, vm0, $0xb8;
	[tilespmem:$0x1FD00] =	vst v63  }
0x1f1: {  	s26 =	simm.s32 $0x6380;
	v54 =	vperm.xlane v23, v6;
	v53 =	vadd.s32 v9, v52  }
0x1f2: {  	[tilespmem:s26], [sflag:$0x2] =	stream.indirect_vreg.gather [hbm4b:s11+s3], $0x80, v49, vm0, $0xb8;
	[tilespmem:$0x1FD00] =	vst v63  }
0x1f3: {  	s2 =	simm.s32 $0x6400;
	v56 =	vperm.xlane v23, v15;
	v55 =	vadd.s32 v9, v54  }
0x1f4: {  	[tilespmem:s2], [sflag:$0x2] =	stream.indirect_vreg.gather [hbm4b:s11+s3], $0x80, v51, vm0, $0xb8;
	[tilespmem:$0x1FD00] =	vst v63  }
0x1f5: {  	s4 =	simm.s32 $0x6480;
	v58 =	vperm.xlane v23, v16;
	v57 =	vadd.s32 v9, v56  }
0x1f6: {  	[tilespmem:s4], [sflag:$0x2] =	stream.indirect_vreg.gather [hbm4b:s11+s3], $0x80, v53, vm0, $0xb8;
	[tilespmem:$0x1FD00] =	vst v63  }
0x1f7: {  	v60 =	vperm.xlane v23, v17;
	v59 =	vadd.s32 v9, v58;
	s5 =	simm.s32 $0x6500  }
0x1f8: {  	[tilespmem:s5], [sflag:$0x2] =	stream.indirect_vreg.gather [hbm4b:s11+s3], $0x80, v55, vm0, $0xb8;
	[tilespmem:$0x1FD00] =	vst v63  }
0x1f9: {  	v62 =	vperm.xlane v23, v18;
	v61 =	vadd.s32 v9, v60;
	s16 =	simm.s32 $0x6580  }
0x1fa: {  	[tilespmem:s16], [sflag:$0x2] =	stream.indirect_vreg.gather [hbm4b:s11+s3], $0x80, v57, vm0, $0xb8;
	[tilespmem:$0x1FD00] =	vst v63  }
0x1fb: {  	v30 =	vperm.xlane v23, v19;
	v63 =	vadd.s32 v9, v62;
	s17 =	simm.s32 $0x6600  }
0x1fc: {  	[tilespmem:s17], [sflag:$0x2] =	stream.indirect_vreg.gather [hbm4b:s11+s3], $0x80, v59, vm0, $0xb8;
	[tilespmem:$0x1FD00] =	vst v63  }
0x1fd: {  	v32 =	vperm.xlane v23, v20;
	v31 =	vadd.s32 v9, v30;
	s21 =	simm.s32 $0x6680  }
0x1fe: {  	[tilespmem:s21], [sflag:$0x2] =	stream.indirect_vreg.gather [hbm4b:s11+s3], $0x80, v61, vm0, $0xb8;
	[tilespmem:$0x1FD00] =	vst v63  }
0x1ff: {  	v34 =	vperm.xlane v23, v21;
	v33 =	vadd.s32 v9, v32;
	s26 =	simm.s32 $0x6700  }
0x200: {  	[tilespmem:s26], [sflag:$0x2] =	stream.indirect_vreg.gather [hbm4b:s11+s3], $0x80, v63, vm0, $0xb8;
	[tilespmem:$0x1FD00] =	vst v63  }
0x201: {  	v23 =	vperm.xlane v23, v22;
	v35 =	vadd.s32 v9, v34;
	s2 =	simm.s32 $0x6780  }
0x202: {  	[tilespmem:s2], [sflag:$0x2] =	stream.indirect_vreg.gather [hbm4b:s11+s3], $0x80, v31, vm0, $0xb8;
	[tilespmem:$0x1FD00] =	vst v63  }
0x203: {  	v23 =	vadd.s32 v9, v23;
	s4 =	simm.s32 $0x6800  }
0x204: {  	[tilespmem:s4], [sflag:$0x2] =	stream.indirect_vreg.gather [hbm4b:s11+s3], $0x80, v33, vm0, $0xb8;
	[tilespmem:$0x1FD00] =	vst v63  }
0x205: {  	s5 =	simm.s32 $0x6880  }
0x206: {  	[tilespmem:s5], [sflag:$0x2] =	stream.indirect_vreg.gather [hbm4b:s11+s3], $0x80, v35, vm0, $0xb8;
	[tilespmem:$0x1FD00] =	vst v63  }
0x207: {  	s16 =	simm.s32 $0x6900  }
0x208: {  	[tilespmem:s16], [sflag:$0x2] =	stream.indirect_vreg.gather [hbm4b:s11+s3], $0x80, v23, vm0, $0xb8;
	[tilespmem:$0x1FD00] =	vst v63  }
0x209: {  	v23 =	vld [tilespmem:$0x10C0];
	_ =	sdelay $0x4  }
0x20a: {  	v36 =	vshll.u32 v23, $0x1  }
0x20b: {  	v23 =	vand.u32 $0x7, v23;
	v24 =	vand.u32 $0xFFFFFFF0, v36  }
0x20c: {  	v23 =	vor.u32 v23, v24  }
0x20d: {  	v24 =	vperm.xlane v23, v8;
	_ =	sdelay $0x1  }
0x20e: {  	v37 =	vperm.xlane v23, v7;
	v24 =	vadd.s32 v9, v24;
	_ =	sdelay $0x1  }
0x20f: {  	v38 =	vperm.xlane v23, v10;
	v25 =	vadd.s32 v9, v37;
	_ =	sdelay $0x1  }
0x210: {  	s17 =	simm.s32 $0x6980;
	v39 =	vperm.xlane v23, v11;
	v26 =	vadd.s32 v9, v38  }
0x211: {  	[tilespmem:s17], [sflag:$0x2] =	stream.indirect_vreg.gather [hbm4b:s11+s3], $0x80, v24, vm0, $0xb8;
	[tilespmem:$0x1FD00] =	vst v63  }
0x212: {  	s26 =	simm.s32 $0x6A00;
	v41 =	vperm.xlane v23, v12;
	v40 =	vadd.s32 v9, v39  }
0x213: {  	[tilespmem:s26], [sflag:$0x2] =	stream.indirect_vreg.gather [hbm4b:s11+s3], $0x80, v25, vm0, $0xb8;
	[tilespmem:$0x1FD00] =	vst v63  }
0x214: {  	s2 =	simm.s32 $0x6A80;
	v43 =	vperm.xlane v23, v13;
	v42 =	vadd.s32 v9, v41  }
0x215: {  	[tilespmem:s2], [sflag:$0x2] =	stream.indirect_vreg.gather [hbm4b:s11+s3], $0x80, v26, vm0, $0xb8;
	[tilespmem:$0x1FD00] =	vst v63  }
0x216: {  	s4 =	simm.s32 $0x6B00;
	v45 =	vperm.xlane v23, v14;
	v44 =	vadd.s32 v9, v43  }
0x217: {  	[tilespmem:s4], [sflag:$0x2] =	stream.indirect_vreg.gather [hbm4b:s11+s3], $0x80, v40, vm0, $0xb8;
	[tilespmem:$0x1FD00] =	vst v63  }
0x218: {  	s5 =	simm.s32 $0x6B80;
	v47 =	vperm.xlane v23, v6;
	v46 =	vadd.s32 v9, v45  }
0x219: {  	[tilespmem:s5], [sflag:$0x2] =	stream.indirect_vreg.gather [hbm4b:s11+s3], $0x80, v42, vm0, $0xb8;
	[tilespmem:$0x1FD00] =	vst v63  }
0x21a: {  	s16 =	simm.s32 $0x6C00;
	v49 =	vperm.xlane v23, v15;
	v48 =	vadd.s32 v9, v47  }
0x21b: {  	[tilespmem:s16], [sflag:$0x2] =	stream.indirect_vreg.gather [hbm4b:s11+s3], $0x80, v44, vm0, $0xb8;
	[tilespmem:$0x1FD00] =	vst v63  }
0x21c: {  	v51 =	vperm.xlane v23, v16;
	v50 =	vadd.s32 v9, v49;
	s17 =	simm.s32 $0x6C80  }
0x21d: {  	[tilespmem:s17], [sflag:$0x2] =	stream.indirect_vreg.gather [hbm4b:s11+s3], $0x80, v46, vm0, $0xb8;
	[tilespmem:$0x1FD00] =	vst v63  }
0x21e: {  	v53 =	vperm.xlane v23, v17;
	v52 =	vadd.s32 v9, v51;
	s26 =	simm.s32 $0x6D00  }
0x21f: {  	[tilespmem:s26], [sflag:$0x2] =	stream.indirect_vreg.gather [hbm4b:s11+s3], $0x80, v48, vm0, $0xb8;
	[tilespmem:$0x1FD00] =	vst v63  }
0x220: {  	v55 =	vperm.xlane v23, v18;
	v54 =	vadd.s32 v9, v53;
	s2 =	simm.s32 $0x6D80  }
0x221: {  	[tilespmem:s2], [sflag:$0x2] =	stream.indirect_vreg.gather [hbm4b:s11+s3], $0x80, v50, vm0, $0xb8;
	[tilespmem:$0x1FD00] =	vst v63  }
0x222: {  	v57 =	vperm.xlane v23, v19;
	v56 =	vadd.s32 v9, v55;
	s4 =	simm.s32 $0x6E00  }
0x223: {  	[tilespmem:s4], [sflag:$0x2] =	stream.indirect_vreg.gather [hbm4b:s11+s3], $0x80, v52, vm0, $0xb8;
	[tilespmem:$0x1FD00] =	vst v63  }
0x224: {  	v59 =	vperm.xlane v23, v20;
	v58 =	vadd.s32 v9, v57;
	s5 =	simm.s32 $0x6E80  }
0x225: {  	[tilespmem:s5], [sflag:$0x2] =	stream.indirect_vreg.gather [hbm4b:s11+s3], $0x80, v54, vm0, $0xb8;
	[tilespmem:$0x1FD00] =	vst v63  }
0x226: {  	v61 =	vperm.xlane v23, v21;
	v60 =	vadd.s32 v9, v59;
	s16 =	simm.s32 $0x6F00  }
0x227: {  	[tilespmem:s16], [sflag:$0x2] =	stream.indirect_vreg.gather [hbm4b:s11+s3], $0x80, v56, vm0, $0xb8;
	[tilespmem:$0x1FD00] =	vst v63  }
0x228: {  	v23 =	vperm.xlane v23, v22;
	v62 =	vadd.s32 v9, v61;
	s17 =	simm.s32 $0x6F80  }
0x229: {  	[tilespmem:s17], [sflag:$0x2] =	stream.indirect_vreg.gather [hbm4b:s11+s3], $0x80, v58, vm0, $0xb8;
	[tilespmem:$0x1FD00] =	vst v63  }
0x22a: {  	v23 =	vadd.s32 v9, v23;
	s26 =	simm.s32 $0x7000  }
0x22b: {  	[tilespmem:s26], [sflag:$0x2] =	stream.indirect_vreg.gather [hbm4b:s11+s3], $0x80, v60, vm0, $0xb8;
	[tilespmem:$0x1FD00] =	vst v63  }
0x22c: {  	s2 =	simm.s32 $0x7080  }
0x22d: {  	[tilespmem:s2], [sflag:$0x2] =	stream.indirect_vreg.gather [hbm4b:s11+s3], $0x80, v62, vm0, $0xb8;
	[tilespmem:$0x1FD00] =	vst v63  }
0x22e: {  	s4 =	simm.s32 $0x7100  }
0x22f: {  	[tilespmem:s4], [sflag:$0x2] =	stream.indirect_vreg.gather [hbm4b:s11+s3], $0x80, v23, vm0, $0xb8;
	[tilespmem:$0x1FD00] =	vst v63  }
0x230: {  	v23 =	vld [tilespmem:$0x80]  }
0x231: {  	v24 =	vld [tilespmem:$0x90]  }
0x232: {  	v25 =	vld [tilespmem:$0xA0]  }
0x233: {  	v26 =	vld [tilespmem:$0xB0]  }
0x234: {  	v63 =	vld [tilespmem:$0xC0]  }
0x235: {  	[tilespmem:$0x2080] =	vst v23  }
0x236: {  	[tilespmem:$0x2090] =	vst v24  }
0x237: {  	[tilespmem:$0x20A0] =	vst v25  }
0x238: {  	[tilespmem:$0x20B0] =	vst v26  }
0x239: {  	[tilespmem:$0x20C0] =	vst v63  }
0x23a: {  	_ =	swait.ge [sflag:s25], $0x2800  }
0x23b: {  	[sflag:s25] =	ssyncset.done $0x0  }
0x23c: {  	s5 =	simm.s32 $0x2000;
	[sflag:s25] =	ssyncadd.s32 $0xFFFFD800  }
0x23d: {  	[spmem:s1] =	stream.indirect.scatter.add.f32 [tilespmem:s18], [sflag:$0x4], $0x80, s5, s12, $0xb8;
	[tilespmem:$0x1FD00] =	vst v63  }
0x23e: {  	v23 =	vld [tilespmem:$0x1100];
	_ =	sdelay $0x4  }
0x23f: {  	v30 =	vshll.u32 v23, $0x1  }
0x240: {  	v23 =	vand.u32 $0x7, v23;
	v24 =	vand.u32 $0xFFFFFFF0, v30  }
0x241: {  	v23 =	vor.u32 v23, v24  }
0x242: {  	v24 =	vperm.xlane v23, v8;
	_ =	sdelay $0x1  }
0x243: {  	v31 =	vperm.xlane v23, v7;
	v24 =	vadd.s32 v9, v24;
	_ =	sdelay $0x1  }
0x244: {  	v32 =	vperm.xlane v23, v10;
	v25 =	vadd.s32 v9, v31;
	_ =	sdelay $0x1  }
0x245: {  	v33 =	vperm.xlane v23, v11;
	v26 =	vadd.s32 v9, v32  }
0x246: {  	[tilespmem:s7], [sflag:$0x3] =	stream.indirect_vreg.gather [hbm4b:s11+s3], $0x80, v24, vm0, $0xb8;
	[tilespmem:$0x1FD00] =	vst v63  }
0x247: {  	v35 =	vperm.xlane v23, v12;
	v34 =	vadd.s32 v9, v33;
	s7 =	simm.s32 $0x7200  }
0x248: {  	[tilespmem:s7], [sflag:$0x3] =	stream.indirect_vreg.gather [hbm4b:s11+s3], $0x80, v25, vm0, $0xb8;
	[tilespmem:$0x1FD00] =	vst v63  }
0x249: {  	s16 =	simm.s32 $0x7280;
	v37 =	vperm.xlane v23, v13;
	v36 =	vadd.s32 v9, v35  }
0x24a: {  	[tilespmem:s16], [sflag:$0x3] =	stream.indirect_vreg.gather [hbm4b:s11+s3], $0x80, v26, vm0, $0xb8;
	[tilespmem:$0x1FD00] =	vst v63  }
0x24b: {  	s26 =	simm.s32 $0x7300;
	v39 =	vperm.xlane v23, v14;
	v38 =	vadd.s32 v9, v37  }
0x24c: {  	[tilespmem:s26], [sflag:$0x3] =	stream.indirect_vreg.gather [hbm4b:s11+s3], $0x80, v34, vm0, $0xb8;
	[tilespmem:$0x1FD00] =	vst v63  }
0x24d: {  	s2 =	simm.s32 $0x7380;
	v41 =	vperm.xlane v23, v6;
	v40 =	vadd.s32 v9, v39  }
0x24e: {  	[tilespmem:s2], [sflag:$0x3] =	stream.indirect_vreg.gather [hbm4b:s11+s3], $0x80, v36, vm0, $0xb8;
	[tilespmem:$0x1FD00] =	vst v63  }
0x24f: {  	s4 =	simm.s32 $0x7400;
	v43 =	vperm.xlane v23, v15;
	v42 =	vadd.s32 v9, v41  }
0x250: {  	[tilespmem:s4], [sflag:$0x3] =	stream.indirect_vreg.gather [hbm4b:s11+s3], $0x80, v38, vm0, $0xb8;
	[tilespmem:$0x1FD00] =	vst v63  }
0x251: {  	s5 =	simm.s32 $0x7480;
	v45 =	vperm.xlane v23, v16;
	v44 =	vadd.s32 v9, v43  }
0x252: {  	[tilespmem:s5], [sflag:$0x3] =	stream.indirect_vreg.gather [hbm4b:s11+s3], $0x80, v40, vm0, $0xb8;
	[tilespmem:$0x1FD00] =	vst v63  }
0x253: {  	v47 =	vperm.xlane v23, v17;
	v46 =	vadd.s32 v9, v45;
	s7 =	simm.s32 $0x7500  }
0x254: {  	[tilespmem:s7], [sflag:$0x3] =	stream.indirect_vreg.gather [hbm4b:s11+s3], $0x80, v42, vm0, $0xb8;
	[tilespmem:$0x1FD00] =	vst v63  }
0x255: {  	v49 =	vperm.xlane v23, v18;
	v48 =	vadd.s32 v9, v47;
	s16 =	simm.s32 $0x7580  }
0x256: {  	[tilespmem:s16], [sflag:$0x3] =	stream.indirect_vreg.gather [hbm4b:s11+s3], $0x80, v44, vm0, $0xb8;
	[tilespmem:$0x1FD00] =	vst v63  }
0x257: {  	v51 =	vperm.xlane v23, v19;
	v50 =	vadd.s32 v9, v49;
	s26 =	simm.s32 $0x7600  }
0x258: {  	[tilespmem:s26], [sflag:$0x3] =	stream.indirect_vreg.gather [hbm4b:s11+s3], $0x80, v46, vm0, $0xb8;
	[tilespmem:$0x1FD00] =	vst v63  }
0x259: {  	v53 =	vperm.xlane v23, v20;
	v52 =	vadd.s32 v9, v51;
	s2 =	simm.s32 $0x7680  }
0x25a: {  	[tilespmem:s2], [sflag:$0x3] =	stream.indirect_vreg.gather [hbm4b:s11+s3], $0x80, v48, vm0, $0xb8;
	[tilespmem:$0x1FD00] =	vst v63  }
0x25b: {  	v55 =	vperm.xlane v23, v21;
	v54 =	vadd.s32 v9, v53;
	s4 =	simm.s32 $0x7700  }
0x25c: {  	[tilespmem:s4], [sflag:$0x3] =	stream.indirect_vreg.gather [hbm4b:s11+s3], $0x80, v50, vm0, $0xb8;
	[tilespmem:$0x1FD00] =	vst v63  }
0x25d: {  	v23 =	vperm.xlane v23, v22;
	v56 =	vadd.s32 v9, v55;
	s5 =	simm.s32 $0x7780  }
0x25e: {  	[tilespmem:s5], [sflag:$0x3] =	stream.indirect_vreg.gather [hbm4b:s11+s3], $0x80, v52, vm0, $0xb8;
	[tilespmem:$0x1FD00] =	vst v63  }
0x25f: {  	v23 =	vadd.s32 v9, v23;
	s7 =	simm.s32 $0x7800  }
0x260: {  	[tilespmem:s7], [sflag:$0x3] =	stream.indirect_vreg.gather [hbm4b:s11+s3], $0x80, v54, vm0, $0xb8;
	[tilespmem:$0x1FD00] =	vst v63  }
0x261: {  	s16 =	simm.s32 $0x7880  }
0x262: {  	[tilespmem:s16], [sflag:$0x3] =	stream.indirect_vreg.gather [hbm4b:s11+s3], $0x80, v56, vm0, $0xb8;
	[tilespmem:$0x1FD00] =	vst v63  }
0x263: {  	s26 =	simm.s32 $0x7900  }
0x264: {  	[tilespmem:s26], [sflag:$0x3] =	stream.indirect_vreg.gather [hbm4b:s11+s3], $0x80, v23, vm0, $0xb8;
	[tilespmem:$0x1FD00] =	vst v63  }
0x265: {  	v23 =	vld [tilespmem:$0x1110];
	_ =	sdelay $0x4  }
0x266: {  	v57 =	vshll.u32 v23, $0x1  }
0x267: {  	v23 =	vand.u32 $0x7, v23;
	v24 =	vand.u32 $0xFFFFFFF0, v57  }
0x268: {  	v23 =	vor.u32 v23, v24  }
0x269: {  	v24 =	vperm.xlane v23, v8;
	_ =	sdelay $0x1  }
0x26a: {  	v58 =	vperm.xlane v23, v7;
	v24 =	vadd.s32 v9, v24;
	_ =	sdelay $0x1  }
0x26b: {  	v59 =	vperm.xlane v23, v10;
	v25 =	vadd.s32 v9, v58;
	_ =	sdelay $0x1  }
0x26c: {  	s2 =	simm.s32 $0x7980;
	v60 =	vperm.xlane v23, v11;
	v26 =	vadd.s32 v9, v59  }
0x26d: {  	[tilespmem:s2], [sflag:$0x3] =	stream.indirect_vreg.gather [hbm4b:s11+s3], $0x80, v24, vm0, $0xb8;
	[tilespmem:$0x1FD00] =	vst v63  }
0x26e: {  	s4 =	simm.s32 $0x7A00;
	v62 =	vperm.xlane v23, v12;
	v61 =	vadd.s32 v9, v60  }
0x26f: {  	[tilespmem:s4], [sflag:$0x3] =	stream.indirect_vreg.gather [hbm4b:s11+s3], $0x80, v25, vm0, $0xb8;
	[tilespmem:$0x1FD00] =	vst v63  }
0x270: {  	s5 =	simm.s32 $0x7A80;
	v30 =	vperm.xlane v23, v13;
	v63 =	vadd.s32 v9, v62  }
0x271: {  	[tilespmem:s5], [sflag:$0x3] =	stream.indirect_vreg.gather [hbm4b:s11+s3], $0x80, v26, vm0, $0xb8;
	[tilespmem:$0x1FD00] =	vst v63  }
0x272: {  	s7 =	simm.s32 $0x7B00;
	v32 =	vperm.xlane v23, v14;
	v31 =	vadd.s32 v9, v30  }
0x273: {  	[tilespmem:s7], [sflag:$0x3] =	stream.indirect_vreg.gather [hbm4b:s11+s3], $0x80, v61, vm0, $0xb8;
	[tilespmem:$0x1FD00] =	vst v63  }
0x274: {  	s16 =	simm.s32 $0x7B80;
	v34 =	vperm.xlane v23, v6;
	v33 =	vadd.s32 v9, v32  }
0x275: {  	[tilespmem:s16], [sflag:$0x3] =	stream.indirect_vreg.gather [hbm4b:s11+s3], $0x80, v63, vm0, $0xb8;
	[tilespmem:$0x1FD00] =	vst v63  }
0x276: {  	s26 =	simm.s32 $0x7C00;
	v36 =	vperm.xlane v23, v15;
	v35 =	vadd.s32 v9, v34  }
0x277: {  	[tilespmem:s26], [sflag:$0x3] =	stream.indirect_vreg.gather [hbm4b:s11+s3], $0x80, v31, vm0, $0xb8;
	[tilespmem:$0x1FD00] =	vst v63  }
0x278: {  	v38 =	vperm.xlane v23, v16;
	v37 =	vadd.s32 v9, v36;
	s2 =	simm.s32 $0x7C80  }
0x279: {  	[tilespmem:s2], [sflag:$0x3] =	stream.indirect_vreg.gather [hbm4b:s11+s3], $0x80, v33, vm0, $0xb8;
	[tilespmem:$0x1FD00] =	vst v63  }
0x27a: {  	v40 =	vperm.xlane v23, v17;
	v39 =	vadd.s32 v9, v38;
	s4 =	simm.s32 $0x7D00  }
0x27b: {  	[tilespmem:s4], [sflag:$0x3] =	stream.indirect_vreg.gather [hbm4b:s11+s3], $0x80, v35, vm0, $0xb8;
	[tilespmem:$0x1FD00] =	vst v63  }
0x27c: {  	v42 =	vperm.xlane v23, v18;
	v41 =	vadd.s32 v9, v40;
	s5 =	simm.s32 $0x7D80  }
0x27d: {  	[tilespmem:s5], [sflag:$0x3] =	stream.indirect_vreg.gather [hbm4b:s11+s3], $0x80, v37, vm0, $0xb8;
	[tilespmem:$0x1FD00] =	vst v63  }
0x27e: {  	v44 =	vperm.xlane v23, v19;
	v43 =	vadd.s32 v9, v42;
	s7 =	simm.s32 $0x7E00  }
0x27f: {  	[tilespmem:s7], [sflag:$0x3] =	stream.indirect_vreg.gather [hbm4b:s11+s3], $0x80, v39, vm0, $0xb8;
	[tilespmem:$0x1FD00] =	vst v63  }
0x280: {  	v46 =	vperm.xlane v23, v20;
	v45 =	vadd.s32 v9, v44;
	s16 =	simm.s32 $0x7E80  }
0x281: {  	[tilespmem:s16], [sflag:$0x3] =	stream.indirect_vreg.gather [hbm4b:s11+s3], $0x80, v41, vm0, $0xb8;
	[tilespmem:$0x1FD00] =	vst v63  }
0x282: {  	v48 =	vperm.xlane v23, v21;
	v47 =	vadd.s32 v9, v46;
	s26 =	simm.s32 $0x7F00  }
0x283: {  	[tilespmem:s26], [sflag:$0x3] =	stream.indirect_vreg.gather [hbm4b:s11+s3], $0x80, v43, vm0, $0xb8;
	[tilespmem:$0x1FD00] =	vst v63  }
0x284: {  	v23 =	vperm.xlane v23, v22;
	v49 =	vadd.s32 v9, v48;
	s2 =	simm.s32 $0x7F80  }
0x285: {  	[tilespmem:s2], [sflag:$0x3] =	stream.indirect_vreg.gather [hbm4b:s11+s3], $0x80, v45, vm0, $0xb8;
	[tilespmem:$0x1FD00] =	vst v63  }
0x286: {  	v23 =	vadd.s32 v9, v23;
	s4 =	simm.s32 $0x8000  }
0x287: {  	[tilespmem:s4], [sflag:$0x3] =	stream.indirect_vreg.gather [hbm4b:s11+s3], $0x80, v47, vm0, $0xb8;
	[tilespmem:$0x1FD00] =	vst v63  }
0x288: {  	s5 =	simm.s32 $0x8080  }
0x289: {  	[tilespmem:s5], [sflag:$0x3] =	stream.indirect_vreg.gather [hbm4b:s11+s3], $0x80, v49, vm0, $0xb8;
	[tilespmem:$0x1FD00] =	vst v63  }
0x28a: {  	s7 =	simm.s32 $0x8100  }
0x28b: {  	[tilespmem:s7], [sflag:$0x3] =	stream.indirect_vreg.gather [hbm4b:s11+s3], $0x80, v23, vm0, $0xb8;
	[tilespmem:$0x1FD00] =	vst v63  }
0x28c: {  	v23 =	vld [tilespmem:$0x1120];
	_ =	sdelay $0x4  }
0x28d: {  	v50 =	vshll.u32 v23, $0x1  }
0x28e: {  	v23 =	vand.u32 $0x7, v23;
	v24 =	vand.u32 $0xFFFFFFF0, v50  }
0x28f: {  	v23 =	vor.u32 v23, v24  }
0x290: {  	v24 =	vperm.xlane v23, v8;
	_ =	sdelay $0x1  }
0x291: {  	v51 =	vperm.xlane v23, v7;
	v24 =	vadd.s32 v9, v24;
	_ =	sdelay $0x1  }
0x292: {  	v52 =	vperm.xlane v23, v10;
	v25 =	vadd.s32 v9, v51;
	_ =	sdelay $0x1  }
0x293: {  	s16 =	simm.s32 $0x8180;
	v53 =	vperm.xlane v23, v11;
	v26 =	vadd.s32 v9, v52  }
0x294: {  	[tilespmem:s16], [sflag:$0x3] =	stream.indirect_vreg.gather [hbm4b:s11+s3], $0x80, v24, vm0, $0xb8;
	[tilespmem:$0x1FD00] =	vst v63  }
0x295: {  	s26 =	simm.s32 $0x8200;
	v55 =	vperm.xlane v23, v12;
	v54 =	vadd.s32 v9, v53  }
0x296: {  	[tilespmem:s26], [sflag:$0x3] =	stream.indirect_vreg.gather [hbm4b:s11+s3], $0x80, v25, vm0, $0xb8;
	[tilespmem:$0x1FD00] =	vst v63  }
0x297: {  	s2 =	simm.s32 $0x8280;
	v57 =	vperm.xlane v23, v13;
	v56 =	vadd.s32 v9, v55  }
0x298: {  	[tilespmem:s2], [sflag:$0x3] =	stream.indirect_vreg.gather [hbm4b:s11+s3], $0x80, v26, vm0, $0xb8;
	[tilespmem:$0x1FD00] =	vst v63  }
0x299: {  	s4 =	simm.s32 $0x8300;
	v59 =	vperm.xlane v23, v14;
	v58 =	vadd.s32 v9, v57  }
0x29a: {  	[tilespmem:s4], [sflag:$0x3] =	stream.indirect_vreg.gather [hbm4b:s11+s3], $0x80, v54, vm0, $0xb8;
	[tilespmem:$0x1FD00] =	vst v63  }
0x29b: {  	s5 =	simm.s32 $0x8380;
	v61 =	vperm.xlane v23, v6;
	v60 =	vadd.s32 v9, v59  }
0x29c: {  	[tilespmem:s5], [sflag:$0x3] =	stream.indirect_vreg.gather [hbm4b:s11+s3], $0x80, v56, vm0, $0xb8;
	[tilespmem:$0x1FD00] =	vst v63  }
0x29d: {  	s7 =	simm.s32 $0x8400;
	v63 =	vperm.xlane v23, v15;
	v62 =	vadd.s32 v9, v61  }
0x29e: {  	[tilespmem:s7], [sflag:$0x3] =	stream.indirect_vreg.gather [hbm4b:s11+s3], $0x80, v58, vm0, $0xb8;
	[tilespmem:$0x1FD00] =	vst v63  }
0x29f: {  	v31 =	vperm.xlane v23, v16;
	v30 =	vadd.s32 v9, v63;
	s16 =	simm.s32 $0x8480  }
0x2a0: {  	[tilespmem:s16], [sflag:$0x3] =	stream.indirect_vreg.gather [hbm4b:s11+s3], $0x80, v60, vm0, $0xb8;
	[tilespmem:$0x1FD00] =	vst v63  }
0x2a1: {  	v33 =	vperm.xlane v23, v17;
	v32 =	vadd.s32 v9, v31;
	s26 =	simm.s32 $0x8500  }
0x2a2: {  	[tilespmem:s26], [sflag:$0x3] =	stream.indirect_vreg.gather [hbm4b:s11+s3], $0x80, v62, vm0, $0xb8;
	[tilespmem:$0x1FD00] =	vst v63  }
0x2a3: {  	v35 =	vperm.xlane v23, v18;
	v34 =	vadd.s32 v9, v33;
	s2 =	simm.s32 $0x8580  }
0x2a4: {  	[tilespmem:s2], [sflag:$0x3] =	stream.indirect_vreg.gather [hbm4b:s11+s3], $0x80, v30, vm0, $0xb8;
	[tilespmem:$0x1FD00] =	vst v63  }
0x2a5: {  	v37 =	vperm.xlane v23, v19;
	v36 =	vadd.s32 v9, v35;
	s4 =	simm.s32 $0x8600  }
0x2a6: {  	[tilespmem:s4], [sflag:$0x3] =	stream.indirect_vreg.gather [hbm4b:s11+s3], $0x80, v32, vm0, $0xb8;
	[tilespmem:$0x1FD00] =	vst v63  }
0x2a7: {  	v39 =	vperm.xlane v23, v20;
	v38 =	vadd.s32 v9, v37;
	s5 =	simm.s32 $0x8680  }
0x2a8: {  	[tilespmem:s5], [sflag:$0x3] =	stream.indirect_vreg.gather [hbm4b:s11+s3], $0x80, v34, vm0, $0xb8;
	[tilespmem:$0x1FD00] =	vst v63  }
0x2a9: {  	v41 =	vperm.xlane v23, v21;
	v40 =	vadd.s32 v9, v39;
	s7 =	simm.s32 $0x8700  }
0x2aa: {  	[tilespmem:s7], [sflag:$0x3] =	stream.indirect_vreg.gather [hbm4b:s11+s3], $0x80, v36, vm0, $0xb8;
	[tilespmem:$0x1FD00] =	vst v63  }
0x2ab: {  	v23 =	vperm.xlane v23, v22;
	v42 =	vadd.s32 v9, v41;
	s16 =	simm.s32 $0x8780  }
0x2ac: {  	[tilespmem:s16], [sflag:$0x3] =	stream.indirect_vreg.gather [hbm4b:s11+s3], $0x80, v38, vm0, $0xb8;
	[tilespmem:$0x1FD00] =	vst v63  }
0x2ad: {  	v23 =	vadd.s32 v9, v23;
	s26 =	simm.s32 $0x8800  }
0x2ae: {  	[tilespmem:s26], [sflag:$0x3] =	stream.indirect_vreg.gather [hbm4b:s11+s3], $0x80, v40, vm0, $0xb8;
	[tilespmem:$0x1FD00] =	vst v63  }
0x2af: {  	s2 =	simm.s32 $0x8880  }
0x2b0: {  	[tilespmem:s2], [sflag:$0x3] =	stream.indirect_vreg.gather [hbm4b:s11+s3], $0x80, v42, vm0, $0xb8;
	[tilespmem:$0x1FD00] =	vst v63  }
0x2b1: {  	s4 =	simm.s32 $0x8900  }
0x2b2: {  	[tilespmem:s4], [sflag:$0x3] =	stream.indirect_vreg.gather [hbm4b:s11+s3], $0x80, v23, vm0, $0xb8;
	[tilespmem:$0x1FD00] =	vst v63  }
0x2b3: {  	v23 =	vld [tilespmem:$0x1130];
	_ =	sdelay $0x4  }
0x2b4: {  	v43 =	vshll.u32 v23, $0x1  }
0x2b5: {  	v23 =	vand.u32 $0x7, v23;
	v24 =	vand.u32 $0xFFFFFFF0, v43  }
0x2b6: {  	v23 =	vor.u32 v23, v24  }
0x2b7: {  	v24 =	vperm.xlane v23, v8;
	_ =	sdelay $0x1  }
0x2b8: {  	v44 =	vperm.xlane v23, v7;
	v24 =	vadd.s32 v9, v24;
	_ =	sdelay $0x1  }
0x2b9: {  	v45 =	vperm.xlane v23, v10;
	v25 =	vadd.s32 v9, v44;
	_ =	sdelay $0x1  }
0x2ba: {  	s5 =	simm.s32 $0x8980;
	v46 =	vperm.xlane v23, v11;
	v26 =	vadd.s32 v9, v45  }
0x2bb: {  	[tilespmem:s5], [sflag:$0x3] =	stream.indirect_vreg.gather [hbm4b:s11+s3], $0x80, v24, vm0, $0xb8;
	[tilespmem:$0x1FD00] =	vst v63  }
0x2bc: {  	s7 =	simm.s32 $0x8A00;
	v48 =	vperm.xlane v23, v12;
	v47 =	vadd.s32 v9, v46  }
0x2bd: {  	[tilespmem:s7], [sflag:$0x3] =	stream.indirect_vreg.gather [hbm4b:s11+s3], $0x80, v25, vm0, $0xb8;
	[tilespmem:$0x1FD00] =	vst v63  }
0x2be: {  	s16 =	simm.s32 $0x8A80;
	v50 =	vperm.xlane v23, v13;
	v49 =	vadd.s32 v9, v48  }
0x2bf: {  	[tilespmem:s16], [sflag:$0x3] =	stream.indirect_vreg.gather [hbm4b:s11+s3], $0x80, v26, vm0, $0xb8;
	[tilespmem:$0x1FD00] =	vst v63  }
0x2c0: {  	s26 =	simm.s32 $0x8B00;
	v52 =	vperm.xlane v23, v14;
	v51 =	vadd.s32 v9, v50  }
0x2c1: {  	[tilespmem:s26], [sflag:$0x3] =	stream.indirect_vreg.gather [hbm4b:s11+s3], $0x80, v47, vm0, $0xb8;
	[tilespmem:$0x1FD00] =	vst v63  }
0x2c2: {  	s2 =	simm.s32 $0x8B80;
	v54 =	vperm.xlane v23, v6;
	v53 =	vadd.s32 v9, v52  }
0x2c3: {  	[tilespmem:s2], [sflag:$0x3] =	stream.indirect_vreg.gather [hbm4b:s11+s3], $0x80, v49, vm0, $0xb8;
	[tilespmem:$0x1FD00] =	vst v63  }
0x2c4: {  	s4 =	simm.s32 $0x8C00;
	v56 =	vperm.xlane v23, v15;
	v55 =	vadd.s32 v9, v54  }
0x2c5: {  	[tilespmem:s4], [sflag:$0x3] =	stream.indirect_vreg.gather [hbm4b:s11+s3], $0x80, v51, vm0, $0xb8;
	[tilespmem:$0x1FD00] =	vst v63  }
0x2c6: {  	v58 =	vperm.xlane v23, v16;
	v57 =	vadd.s32 v9, v56;
	s5 =	simm.s32 $0x8C80  }
0x2c7: {  	[tilespmem:s5], [sflag:$0x3] =	stream.indirect_vreg.gather [hbm4b:s11+s3], $0x80, v53, vm0, $0xb8;
	[tilespmem:$0x1FD00] =	vst v63  }
0x2c8: {  	v60 =	vperm.xlane v23, v17;
	v59 =	vadd.s32 v9, v58;
	s7 =	simm.s32 $0x8D00  }
0x2c9: {  	[tilespmem:s7], [sflag:$0x3] =	stream.indirect_vreg.gather [hbm4b:s11+s3], $0x80, v55, vm0, $0xb8;
	[tilespmem:$0x1FD00] =	vst v63  }
0x2ca: {  	v62 =	vperm.xlane v23, v18;
	v61 =	vadd.s32 v9, v60;
	s16 =	simm.s32 $0x8D80  }
0x2cb: {  	[tilespmem:s16], [sflag:$0x3] =	stream.indirect_vreg.gather [hbm4b:s11+s3], $0x80, v57, vm0, $0xb8;
	[tilespmem:$0x1FD00] =	vst v63  }
0x2cc: {  	v30 =	vperm.xlane v23, v19;
	v63 =	vadd.s32 v9, v62;
	s26 =	simm.s32 $0x8E00  }
0x2cd: {  	[tilespmem:s26], [sflag:$0x3] =	stream.indirect_vreg.gather [hbm4b:s11+s3], $0x80, v59, vm0, $0xb8;
	[tilespmem:$0x1FD00] =	vst v63  }
0x2ce: {  	v32 =	vperm.xlane v23, v20;
	v31 =	vadd.s32 v9, v30;
	s2 =	simm.s32 $0x8E80  }
0x2cf: {  	[tilespmem:s2], [sflag:$0x3] =	stream.indirect_vreg.gather [hbm4b:s11+s3], $0x80, v61, vm0, $0xb8;
	[tilespmem:$0x1FD00] =	vst v63  }
0x2d0: {  	v34 =	vperm.xlane v23, v21;
	v33 =	vadd.s32 v9, v32;
	s4 =	simm.s32 $0x8F00  }
0x2d1: {  	[tilespmem:s4], [sflag:$0x3] =	stream.indirect_vreg.gather [hbm4b:s11+s3], $0x80, v63, vm0, $0xb8;
	[tilespmem:$0x1FD00] =	vst v63  }
0x2d2: {  	v23 =	vperm.xlane v23, v22;
	v35 =	vadd.s32 v9, v34;
	s5 =	simm.s32 $0x8F80  }
0x2d3: {  	[tilespmem:s5], [sflag:$0x3] =	stream.indirect_vreg.gather [hbm4b:s11+s3], $0x80, v31, vm0, $0xb8;
	[tilespmem:$0x1FD00] =	vst v63  }
0x2d4: {  	v23 =	vadd.s32 v9, v23;
	s7 =	simm.s32 $0x9000  }
0x2d5: {  	[tilespmem:s7], [sflag:$0x3] =	stream.indirect_vreg.gather [hbm4b:s11+s3], $0x80, v33, vm0, $0xb8;
	[tilespmem:$0x1FD00] =	vst v63  }
0x2d6: {  	s16 =	simm.s32 $0x9080  }
0x2d7: {  	[tilespmem:s16], [sflag:$0x3] =	stream.indirect_vreg.gather [hbm4b:s11+s3], $0x80, v35, vm0, $0xb8;
	[tilespmem:$0x1FD00] =	vst v63  }
0x2d8: {  	s26 =	simm.s32 $0x9100  }
0x2d9: {  	[tilespmem:s26], [sflag:$0x3] =	stream.indirect_vreg.gather [hbm4b:s11+s3], $0x80, v23, vm0, $0xb8;
	[tilespmem:$0x1FD00] =	vst v63  }
0x2da: {  	v23 =	vld [tilespmem:$0x1140];
	_ =	sdelay $0x4  }
0x2db: {  	v36 =	vshll.u32 v23, $0x1  }
0x2dc: {  	v23 =	vand.u32 $0x7, v23;
	v24 =	vand.u32 $0xFFFFFFF0, v36  }
0x2dd: {  	v23 =	vor.u32 v23, v24  }
0x2de: {  	v24 =	vperm.xlane v23, v8;
	_ =	sdelay $0x1  }
0x2df: {  	v37 =	vperm.xlane v23, v7;
	v24 =	vadd.s32 v9, v24;
	_ =	sdelay $0x1  }
0x2e0: {  	v38 =	vperm.xlane v23, v10;
	v25 =	vadd.s32 v9, v37;
	_ =	sdelay $0x1  }
0x2e1: {  	v39 =	vperm.xlane v23, v11;
	v26 =	vadd.s32 v9, v38  }
0x2e2: {  	[tilespmem:s9], [sflag:$0x3] =	stream.indirect_vreg.gather [hbm4b:s11+s3], $0x80, v24, vm0, $0xb8;
	[tilespmem:$0x1FD00] =	vst v63  }
0x2e3: {  	v41 =	vperm.xlane v23, v12;
	v40 =	vadd.s32 v9, v39  }
0x2e4: {  	[tilespmem:s24], [sflag:$0x3] =	stream.indirect_vreg.gather [hbm4b:s11+s3], $0x80, v25, vm0, $0xb8;
	[tilespmem:$0x1FD00] =	vst v63  }
0x2e5: {  	v43 =	vperm.xlane v23, v13;
	v42 =	vadd.s32 v9, v41  }
0x2e6: {  	[tilespmem:s28], [sflag:$0x3] =	stream.indirect_vreg.gather [hbm4b:s11+s3], $0x80, v26, vm0, $0xb8;
	[tilespmem:$0x1FD00] =	vst v63  }
0x2e7: {  	v45 =	vperm.xlane v23, v14;
	v44 =	vadd.s32 v9, v43  }
0x2e8: {  	[tilespmem:s30], [sflag:$0x3] =	stream.indirect_vreg.gather [hbm4b:s11+s3], $0x80, v40, vm0, $0xb8;
	[tilespmem:$0x1FD00] =	vst v63  }
0x2e9: {  	v47 =	vperm.xlane v23, v6;
	v46 =	vadd.s32 v9, v45  }
0x2ea: {  	[tilespmem:s29], [sflag:$0x3] =	stream.indirect_vreg.gather [hbm4b:s11+s3], $0x80, v42, vm0, $0xb8;
	[tilespmem:$0x1FD00] =	vst v63  }
0x2eb: {  	v49 =	vperm.xlane v23, v15;
	v48 =	vadd.s32 v9, v47  }
0x2ec: {  	[tilespmem:s31], [sflag:$0x3] =	stream.indirect_vreg.gather [hbm4b:s11+s3], $0x80, v44, vm0, $0xb8;
	[tilespmem:$0x1FD00] =	vst v63  }
0x2ed: {  	v51 =	vperm.xlane v23, v16;
	v50 =	vadd.s32 v9, v49  }
0x2ee: {  	[tilespmem:s20], [sflag:$0x3] =	stream.indirect_vreg.gather [hbm4b:s11+s3], $0x80, v46, vm0, $0xb8;
	[tilespmem:$0x1FD00] =	vst v63  }
0x2ef: {  	v53 =	vperm.xlane v23, v17;
	v52 =	vadd.s32 v9, v51  }
0x2f0: {  	[tilespmem:s14], [sflag:$0x3] =	stream.indirect_vreg.gather [hbm4b:s11+s3], $0x80, v48, vm0, $0xb8;
	[tilespmem:$0x1FD00] =	vst v63  }
0x2f1: {  	v55 =	vperm.xlane v23, v18;
	v54 =	vadd.s32 v9, v53  }
0x2f2: {  	[tilespmem:s8], [sflag:$0x3] =	stream.indirect_vreg.gather [hbm4b:s11+s3], $0x80, v50, vm0, $0xb8;
	[tilespmem:$0x1FD00] =	vst v63  }
0x2f3: {  	v57 =	vperm.xlane v23, v19;
	v56 =	vadd.s32 v9, v55;
	s8 =	simm.s32 $0x9600  }
0x2f4: {  	[tilespmem:s8], [sflag:$0x3] =	stream.indirect_vreg.gather [hbm4b:s11+s3], $0x80, v52, vm0, $0xb8;
	[tilespmem:$0x1FD00] =	vst v63  }
0x2f5: {  	v59 =	vperm.xlane v23, v20;
	v58 =	vadd.s32 v9, v57  }
0x2f6: {  	[tilespmem:s10], [sflag:$0x3] =	stream.indirect_vreg.gather [hbm4b:s11+s3], $0x80, v54, vm0, $0xb8;
	[tilespmem:$0x1FD00] =	vst v63  }
0x2f7: {  	v61 =	vperm.xlane v23, v21;
	v60 =	vadd.s32 v9, v59  }
0x2f8: {  	[tilespmem:s13], [sflag:$0x3] =	stream.indirect_vreg.gather [hbm4b:s11+s3], $0x80, v56, vm0, $0xb8;
	[tilespmem:$0x1FD00] =	vst v63  }
0x2f9: {  	v23 =	vperm.xlane v23, v22;
	v62 =	vadd.s32 v9, v61;
	s10 =	simm.s32 $0x9780  }
0x2fa: {  	[tilespmem:s10], [sflag:$0x3] =	stream.indirect_vreg.gather [hbm4b:s11+s3], $0x80, v58, vm0, $0xb8;
	[tilespmem:$0x1FD00] =	vst v63  }
0x2fb: {  	s4 =	simm.s32 $0x9800;
	v23 =	vadd.s32 v9, v23  }
0x2fc: {  	[tilespmem:s4], [sflag:$0x3] =	stream.indirect_vreg.gather [hbm4b:s11+s3], $0x80, v60, vm0, $0xb8;
	[tilespmem:$0x1FD00] =	vst v63  }
0x2fd: {  	s5 =	simm.s32 $0x9880  }
0x2fe: {  	[tilespmem:s5], [sflag:$0x3] =	stream.indirect_vreg.gather [hbm4b:s11+s3], $0x80, v62, vm0, $0xb8;
	[tilespmem:$0x1FD00] =	vst v63  }
0x2ff: {  	s7 =	simm.s32 $0x9900  }
0x300: {  	[tilespmem:s7], [sflag:$0x3] =	stream.indirect_vreg.gather [hbm4b:s11+s3], $0x80, v23, vm0, $0xb8;
	[tilespmem:$0x1FD00] =	vst v63  }
0x301: {  	v23 =	vld [tilespmem:$0x100]  }
0x302: {  	v24 =	vld [tilespmem:$0x110]  }
0x303: {  	v25 =	vld [tilespmem:$0x120]  }
0x304: {  	v26 =	vld [tilespmem:$0x130]  }
0x305: {  	v63 =	vld [tilespmem:$0x140]  }
0x306: {  	[tilespmem:$0x2100] =	vst v23  }
0x307: {  	[tilespmem:$0x2110] =	vst v24  }
0x308: {  	[tilespmem:$0x2120] =	vst v25  }
0x309: {  	s0 =	simm.s32 $0x9300;
	s21 =	simm.s32 $0x4980;
	s17 =	simm.s32 $0x7180;
	[tilespmem:$0x2130] =	vst v26  }
0x30a: {  	s2 =	simm.s32 $0x2080;
	s16 =	simm.s32 $0xB00;
	s9 =	simm.s32 $0x9480;
	[tilespmem:$0x2140] =	vst v63  }
0x30b: {  	s24 =	simm.s32 $0x9500;
	s28 =	simm.s32 $0x9180;
	_ =	swait.ge [sflag:s15], $0x2800  }
0x30c: {  	s30 =	simm.s32 $0x9200;
	s31 =	simm.s32 $0x9280;
	[sflag:s15] =	ssyncset.done $0x0  }
0x30d: {  	s14 =	simm.s32 $0x9700;
	s13 =	simm.s32 $0x9680;
	[sflag:s15] =	ssyncadd.s32 $0xFFFFD800  }
0x30e: {  	[spmem:s1] =	stream.indirect.scatter.add.f32 [tilespmem:s21], [sflag:$0x5], $0x80, s2, s12, $0xb8;
	[tilespmem:$0x1FD00] =	vst v63  }
.LBB2_9:
0x30f: {  	_ =	swait.ge [sflag:s19], $0x2800  }
0x310: {  	[sflag:s19] =	ssyncset.done $0x0  }
0x311: {  	s26 =	sshra.s32 s16, $0x2;
	[sflag:s19] =	ssyncadd.s32 $0xFFFFD800  }
0x312: {  	v23 =	vld [tilespmem:s26+$0xEC0];
	_ =	sdelay $0x4  }
0x313: {  	v24 =	vshll.u32 v23, $0x1  }
0x314: {  	v23 =	vand.u32 $0x7, v23;
	v24 =	vand.u32 $0xFFFFFFF0, v24  }
0x315: {  	v23 =	vor.u32 v23, v24  }
0x316: {  	v24 =	vperm.xlane v23, v8;
	_ =	sdelay $0x1  }
0x317: {  	v25 =	vperm.xlane v23, v7;
	v24 =	vadd.s32 v9, v24;
	_ =	sdelay $0x1  }
0x318: {  	v26 =	vperm.xlane v23, v10;
	v25 =	vadd.s32 v9, v25;
	_ =	sdelay $0x1  }
0x319: {  	v27 =	vperm.xlane v23, v11;
	v26 =	vadd.s32 v9, v26  }
0x31a: {  	[tilespmem:s18], [sflag:$0x1] =	stream.indirect_vreg.gather [hbm4b:s11+s3], $0x80, v24, vm0, $0xb8;
	[tilespmem:$0x1FD00] =	vst v63  }
0x31b: {  	s20 =	simm.s32 $0x2200;
	v38 =	vperm.xlane v23, v12;
	v37 =	vadd.s32 v9, v27  }
0x31c: {  	[tilespmem:s20], [sflag:$0x1] =	stream.indirect_vreg.gather [hbm4b:s11+s3], $0x80, v25, vm0, $0xb8;
	[tilespmem:$0x1FD00] =	vst v63  }
0x31d: {  	v40 =	vperm.xlane v23, v13;
	v39 =	vadd.s32 v9, v38;
	s20 =	simm.s32 $0x2280  }
0x31e: {  	[tilespmem:s20], [sflag:$0x1] =	stream.indirect_vreg.gather [hbm4b:s11+s3], $0x80, v26, vm0, $0xb8;
	[tilespmem:$0x1FD00] =	vst v63  }
0x31f: {  	v42 =	vperm.xlane v23, v14;
	v41 =	vadd.s32 v9, v40;
	s20 =	simm.s32 $0x2300  }
0x320: {  	[tilespmem:s20], [sflag:$0x1] =	stream.indirect_vreg.gather [hbm4b:s11+s3], $0x80, v37, vm0, $0xb8;
	[tilespmem:$0x1FD00] =	vst v63  }
0x321: {  	v44 =	vperm.xlane v23, v6;
	v43 =	vadd.s32 v9, v42;
	s20 =	simm.s32 $0x2380  }
0x322: {  	[tilespmem:s20], [sflag:$0x1] =	stream.indirect_vreg.gather [hbm4b:s11+s3], $0x80, v39, vm0, $0xb8;
	[tilespmem:$0x1FD00] =	vst v63  }
0x323: {  	v46 =	vperm.xlane v23, v15;
	v45 =	vadd.s32 v9, v44;
	s20 =	simm.s32 $0x2400  }
0x324: {  	[tilespmem:s20], [sflag:$0x1] =	stream.indirect_vreg.gather [hbm4b:s11+s3], $0x80, v41, vm0, $0xb8;
	[tilespmem:$0x1FD00] =	vst v63  }
0x325: {  	v48 =	vperm.xlane v23, v16;
	v47 =	vadd.s32 v9, v46;
	s20 =	simm.s32 $0x2480  }
0x326: {  	[tilespmem:s20], [sflag:$0x1] =	stream.indirect_vreg.gather [hbm4b:s11+s3], $0x80, v43, vm0, $0xb8;
	[tilespmem:$0x1FD00] =	vst v63  }
0x327: {  	v50 =	vperm.xlane v23, v17;
	v49 =	vadd.s32 v9, v48;
	s20 =	simm.s32 $0x2500  }
0x328: {  	[tilespmem:s20], [sflag:$0x1] =	stream.indirect_vreg.gather [hbm4b:s11+s3], $0x80, v45, vm0, $0xb8;
	[tilespmem:$0x1FD00] =	vst v63  }
0x329: {  	v52 =	vperm.xlane v23, v18;
	v51 =	vadd.s32 v9, v50;
	s20 =	simm.s32 $0x2580  }
0x32a: {  	[tilespmem:s20], [sflag:$0x1] =	stream.indirect_vreg.gather [hbm4b:s11+s3], $0x80, v47, vm0, $0xb8;
	[tilespmem:$0x1FD00] =	vst v63  }
0x32b: {  	v54 =	vperm.xlane v23, v19;
	v53 =	vadd.s32 v9, v52;
	s20 =	simm.s32 $0x2600  }
0x32c: {  	[tilespmem:s20], [sflag:$0x1] =	stream.indirect_vreg.gather [hbm4b:s11+s3], $0x80, v49, vm0, $0xb8;
	[tilespmem:$0x1FD00] =	vst v63  }
0x32d: {  	v56 =	vperm.xlane v23, v20;
	v55 =	vadd.s32 v9, v54;
	s20 =	simm.s32 $0x2680  }
0x32e: {  	[tilespmem:s20], [sflag:$0x1] =	stream.indirect_vreg.gather [hbm4b:s11+s3], $0x80, v51, vm0, $0xb8;
	[tilespmem:$0x1FD00] =	vst v63  }
0x32f: {  	v58 =	vperm.xlane v23, v21;
	v57 =	vadd.s32 v9, v56;
	s20 =	simm.s32 $0x2700  }
0x330: {  	[tilespmem:s20], [sflag:$0x1] =	stream.indirect_vreg.gather [hbm4b:s11+s3], $0x80, v53, vm0, $0xb8;
	[tilespmem:$0x1FD00] =	vst v63  }
0x331: {  	v23 =	vperm.xlane v23, v22;
	v59 =	vadd.s32 v9, v58;
	s20 =	simm.s32 $0x2780  }
0x332: {  	[tilespmem:s20], [sflag:$0x1] =	stream.indirect_vreg.gather [hbm4b:s11+s3], $0x80, v55, vm0, $0xb8;
	[tilespmem:$0x1FD00] =	vst v63  }
0x333: {  	v23 =	vadd.s32 v9, v23;
	s20 =	simm.s32 $0x2800  }
0x334: {  	[tilespmem:s20], [sflag:$0x1] =	stream.indirect_vreg.gather [hbm4b:s11+s3], $0x80, v57, vm0, $0xb8;
	[tilespmem:$0x1FD00] =	vst v63  }
0x335: {  	s20 =	simm.s32 $0x2880  }
0x336: {  	[tilespmem:s20], [sflag:$0x1] =	stream.indirect_vreg.gather [hbm4b:s11+s3], $0x80, v59, vm0, $0xb8;
	[tilespmem:$0x1FD00] =	vst v63  }
0x337: {  	s20 =	simm.s32 $0x2900  }
0x338: {  	[tilespmem:s20], [sflag:$0x1] =	stream.indirect_vreg.gather [hbm4b:s11+s3], $0x80, v23, vm0, $0xb8;
	[tilespmem:$0x1FD00] =	vst v63  }
0x339: {  	v23 =	vld [tilespmem:s26+$0xED0];
	_ =	sdelay $0x4  }
0x33a: {  	v60 =	vshll.u32 v23, $0x1  }
0x33b: {  	v23 =	vand.u32 $0x7, v23;
	v24 =	vand.u32 $0xFFFFFFF0, v60  }
0x33c: {  	v23 =	vor.u32 v23, v24  }
0x33d: {  	v24 =	vperm.xlane v23, v8;
	_ =	sdelay $0x1  }
0x33e: {  	v61 =	vperm.xlane v23, v7;
	v24 =	vadd.s32 v9, v24;
	_ =	sdelay $0x1  }
0x33f: {  	v62 =	vperm.xlane v23, v10;
	v25 =	vadd.s32 v9, v61;
	_ =	sdelay $0x1  }
0x340: {  	s20 =	simm.s32 $0x2980;
	v63 =	vperm.xlane v23, v11;
	v26 =	vadd.s32 v9, v62  }
0x341: {  	[tilespmem:s20], [sflag:$0x1] =	stream.indirect_vreg.gather [hbm4b:s11+s3], $0x80, v24, vm0, $0xb8;
	[tilespmem:$0x1FD00] =	vst v63  }
0x342: {  	v31 =	vperm.xlane v23, v12;
	v30 =	vadd.s32 v9, v63;
	s20 =	simm.s32 $0x2A00  }
0x343: {  	[tilespmem:s20], [sflag:$0x1] =	stream.indirect_vreg.gather [hbm4b:s11+s3], $0x80, v25, vm0, $0xb8;
	[tilespmem:$0x1FD00] =	vst v63  }
0x344: {  	v33 =	vperm.xlane v23, v13;
	v32 =	vadd.s32 v9, v31;
	s20 =	simm.s32 $0x2A80  }
0x345: {  	[tilespmem:s20], [sflag:$0x1] =	stream.indirect_vreg.gather [hbm4b:s11+s3], $0x80, v26, vm0, $0xb8;
	[tilespmem:$0x1FD00] =	vst v63  }
0x346: {  	v35 =	vperm.xlane v23, v14;
	v34 =	vadd.s32 v9, v33;
	s20 =	simm.s32 $0x2B00  }
0x347: {  	[tilespmem:s20], [sflag:$0x1] =	stream.indirect_vreg.gather [hbm4b:s11+s3], $0x80, v30, vm0, $0xb8;
	[tilespmem:$0x1FD00] =	vst v63  }
0x348: {  	v37 =	vperm.xlane v23, v6;
	v36 =	vadd.s32 v9, v35;
	s20 =	simm.s32 $0x2B80  }
0x349: {  	[tilespmem:s20], [sflag:$0x1] =	stream.indirect_vreg.gather [hbm4b:s11+s3], $0x80, v32, vm0, $0xb8;
	[tilespmem:$0x1FD00] =	vst v63  }
0x34a: {  	v39 =	vperm.xlane v23, v15;
	v38 =	vadd.s32 v9, v37;
	s20 =	simm.s32 $0x2C00  }
0x34b: {  	[tilespmem:s20], [sflag:$0x1] =	stream.indirect_vreg.gather [hbm4b:s11+s3], $0x80, v34, vm0, $0xb8;
	[tilespmem:$0x1FD00] =	vst v63  }
0x34c: {  	v41 =	vperm.xlane v23, v16;
	v40 =	vadd.s32 v9, v39;
	s20 =	simm.s32 $0x2C80  }
0x34d: {  	[tilespmem:s20], [sflag:$0x1] =	stream.indirect_vreg.gather [hbm4b:s11+s3], $0x80, v36, vm0, $0xb8;
	[tilespmem:$0x1FD00] =	vst v63  }
0x34e: {  	v43 =	vperm.xlane v23, v17;
	v42 =	vadd.s32 v9, v41;
	s20 =	simm.s32 $0x2D00  }
0x34f: {  	[tilespmem:s20], [sflag:$0x1] =	stream.indirect_vreg.gather [hbm4b:s11+s3], $0x80, v38, vm0, $0xb8;
	[tilespmem:$0x1FD00] =	vst v63  }
0x350: {  	v45 =	vperm.xlane v23, v18;
	v44 =	vadd.s32 v9, v43;
	s20 =	simm.s32 $0x2D80  }
0x351: {  	[tilespmem:s20], [sflag:$0x1] =	stream.indirect_vreg.gather [hbm4b:s11+s3], $0x80, v40, vm0, $0xb8;
	[tilespmem:$0x1FD00] =	vst v63  }
0x352: {  	v47 =	vperm.xlane v23, v19;
	v46 =	vadd.s32 v9, v45;
	s20 =	simm.s32 $0x2E00  }
0x353: {  	[tilespmem:s20], [sflag:$0x1] =	stream.indirect_vreg.gather [hbm4b:s11+s3], $0x80, v42, vm0, $0xb8;
	[tilespmem:$0x1FD00] =	vst v63  }
0x354: {  	v49 =	vperm.xlane v23, v20;
	v48 =	vadd.s32 v9, v47;
	s20 =	simm.s32 $0x2E80  }
0x355: {  	[tilespmem:s20], [sflag:$0x1] =	stream.indirect_vreg.gather [hbm4b:s11+s3], $0x80, v44, vm0, $0xb8;
	[tilespmem:$0x1FD00] =	vst v63  }
0x356: {  	v51 =	vperm.xlane v23, v21;
	v50 =	vadd.s32 v9, v49;
	s20 =	simm.s32 $0x2F00  }
0x357: {  	[tilespmem:s20], [sflag:$0x1] =	stream.indirect_vreg.gather [hbm4b:s11+s3], $0x80, v46, vm0, $0xb8;
	[tilespmem:$0x1FD00] =	vst v63  }
0x358: {  	v23 =	vperm.xlane v23, v22;
	v52 =	vadd.s32 v9, v51;
	s20 =	simm.s32 $0x2F80  }
0x359: {  	[tilespmem:s20], [sflag:$0x1] =	stream.indirect_vreg.gather [hbm4b:s11+s3], $0x80, v48, vm0, $0xb8;
	[tilespmem:$0x1FD00] =	vst v63  }
0x35a: {  	v23 =	vadd.s32 v9, v23;
	s20 =	simm.s32 $0x3000  }
0x35b: {  	[tilespmem:s20], [sflag:$0x1] =	stream.indirect_vreg.gather [hbm4b:s11+s3], $0x80, v50, vm0, $0xb8;
	[tilespmem:$0x1FD00] =	vst v63  }
0x35c: {  	s20 =	simm.s32 $0x3080  }
0x35d: {  	[tilespmem:s20], [sflag:$0x1] =	stream.indirect_vreg.gather [hbm4b:s11+s3], $0x80, v52, vm0, $0xb8;
	[tilespmem:$0x1FD00] =	vst v63  }
0x35e: {  	s20 =	simm.s32 $0x3100  }
0x35f: {  	[tilespmem:s20], [sflag:$0x1] =	stream.indirect_vreg.gather [hbm4b:s11+s3], $0x80, v23, vm0, $0xb8;
	[tilespmem:$0x1FD00] =	vst v63  }
0x360: {  	v23 =	vld [tilespmem:s26+$0xEE0];
	_ =	sdelay $0x4  }
0x361: {  	v53 =	vshll.u32 v23, $0x1  }
0x362: {  	v23 =	vand.u32 $0x7, v23;
	v24 =	vand.u32 $0xFFFFFFF0, v53  }
0x363: {  	v23 =	vor.u32 v23, v24  }
0x364: {  	v24 =	vperm.xlane v23, v8;
	_ =	sdelay $0x1  }
0x365: {  	v54 =	vperm.xlane v23, v7;
	v24 =	vadd.s32 v9, v24;
	_ =	sdelay $0x1  }
0x366: {  	v55 =	vperm.xlane v23, v10;
	v25 =	vadd.s32 v9, v54;
	_ =	sdelay $0x1  }
0x367: {  	s20 =	simm.s32 $0x3180;
	v56 =	vperm.xlane v23, v11;
	v26 =	vadd.s32 v9, v55  }
0x368: {  	[tilespmem:s20], [sflag:$0x1] =	stream.indirect_vreg.gather [hbm4b:s11+s3], $0x80, v24, vm0, $0xb8;
	[tilespmem:$0x1FD00] =	vst v63  }
0x369: {  	v58 =	vperm.xlane v23, v12;
	v57 =	vadd.s32 v9, v56;
	s20 =	simm.s32 $0x3200  }
0x36a: {  	[tilespmem:s20], [sflag:$0x1] =	stream.indirect_vreg.gather [hbm4b:s11+s3], $0x80, v25, vm0, $0xb8;
	[tilespmem:$0x1FD00] =	vst v63  }
0x36b: {  	v60 =	vperm.xlane v23, v13;
	v59 =	vadd.s32 v9, v58;
	s20 =	simm.s32 $0x3280  }
0x36c: {  	[tilespmem:s20], [sflag:$0x1] =	stream.indirect_vreg.gather [hbm4b:s11+s3], $0x80, v26, vm0, $0xb8;
	[tilespmem:$0x1FD00] =	vst v63  }
0x36d: {  	v62 =	vperm.xlane v23, v14;
	v61 =	vadd.s32 v9, v60;
	s20 =	simm.s32 $0x3300  }
0x36e: {  	[tilespmem:s20], [sflag:$0x1] =	stream.indirect_vreg.gather [hbm4b:s11+s3], $0x80, v57, vm0, $0xb8;
	[tilespmem:$0x1FD00] =	vst v63  }
0x36f: {  	v30 =	vperm.xlane v23, v6;
	v63 =	vadd.s32 v9, v62;
	s20 =	simm.s32 $0x3380  }
0x370: {  	[tilespmem:s20], [sflag:$0x1] =	stream.indirect_vreg.gather [hbm4b:s11+s3], $0x80, v59, vm0, $0xb8;
	[tilespmem:$0x1FD00] =	vst v63  }
0x371: {  	v32 =	vperm.xlane v23, v15;
	v31 =	vadd.s32 v9, v30;
	s20 =	simm.s32 $0x3400  }
0x372: {  	[tilespmem:s20], [sflag:$0x1] =	stream.indirect_vreg.gather [hbm4b:s11+s3], $0x80, v61, vm0, $0xb8;
	[tilespmem:$0x1FD00] =	vst v63  }
0x373: {  	v34 =	vperm.xlane v23, v16;
	v33 =	vadd.s32 v9, v32;
	s20 =	simm.s32 $0x3480  }
0x374: {  	[tilespmem:s20], [sflag:$0x1] =	stream.indirect_vreg.gather [hbm4b:s11+s3], $0x80, v63, vm0, $0xb8;
	[tilespmem:$0x1FD00] =	vst v63  }
0x375: {  	v36 =	vperm.xlane v23, v17;
	v35 =	vadd.s32 v9, v34;
	s20 =	simm.s32 $0x3500  }
0x376: {  	[tilespmem:s20], [sflag:$0x1] =	stream.indirect_vreg.gather [hbm4b:s11+s3], $0x80, v31, vm0, $0xb8;
	[tilespmem:$0x1FD00] =	vst v63  }
0x377: {  	v38 =	vperm.xlane v23, v18;
	v37 =	vadd.s32 v9, v36;
	s20 =	simm.s32 $0x3580  }
0x378: {  	[tilespmem:s20], [sflag:$0x1] =	stream.indirect_vreg.gather [hbm4b:s11+s3], $0x80, v33, vm0, $0xb8;
	[tilespmem:$0x1FD00] =	vst v63  }
0x379: {  	v40 =	vperm.xlane v23, v19;
	v39 =	vadd.s32 v9, v38;
	s20 =	simm.s32 $0x3600  }
0x37a: {  	[tilespmem:s20], [sflag:$0x1] =	stream.indirect_vreg.gather [hbm4b:s11+s3], $0x80, v35, vm0, $0xb8;
	[tilespmem:$0x1FD00] =	vst v63  }
0x37b: {  	v42 =	vperm.xlane v23, v20;
	v41 =	vadd.s32 v9, v40;
	s20 =	simm.s32 $0x3680  }
0x37c: {  	[tilespmem:s20], [sflag:$0x1] =	stream.indirect_vreg.gather [hbm4b:s11+s3], $0x80, v37, vm0, $0xb8;
	[tilespmem:$0x1FD00] =	vst v63  }
0x37d: {  	v44 =	vperm.xlane v23, v21;
	v43 =	vadd.s32 v9, v42;
	s20 =	simm.s32 $0x3700  }
0x37e: {  	[tilespmem:s20], [sflag:$0x1] =	stream.indirect_vreg.gather [hbm4b:s11+s3], $0x80, v39, vm0, $0xb8;
	[tilespmem:$0x1FD00] =	vst v63  }
0x37f: {  	v23 =	vperm.xlane v23, v22;
	v45 =	vadd.s32 v9, v44;
	s20 =	simm.s32 $0x3780  }
0x380: {  	[tilespmem:s20], [sflag:$0x1] =	stream.indirect_vreg.gather [hbm4b:s11+s3], $0x80, v41, vm0, $0xb8;
	[tilespmem:$0x1FD00] =	vst v63  }
0x381: {  	v23 =	vadd.s32 v9, v23;
	s20 =	simm.s32 $0x3800  }
0x382: {  	[tilespmem:s20], [sflag:$0x1] =	stream.indirect_vreg.gather [hbm4b:s11+s3], $0x80, v43, vm0, $0xb8;
	[tilespmem:$0x1FD00] =	vst v63  }
0x383: {  	s20 =	simm.s32 $0x3880  }
0x384: {  	[tilespmem:s20], [sflag:$0x1] =	stream.indirect_vreg.gather [hbm4b:s11+s3], $0x80, v45, vm0, $0xb8;
	[tilespmem:$0x1FD00] =	vst v63  }
0x385: {  	s20 =	simm.s32 $0x3900  }
0x386: {  	[tilespmem:s20], [sflag:$0x1] =	stream.indirect_vreg.gather [hbm4b:s11+s3], $0x80, v23, vm0, $0xb8;
	[tilespmem:$0x1FD00] =	vst v63  }
0x387: {  	v23 =	vld [tilespmem:s26+$0xEF0];
	_ =	sdelay $0x4  }
0x388: {  	v46 =	vshll.u32 v23, $0x1  }
0x389: {  	v23 =	vand.u32 $0x7, v23;
	v24 =	vand.u32 $0xFFFFFFF0, v46  }
0x38a: {  	v23 =	vor.u32 v23, v24  }
0x38b: {  	v24 =	vperm.xlane v23, v8;
	_ =	sdelay $0x1  }
0x38c: {  	v47 =	vperm.xlane v23, v7;
	v24 =	vadd.s32 v9, v24;
	_ =	sdelay $0x1  }
0x38d: {  	v48 =	vperm.xlane v23, v10;
	v25 =	vadd.s32 v9, v47;
	_ =	sdelay $0x1  }
0x38e: {  	s20 =	simm.s32 $0x3980;
	v49 =	vperm.xlane v23, v11;
	v26 =	vadd.s32 v9, v48  }
0x38f: {  	[tilespmem:s20], [sflag:$0x1] =	stream.indirect_vreg.gather [hbm4b:s11+s3], $0x80, v24, vm0, $0xb8;
	[tilespmem:$0x1FD00] =	vst v63  }
0x390: {  	v51 =	vperm.xlane v23, v12;
	v50 =	vadd.s32 v9, v49;
	s20 =	simm.s32 $0x3A00  }
0x391: {  	[tilespmem:s20], [sflag:$0x1] =	stream.indirect_vreg.gather [hbm4b:s11+s3], $0x80, v25, vm0, $0xb8;
	[tilespmem:$0x1FD00] =	vst v63  }
0x392: {  	v53 =	vperm.xlane v23, v13;
	v52 =	vadd.s32 v9, v51;
	s20 =	simm.s32 $0x3A80  }
0x393: {  	[tilespmem:s20], [sflag:$0x1] =	stream.indirect_vreg.gather [hbm4b:s11+s3], $0x80, v26, vm0, $0xb8;
	[tilespmem:$0x1FD00] =	vst v63  }
0x394: {  	v55 =	vperm.xlane v23, v14;
	v54 =	vadd.s32 v9, v53;
	s20 =	simm.s32 $0x3B00  }
0x395: {  	[tilespmem:s20], [sflag:$0x1] =	stream.indirect_vreg.gather [hbm4b:s11+s3], $0x80, v50, vm0, $0xb8;
	[tilespmem:$0x1FD00] =	vst v63  }
0x396: {  	v57 =	vperm.xlane v23, v6;
	v56 =	vadd.s32 v9, v55;
	s20 =	simm.s32 $0x3B80  }
0x397: {  	[tilespmem:s20], [sflag:$0x1] =	stream.indirect_vreg.gather [hbm4b:s11+s3], $0x80, v52, vm0, $0xb8;
	[tilespmem:$0x1FD00] =	vst v63  }
0x398: {  	v59 =	vperm.xlane v23, v15;
	v58 =	vadd.s32 v9, v57;
	s20 =	simm.s32 $0x3C00  }
0x399: {  	[tilespmem:s20], [sflag:$0x1] =	stream.indirect_vreg.gather [hbm4b:s11+s3], $0x80, v54, vm0, $0xb8;
	[tilespmem:$0x1FD00] =	vst v63  }
0x39a: {  	v61 =	vperm.xlane v23, v16;
	v60 =	vadd.s32 v9, v59;
	s20 =	simm.s32 $0x3C80  }
0x39b: {  	[tilespmem:s20], [sflag:$0x1] =	stream.indirect_vreg.gather [hbm4b:s11+s3], $0x80, v56, vm0, $0xb8;
	[tilespmem:$0x1FD00] =	vst v63  }
0x39c: {  	v63 =	vperm.xlane v23, v17;
	v62 =	vadd.s32 v9, v61;
	s20 =	simm.s32 $0x3D00  }
0x39d: {  	[tilespmem:s20], [sflag:$0x1] =	stream.indirect_vreg.gather [hbm4b:s11+s3], $0x80, v58, vm0, $0xb8;
	[tilespmem:$0x1FD00] =	vst v63  }
0x39e: {  	v31 =	vperm.xlane v23, v18;
	v30 =	vadd.s32 v9, v63;
	s20 =	simm.s32 $0x3D80  }
0x39f: {  	[tilespmem:s20], [sflag:$0x1] =	stream.indirect_vreg.gather [hbm4b:s11+s3], $0x80, v60, vm0, $0xb8;
	[tilespmem:$0x1FD00] =	vst v63  }
0x3a0: {  	v33 =	vperm.xlane v23, v19;
	v32 =	vadd.s32 v9, v31;
	s20 =	simm.s32 $0x3E00  }
0x3a1: {  	[tilespmem:s20], [sflag:$0x1] =	stream.indirect_vreg.gather [hbm4b:s11+s3], $0x80, v62, vm0, $0xb8;
	[tilespmem:$0x1FD00] =	vst v63  }
0x3a2: {  	v35 =	vperm.xlane v23, v20;
	v34 =	vadd.s32 v9, v33;
	s20 =	simm.s32 $0x3E80  }
0x3a3: {  	[tilespmem:s20], [sflag:$0x1] =	stream.indirect_vreg.gather [hbm4b:s11+s3], $0x80, v30, vm0, $0xb8;
	[tilespmem:$0x1FD00] =	vst v63  }
0x3a4: {  	v37 =	vperm.xlane v23, v21;
	v36 =	vadd.s32 v9, v35;
	s20 =	simm.s32 $0x3F00  }
0x3a5: {  	[tilespmem:s20], [sflag:$0x1] =	stream.indirect_vreg.gather [hbm4b:s11+s3], $0x80, v32, vm0, $0xb8;
	[tilespmem:$0x1FD00] =	vst v63  }
0x3a6: {  	v23 =	vperm.xlane v23, v22;
	v38 =	vadd.s32 v9, v37;
	s20 =	simm.s32 $0x3F80  }
0x3a7: {  	[tilespmem:s20], [sflag:$0x1] =	stream.indirect_vreg.gather [hbm4b:s11+s3], $0x80, v34, vm0, $0xb8;
	[tilespmem:$0x1FD00] =	vst v63  }
0x3a8: {  	v23 =	vadd.s32 v9, v23;
	s20 =	simm.s32 $0x4000  }
0x3a9: {  	[tilespmem:s20], [sflag:$0x1] =	stream.indirect_vreg.gather [hbm4b:s11+s3], $0x80, v36, vm0, $0xb8;
	[tilespmem:$0x1FD00] =	vst v63  }
0x3aa: {  	s20 =	simm.s32 $0x4080  }
0x3ab: {  	[tilespmem:s20], [sflag:$0x1] =	stream.indirect_vreg.gather [hbm4b:s11+s3], $0x80, v38, vm0, $0xb8;
	[tilespmem:$0x1FD00] =	vst v63  }
0x3ac: {  	s20 =	simm.s32 $0x4100  }
0x3ad: {  	[tilespmem:s20], [sflag:$0x1] =	stream.indirect_vreg.gather [hbm4b:s11+s3], $0x80, v23, vm0, $0xb8;
	[tilespmem:$0x1FD00] =	vst v63  }
0x3ae: {  	v23 =	vld [tilespmem:s26+$0xF00];
	_ =	sdelay $0x4  }
0x3af: {  	v39 =	vshll.u32 v23, $0x1  }
0x3b0: {  	v23 =	vand.u32 $0x7, v23;
	v24 =	vand.u32 $0xFFFFFFF0, v39  }
0x3b1: {  	v23 =	vor.u32 v23, v24  }
0x3b2: {  	v24 =	vperm.xlane v23, v8;
	_ =	sdelay $0x1  }
0x3b3: {  	v40 =	vperm.xlane v23, v7;
	v24 =	vadd.s32 v9, v24;
	_ =	sdelay $0x1  }
0x3b4: {  	v41 =	vperm.xlane v23, v10;
	v25 =	vadd.s32 v9, v40;
	_ =	sdelay $0x1  }
0x3b5: {  	s20 =	simm.s32 $0x4180;
	v42 =	vperm.xlane v23, v11;
	v26 =	vadd.s32 v9, v41  }
0x3b6: {  	[tilespmem:s20], [sflag:$0x1] =	stream.indirect_vreg.gather [hbm4b:s11+s3], $0x80, v24, vm0, $0xb8;
	[tilespmem:$0x1FD00] =	vst v63  }
0x3b7: {  	v44 =	vperm.xlane v23, v12;
	v43 =	vadd.s32 v9, v42;
	s20 =	simm.s32 $0x4200  }
0x3b8: {  	[tilespmem:s20], [sflag:$0x1] =	stream.indirect_vreg.gather [hbm4b:s11+s3], $0x80, v25, vm0, $0xb8;
	[tilespmem:$0x1FD00] =	vst v63  }
0x3b9: {  	v46 =	vperm.xlane v23, v13;
	v45 =	vadd.s32 v9, v44;
	s20 =	simm.s32 $0x4280  }
0x3ba: {  	[tilespmem:s20], [sflag:$0x1] =	stream.indirect_vreg.gather [hbm4b:s11+s3], $0x80, v26, vm0, $0xb8;
	[tilespmem:$0x1FD00] =	vst v63  }
0x3bb: {  	v48 =	vperm.xlane v23, v14;
	v47 =	vadd.s32 v9, v46;
	s20 =	simm.s32 $0x4300  }
0x3bc: {  	[tilespmem:s20], [sflag:$0x1] =	stream.indirect_vreg.gather [hbm4b:s11+s3], $0x80, v43, vm0, $0xb8;
	[tilespmem:$0x1FD00] =	vst v63  }
0x3bd: {  	v50 =	vperm.xlane v23, v6;
	v49 =	vadd.s32 v9, v48;
	s20 =	simm.s32 $0x4380  }
0x3be: {  	[tilespmem:s20], [sflag:$0x1] =	stream.indirect_vreg.gather [hbm4b:s11+s3], $0x80, v45, vm0, $0xb8;
	[tilespmem:$0x1FD00] =	vst v63  }
0x3bf: {  	v52 =	vperm.xlane v23, v15;
	v51 =	vadd.s32 v9, v50;
	s20 =	simm.s32 $0x4400  }
0x3c0: {  	[tilespmem:s20], [sflag:$0x1] =	stream.indirect_vreg.gather [hbm4b:s11+s3], $0x80, v47, vm0, $0xb8;
	[tilespmem:$0x1FD00] =	vst v63  }
0x3c1: {  	v54 =	vperm.xlane v23, v16;
	v53 =	vadd.s32 v9, v52;
	s20 =	simm.s32 $0x4480  }
0x3c2: {  	[tilespmem:s20], [sflag:$0x1] =	stream.indirect_vreg.gather [hbm4b:s11+s3], $0x80, v49, vm0, $0xb8;
	[tilespmem:$0x1FD00] =	vst v63  }
0x3c3: {  	v56 =	vperm.xlane v23, v17;
	v55 =	vadd.s32 v9, v54;
	s20 =	simm.s32 $0x4500  }
0x3c4: {  	[tilespmem:s20], [sflag:$0x1] =	stream.indirect_vreg.gather [hbm4b:s11+s3], $0x80, v51, vm0, $0xb8;
	[tilespmem:$0x1FD00] =	vst v63  }
0x3c5: {  	v58 =	vperm.xlane v23, v18;
	v57 =	vadd.s32 v9, v56;
	s20 =	simm.s32 $0x4580  }
0x3c6: {  	[tilespmem:s20], [sflag:$0x1] =	stream.indirect_vreg.gather [hbm4b:s11+s3], $0x80, v53, vm0, $0xb8;
	[tilespmem:$0x1FD00] =	vst v63  }
0x3c7: {  	v60 =	vperm.xlane v23, v19;
	v59 =	vadd.s32 v9, v58;
	s20 =	simm.s32 $0x4600  }
0x3c8: {  	[tilespmem:s20], [sflag:$0x1] =	stream.indirect_vreg.gather [hbm4b:s11+s3], $0x80, v55, vm0, $0xb8;
	[tilespmem:$0x1FD00] =	vst v63  }
0x3c9: {  	v62 =	vperm.xlane v23, v20;
	v61 =	vadd.s32 v9, v60;
	s20 =	simm.s32 $0x4680  }
0x3ca: {  	[tilespmem:s20], [sflag:$0x1] =	stream.indirect_vreg.gather [hbm4b:s11+s3], $0x80, v57, vm0, $0xb8;
	[tilespmem:$0x1FD00] =	vst v63  }
0x3cb: {  	v30 =	vperm.xlane v23, v21;
	v63 =	vadd.s32 v9, v62;
	s20 =	simm.s32 $0x4700  }
0x3cc: {  	[tilespmem:s20], [sflag:$0x1] =	stream.indirect_vreg.gather [hbm4b:s11+s3], $0x80, v59, vm0, $0xb8;
	[tilespmem:$0x1FD00] =	vst v63  }
0x3cd: {  	v23 =	vperm.xlane v23, v22;
	v31 =	vadd.s32 v9, v30;
	s20 =	simm.s32 $0x4780  }
0x3ce: {  	[tilespmem:s20], [sflag:$0x1] =	stream.indirect_vreg.gather [hbm4b:s11+s3], $0x80, v61, vm0, $0xb8;
	[tilespmem:$0x1FD00] =	vst v63  }
0x3cf: {  	v23 =	vadd.s32 v9, v23;
	s20 =	simm.s32 $0x4800  }
0x3d0: {  	[tilespmem:s20], [sflag:$0x1] =	stream.indirect_vreg.gather [hbm4b:s11+s3], $0x80, v63, vm0, $0xb8;
	[tilespmem:$0x1FD00] =	vst v63  }
0x3d1: {  	s20 =	simm.s32 $0x4880  }
0x3d2: {  	[tilespmem:s20], [sflag:$0x1] =	stream.indirect_vreg.gather [hbm4b:s11+s3], $0x80, v31, vm0, $0xb8;
	[tilespmem:$0x1FD00] =	vst v63  }
0x3d3: {  	s20 =	simm.s32 $0x4900  }
0x3d4: {  	[tilespmem:s20], [sflag:$0x1] =	stream.indirect_vreg.gather [hbm4b:s11+s3], $0x80, v23, vm0, $0xb8;
	[tilespmem:$0x1FD00] =	vst v63  }
0x3d5: {  	v23 =	vld [tilespmem:s26+$0xFFFFFEC0];
	_ =	sdelay $0x4  }
0x3d6: {  	[tilespmem:$0x2000] =	vst v23  }
0x3d7: {  	v23 =	vld [tilespmem:s26+$0xFFFFFED0];
	_ =	sdelay $0x4  }
0x3d8: {  	[tilespmem:$0x2010] =	vst v23  }
0x3d9: {  	v23 =	vld [tilespmem:s26+$0xFFFFFEE0];
	_ =	sdelay $0x4  }
0x3da: {  	[tilespmem:$0x2020] =	vst v23  }
0x3db: {  	v23 =	vld [tilespmem:s26+$0xFFFFFEF0];
	_ =	sdelay $0x4  }
0x3dc: {  	[tilespmem:$0x2030] =	vst v23  }
0x3dd: {  	v23 =	vld [tilespmem:s26+$0xFFFFFF00];
	_ =	sdelay $0x4  }
0x3de: {  	[tilespmem:$0x2040] =	vst v23  }
0x3df: {  	_ =	swait.ge [sflag:s6], $0x2800  }
0x3e0: {  	[sflag:s6] =	ssyncset.done $0x0  }
0x3e1: {  	s20 =	simm.s32 $0x2100;
	[sflag:s6] =	ssyncadd.s32 $0xFFFFD800  }
0x3e2: {  	[spmem:s1] =	stream.indirect.scatter.add.f32 [tilespmem:s17], [sflag:$0x6], $0x80, s20, s12, $0xb8;
	[tilespmem:$0x1FD00] =	vst v63  }
0x3e3: {  	_ =	swait.ge [sflag:s23], $0x2800  }
0x3e4: {  	[sflag:s23] =	ssyncset.done $0x0  }
0x3e5: {  	[sflag:s23] =	ssyncadd.s32 $0xFFFFD800  }
0x3e6: {  	v23 =	vld [tilespmem:s26+$0xF40];
	_ =	sdelay $0x4  }
0x3e7: {  	v32 =	vshll.u32 v23, $0x1  }
0x3e8: {  	v23 =	vand.u32 $0x7, v23;
	v24 =	vand.u32 $0xFFFFFFF0, v32  }
0x3e9: {  	v23 =	vor.u32 v23, v24  }
0x3ea: {  	v24 =	vperm.xlane v23, v8;
	_ =	sdelay $0x1  }
0x3eb: {  	v33 =	vperm.xlane v23, v7;
	v24 =	vadd.s32 v9, v24;
	_ =	sdelay $0x1  }
0x3ec: {  	v34 =	vperm.xlane v23, v10;
	v25 =	vadd.s32 v9, v33;
	_ =	sdelay $0x1  }
0x3ed: {  	v35 =	vperm.xlane v23, v11;
	v26 =	vadd.s32 v9, v34  }
0x3ee: {  	[tilespmem:s21], [sflag:$0x2] =	stream.indirect_vreg.gather [hbm4b:s11+s3], $0x80, v24, vm0, $0xb8;
	[tilespmem:$0x1FD00] =	vst v63  }
0x3ef: {  	s20 =	simm.s32 $0x4A00;
	v37 =	vperm.xlane v23, v12;
	v36 =	vadd.s32 v9, v35  }
0x3f0: {  	[tilespmem:s20], [sflag:$0x2] =	stream.indirect_vreg.gather [hbm4b:s11+s3], $0x80, v25, vm0, $0xb8;
	[tilespmem:$0x1FD00] =	vst v63  }
0x3f1: {  	v39 =	vperm.xlane v23, v13;
	v38 =	vadd.s32 v9, v37;
	s20 =	simm.s32 $0x4A80  }
0x3f2: {  	[tilespmem:s20], [sflag:$0x2] =	stream.indirect_vreg.gather [hbm4b:s11+s3], $0x80, v26, vm0, $0xb8;
	[tilespmem:$0x1FD00] =	vst v63  }
0x3f3: {  	v41 =	vperm.xlane v23, v14;
	v40 =	vadd.s32 v9, v39;
	s20 =	simm.s32 $0x4B00  }
0x3f4: {  	[tilespmem:s20], [sflag:$0x2] =	stream.indirect_vreg.gather [hbm4b:s11+s3], $0x80, v36, vm0, $0xb8;
	[tilespmem:$0x1FD00] =	vst v63  }
0x3f5: {  	v43 =	vperm.xlane v23, v6;
	v42 =	vadd.s32 v9, v41;
	s20 =	simm.s32 $0x4B80  }
0x3f6: {  	[tilespmem:s20], [sflag:$0x2] =	stream.indirect_vreg.gather [hbm4b:s11+s3], $0x80, v38, vm0, $0xb8;
	[tilespmem:$0x1FD00] =	vst v63  }
0x3f7: {  	v45 =	vperm.xlane v23, v15;
	v44 =	vadd.s32 v9, v43;
	s20 =	simm.s32 $0x4C00  }
0x3f8: {  	[tilespmem:s20], [sflag:$0x2] =	stream.indirect_vreg.gather [hbm4b:s11+s3], $0x80, v40, vm0, $0xb8;
	[tilespmem:$0x1FD00] =	vst v63  }
0x3f9: {  	v47 =	vperm.xlane v23, v16;
	v46 =	vadd.s32 v9, v45;
	s20 =	simm.s32 $0x4C80  }
0x3fa: {  	[tilespmem:s20], [sflag:$0x2] =	stream.indirect_vreg.gather [hbm4b:s11+s3], $0x80, v42, vm0, $0xb8;
	[tilespmem:$0x1FD00] =	vst v63  }
0x3fb: {  	v49 =	vperm.xlane v23, v17;
	v48 =	vadd.s32 v9, v47;
	s20 =	simm.s32 $0x4D00  }
0x3fc: {  	[tilespmem:s20], [sflag:$0x2] =	stream.indirect_vreg.gather [hbm4b:s11+s3], $0x80, v44, vm0, $0xb8;
	[tilespmem:$0x1FD00] =	vst v63  }
0x3fd: {  	v51 =	vperm.xlane v23, v18;
	v50 =	vadd.s32 v9, v49;
	s20 =	simm.s32 $0x4D80  }
0x3fe: {  	[tilespmem:s20], [sflag:$0x2] =	stream.indirect_vreg.gather [hbm4b:s11+s3], $0x80, v46, vm0, $0xb8;
	[tilespmem:$0x1FD00] =	vst v63  }
0x3ff: {  	v53 =	vperm.xlane v23, v19;
	v52 =	vadd.s32 v9, v51;
	s20 =	simm.s32 $0x4E00  }
0x400: {  	[tilespmem:s20], [sflag:$0x2] =	stream.indirect_vreg.gather [hbm4b:s11+s3], $0x80, v48, vm0, $0xb8;
	[tilespmem:$0x1FD00] =	vst v63  }
0x401: {  	v55 =	vperm.xlane v23, v20;
	v54 =	vadd.s32 v9, v53;
	s20 =	simm.s32 $0x4E80  }
0x402: {  	[tilespmem:s20], [sflag:$0x2] =	stream.indirect_vreg.gather [hbm4b:s11+s3], $0x80, v50, vm0, $0xb8;
	[tilespmem:$0x1FD00] =	vst v63  }
0x403: {  	v57 =	vperm.xlane v23, v21;
	v56 =	vadd.s32 v9, v55;
	s20 =	simm.s32 $0x4F00  }
0x404: {  	[tilespmem:s20], [sflag:$0x2] =	stream.indirect_vreg.gather [hbm4b:s11+s3], $0x80, v52, vm0, $0xb8;
	[tilespmem:$0x1FD00] =	vst v63  }
0x405: {  	v23 =	vperm.xlane v23, v22;
	v58 =	vadd.s32 v9, v57;
	s20 =	simm.s32 $0x4F80  }
0x406: {  	[tilespmem:s20], [sflag:$0x2] =	stream.indirect_vreg.gather [hbm4b:s11+s3], $0x80, v54, vm0, $0xb8;
	[tilespmem:$0x1FD00] =	vst v63  }
0x407: {  	v23 =	vadd.s32 v9, v23;
	s20 =	simm.s32 $0x5000  }
0x408: {  	[tilespmem:s20], [sflag:$0x2] =	stream.indirect_vreg.gather [hbm4b:s11+s3], $0x80, v56, vm0, $0xb8;
	[tilespmem:$0x1FD00] =	vst v63  }
0x409: {  	s20 =	simm.s32 $0x5080  }
0x40a: {  	[tilespmem:s20], [sflag:$0x2] =	stream.indirect_vreg.gather [hbm4b:s11+s3], $0x80, v58, vm0, $0xb8;
	[tilespmem:$0x1FD00] =	vst v63  }
0x40b: {  	s20 =	simm.s32 $0x5100  }
0x40c: {  	[tilespmem:s20], [sflag:$0x2] =	stream.indirect_vreg.gather [hbm4b:s11+s3], $0x80, v23, vm0, $0xb8;
	[tilespmem:$0x1FD00] =	vst v63  }
0x40d: {  	v23 =	vld [tilespmem:s26+$0xF50];
	_ =	sdelay $0x4  }
0x40e: {  	v59 =	vshll.u32 v23, $0x1  }
0x40f: {  	v23 =	vand.u32 $0x7, v23;
	v24 =	vand.u32 $0xFFFFFFF0, v59  }
0x410: {  	v23 =	vor.u32 v23, v24  }
0x411: {  	v24 =	vperm.xlane v23, v8;
	_ =	sdelay $0x1  }
0x412: {  	v60 =	vperm.xlane v23, v7;
	v24 =	vadd.s32 v9, v24;
	_ =	sdelay $0x1  }
0x413: {  	v61 =	vperm.xlane v23, v10;
	v25 =	vadd.s32 v9, v60;
	_ =	sdelay $0x1  }
0x414: {  	s20 =	simm.s32 $0x5180;
	v62 =	vperm.xlane v23, v11;
	v26 =	vadd.s32 v9, v61  }
0x415: {  	[tilespmem:s20], [sflag:$0x2] =	stream.indirect_vreg.gather [hbm4b:s11+s3], $0x80, v24, vm0, $0xb8;
	[tilespmem:$0x1FD00] =	vst v63  }
0x416: {  	v30 =	vperm.xlane v23, v12;
	v63 =	vadd.s32 v9, v62;
	s20 =	simm.s32 $0x5200  }
0x417: {  	[tilespmem:s20], [sflag:$0x2] =	stream.indirect_vreg.gather [hbm4b:s11+s3], $0x80, v25, vm0, $0xb8;
	[tilespmem:$0x1FD00] =	vst v63  }
0x418: {  	v32 =	vperm.xlane v23, v13;
	v31 =	vadd.s32 v9, v30;
	s20 =	simm.s32 $0x5280  }
0x419: {  	[tilespmem:s20], [sflag:$0x2] =	stream.indirect_vreg.gather [hbm4b:s11+s3], $0x80, v26, vm0, $0xb8;
	[tilespmem:$0x1FD00] =	vst v63  }
0x41a: {  	v34 =	vperm.xlane v23, v14;
	v33 =	vadd.s32 v9, v32;
	s20 =	simm.s32 $0x5300  }
0x41b: {  	[tilespmem:s20], [sflag:$0x2] =	stream.indirect_vreg.gather [hbm4b:s11+s3], $0x80, v63, vm0, $0xb8;
	[tilespmem:$0x1FD00] =	vst v63  }
0x41c: {  	v36 =	vperm.xlane v23, v6;
	v35 =	vadd.s32 v9, v34;
	s20 =	simm.s32 $0x5380  }
0x41d: {  	[tilespmem:s20], [sflag:$0x2] =	stream.indirect_vreg.gather [hbm4b:s11+s3], $0x80, v31, vm0, $0xb8;
	[tilespmem:$0x1FD00] =	vst v63  }
0x41e: {  	v38 =	vperm.xlane v23, v15;
	v37 =	vadd.s32 v9, v36;
	s20 =	simm.s32 $0x5400  }
0x41f: {  	[tilespmem:s20], [sflag:$0x2] =	stream.indirect_vreg.gather [hbm4b:s11+s3], $0x80, v33, vm0, $0xb8;
	[tilespmem:$0x1FD00] =	vst v63  }
0x420: {  	v40 =	vperm.xlane v23, v16;
	v39 =	vadd.s32 v9, v38;
	s20 =	simm.s32 $0x5480  }
0x421: {  	[tilespmem:s20], [sflag:$0x2] =	stream.indirect_vreg.gather [hbm4b:s11+s3], $0x80, v35, vm0, $0xb8;
	[tilespmem:$0x1FD00] =	vst v63  }
0x422: {  	v42 =	vperm.xlane v23, v17;
	v41 =	vadd.s32 v9, v40;
	s20 =	simm.s32 $0x5500  }
0x423: {  	[tilespmem:s20], [sflag:$0x2] =	stream.indirect_vreg.gather [hbm4b:s11+s3], $0x80, v37, vm0, $0xb8;
	[tilespmem:$0x1FD00] =	vst v63  }
0x424: {  	v44 =	vperm.xlane v23, v18;
	v43 =	vadd.s32 v9, v42;
	s20 =	simm.s32 $0x5580  }
0x425: {  	[tilespmem:s20], [sflag:$0x2] =	stream.indirect_vreg.gather [hbm4b:s11+s3], $0x80, v39, vm0, $0xb8;
	[tilespmem:$0x1FD00] =	vst v63  }
0x426: {  	v46 =	vperm.xlane v23, v19;
	v45 =	vadd.s32 v9, v44;
	s20 =	simm.s32 $0x5600  }
0x427: {  	[tilespmem:s20], [sflag:$0x2] =	stream.indirect_vreg.gather [hbm4b:s11+s3], $0x80, v41, vm0, $0xb8;
	[tilespmem:$0x1FD00] =	vst v63  }
0x428: {  	v48 =	vperm.xlane v23, v20;
	v47 =	vadd.s32 v9, v46;
	s20 =	simm.s32 $0x5680  }
0x429: {  	[tilespmem:s20], [sflag:$0x2] =	stream.indirect_vreg.gather [hbm4b:s11+s3], $0x80, v43, vm0, $0xb8;
	[tilespmem:$0x1FD00] =	vst v63  }
0x42a: {  	v50 =	vperm.xlane v23, v21;
	v49 =	vadd.s32 v9, v48;
	s20 =	simm.s32 $0x5700  }
0x42b: {  	[tilespmem:s20], [sflag:$0x2] =	stream.indirect_vreg.gather [hbm4b:s11+s3], $0x80, v45, vm0, $0xb8;
	[tilespmem:$0x1FD00] =	vst v63  }
0x42c: {  	v23 =	vperm.xlane v23, v22;
	v51 =	vadd.s32 v9, v50;
	s20 =	simm.s32 $0x5780  }
0x42d: {  	[tilespmem:s20], [sflag:$0x2] =	stream.indirect_vreg.gather [hbm4b:s11+s3], $0x80, v47, vm0, $0xb8;
	[tilespmem:$0x1FD00] =	vst v63  }
0x42e: {  	v23 =	vadd.s32 v9, v23;
	s20 =	simm.s32 $0x5800  }
0x42f: {  	[tilespmem:s20], [sflag:$0x2] =	stream.indirect_vreg.gather [hbm4b:s11+s3], $0x80, v49, vm0, $0xb8;
	[tilespmem:$0x1FD00] =	vst v63  }
0x430: {  	s20 =	simm.s32 $0x5880  }
0x431: {  	[tilespmem:s20], [sflag:$0x2] =	stream.indirect_vreg.gather [hbm4b:s11+s3], $0x80, v51, vm0, $0xb8;
	[tilespmem:$0x1FD00] =	vst v63  }
0x432: {  	s20 =	simm.s32 $0x5900  }
0x433: {  	[tilespmem:s20], [sflag:$0x2] =	stream.indirect_vreg.gather [hbm4b:s11+s3], $0x80, v23, vm0, $0xb8;
	[tilespmem:$0x1FD00] =	vst v63  }
0x434: {  	v23 =	vld [tilespmem:s26+$0xF60];
	_ =	sdelay $0x4  }
0x435: {  	v52 =	vshll.u32 v23, $0x1  }
0x436: {  	v23 =	vand.u32 $0x7, v23;
	v24 =	vand.u32 $0xFFFFFFF0, v52  }
0x437: {  	v23 =	vor.u32 v23, v24  }
0x438: {  	v24 =	vperm.xlane v23, v8;
	_ =	sdelay $0x1  }
0x439: {  	v53 =	vperm.xlane v23, v7;
	v24 =	vadd.s32 v9, v24;
	_ =	sdelay $0x1  }
0x43a: {  	v54 =	vperm.xlane v23, v10;
	v25 =	vadd.s32 v9, v53;
	_ =	sdelay $0x1  }
0x43b: {  	s20 =	simm.s32 $0x5980;
	v55 =	vperm.xlane v23, v11;
	v26 =	vadd.s32 v9, v54  }
0x43c: {  	[tilespmem:s20], [sflag:$0x2] =	stream.indirect_vreg.gather [hbm4b:s11+s3], $0x80, v24, vm0, $0xb8;
	[tilespmem:$0x1FD00] =	vst v63  }
0x43d: {  	v57 =	vperm.xlane v23, v12;
	v56 =	vadd.s32 v9, v55;
	s20 =	simm.s32 $0x5A00  }
0x43e: {  	[tilespmem:s20], [sflag:$0x2] =	stream.indirect_vreg.gather [hbm4b:s11+s3], $0x80, v25, vm0, $0xb8;
	[tilespmem:$0x1FD00] =	vst v63  }
0x43f: {  	v59 =	vperm.xlane v23, v13;
	v58 =	vadd.s32 v9, v57;
	s20 =	simm.s32 $0x5A80  }
0x440: {  	[tilespmem:s20], [sflag:$0x2] =	stream.indirect_vreg.gather [hbm4b:s11+s3], $0x80, v26, vm0, $0xb8;
	[tilespmem:$0x1FD00] =	vst v63  }
0x441: {  	v61 =	vperm.xlane v23, v14;
	v60 =	vadd.s32 v9, v59;
	s20 =	simm.s32 $0x5B00  }
0x442: {  	[tilespmem:s20], [sflag:$0x2] =	stream.indirect_vreg.gather [hbm4b:s11+s3], $0x80, v56, vm0, $0xb8;
	[tilespmem:$0x1FD00] =	vst v63  }
0x443: {  	v63 =	vperm.xlane v23, v6;
	v62 =	vadd.s32 v9, v61;
	s20 =	simm.s32 $0x5B80  }
0x444: {  	[tilespmem:s20], [sflag:$0x2] =	stream.indirect_vreg.gather [hbm4b:s11+s3], $0x80, v58, vm0, $0xb8;
	[tilespmem:$0x1FD00] =	vst v63  }
0x445: {  	v31 =	vperm.xlane v23, v15;
	v30 =	vadd.s32 v9, v63;
	s20 =	simm.s32 $0x5C00  }
0x446: {  	[tilespmem:s20], [sflag:$0x2] =	stream.indirect_vreg.gather [hbm4b:s11+s3], $0x80, v60, vm0, $0xb8;
	[tilespmem:$0x1FD00] =	vst v63  }
0x447: {  	v33 =	vperm.xlane v23, v16;
	v32 =	vadd.s32 v9, v31;
	s20 =	simm.s32 $0x5C80  }
0x448: {  	[tilespmem:s20], [sflag:$0x2] =	stream.indirect_vreg.gather [hbm4b:s11+s3], $0x80, v62, vm0, $0xb8;
	[tilespmem:$0x1FD00] =	vst v63  }
0x449: {  	v35 =	vperm.xlane v23, v17;
	v34 =	vadd.s32 v9, v33;
	s20 =	simm.s32 $0x5D00  }
0x44a: {  	[tilespmem:s20], [sflag:$0x2] =	stream.indirect_vreg.gather [hbm4b:s11+s3], $0x80, v30, vm0, $0xb8;
	[tilespmem:$0x1FD00] =	vst v63  }
0x44b: {  	v37 =	vperm.xlane v23, v18;
	v36 =	vadd.s32 v9, v35;
	s20 =	simm.s32 $0x5D80  }
0x44c: {  	[tilespmem:s20], [sflag:$0x2] =	stream.indirect_vreg.gather [hbm4b:s11+s3], $0x80, v32, vm0, $0xb8;
	[tilespmem:$0x1FD00] =	vst v63  }
0x44d: {  	v39 =	vperm.xlane v23, v19;
	v38 =	vadd.s32 v9, v37;
	s20 =	simm.s32 $0x5E00  }
0x44e: {  	[tilespmem:s20], [sflag:$0x2] =	stream.indirect_vreg.gather [hbm4b:s11+s3], $0x80, v34, vm0, $0xb8;
	[tilespmem:$0x1FD00] =	vst v63  }
0x44f: {  	v41 =	vperm.xlane v23, v20;
	v40 =	vadd.s32 v9, v39;
	s20 =	simm.s32 $0x5E80  }
0x450: {  	[tilespmem:s20], [sflag:$0x2] =	stream.indirect_vreg.gather [hbm4b:s11+s3], $0x80, v36, vm0, $0xb8;
	[tilespmem:$0x1FD00] =	vst v63  }
0x451: {  	v43 =	vperm.xlane v23, v21;
	v42 =	vadd.s32 v9, v41;
	s20 =	simm.s32 $0x5F00  }
0x452: {  	[tilespmem:s20], [sflag:$0x2] =	stream.indirect_vreg.gather [hbm4b:s11+s3], $0x80, v38, vm0, $0xb8;
	[tilespmem:$0x1FD00] =	vst v63  }
0x453: {  	v23 =	vperm.xlane v23, v22;
	v44 =	vadd.s32 v9, v43;
	s20 =	simm.s32 $0x5F80  }
0x454: {  	[tilespmem:s20], [sflag:$0x2] =	stream.indirect_vreg.gather [hbm4b:s11+s3], $0x80, v40, vm0, $0xb8;
	[tilespmem:$0x1FD00] =	vst v63  }
0x455: {  	v23 =	vadd.s32 v9, v23;
	s20 =	simm.s32 $0x6000  }
0x456: {  	[tilespmem:s20], [sflag:$0x2] =	stream.indirect_vreg.gather [hbm4b:s11+s3], $0x80, v42, vm0, $0xb8;
	[tilespmem:$0x1FD00] =	vst v63  }
0x457: {  	s20 =	simm.s32 $0x6080  }
0x458: {  	[tilespmem:s20], [sflag:$0x2] =	stream.indirect_vreg.gather [hbm4b:s11+s3], $0x80, v44, vm0, $0xb8;
	[tilespmem:$0x1FD00] =	vst v63  }
0x459: {  	s20 =	simm.s32 $0x6100  }
0x45a: {  	[tilespmem:s20], [sflag:$0x2] =	stream.indirect_vreg.gather [hbm4b:s11+s3], $0x80, v23, vm0, $0xb8;
	[tilespmem:$0x1FD00] =	vst v63  }
0x45b: {  	v23 =	vld [tilespmem:s26+$0xF70];
	_ =	sdelay $0x4  }
0x45c: {  	v45 =	vshll.u32 v23, $0x1  }
0x45d: {  	v23 =	vand.u32 $0x7, v23;
	v24 =	vand.u32 $0xFFFFFFF0, v45  }
0x45e: {  	v23 =	vor.u32 v23, v24  }
0x45f: {  	v24 =	vperm.xlane v23, v8;
	_ =	sdelay $0x1  }
0x460: {  	v46 =	vperm.xlane v23, v7;
	v24 =	vadd.s32 v9, v24;
	_ =	sdelay $0x1  }
0x461: {  	v47 =	vperm.xlane v23, v10;
	v25 =	vadd.s32 v9, v46;
	_ =	sdelay $0x1  }
0x462: {  	s20 =	simm.s32 $0x6180;
	v48 =	vperm.xlane v23, v11;
	v26 =	vadd.s32 v9, v47  }
0x463: {  	[tilespmem:s20], [sflag:$0x2] =	stream.indirect_vreg.gather [hbm4b:s11+s3], $0x80, v24, vm0, $0xb8;
	[tilespmem:$0x1FD00] =	vst v63  }
0x464: {  	v50 =	vperm.xlane v23, v12;
	v49 =	vadd.s32 v9, v48;
	s20 =	simm.s32 $0x6200  }
0x465: {  	[tilespmem:s20], [sflag:$0x2] =	stream.indirect_vreg.gather [hbm4b:s11+s3], $0x80, v25, vm0, $0xb8;
	[tilespmem:$0x1FD00] =	vst v63  }
0x466: {  	v52 =	vperm.xlane v23, v13;
	v51 =	vadd.s32 v9, v50;
	s20 =	simm.s32 $0x6280  }
0x467: {  	[tilespmem:s20], [sflag:$0x2] =	stream.indirect_vreg.gather [hbm4b:s11+s3], $0x80, v26, vm0, $0xb8;
	[tilespmem:$0x1FD00] =	vst v63  }
0x468: {  	v54 =	vperm.xlane v23, v14;
	v53 =	vadd.s32 v9, v52;
	s20 =	simm.s32 $0x6300  }
0x469: {  	[tilespmem:s20], [sflag:$0x2] =	stream.indirect_vreg.gather [hbm4b:s11+s3], $0x80, v49, vm0, $0xb8;
	[tilespmem:$0x1FD00] =	vst v63  }
0x46a: {  	v56 =	vperm.xlane v23, v6;
	v55 =	vadd.s32 v9, v54;
	s20 =	simm.s32 $0x6380  }
0x46b: {  	[tilespmem:s20], [sflag:$0x2] =	stream.indirect_vreg.gather [hbm4b:s11+s3], $0x80, v51, vm0, $0xb8;
	[tilespmem:$0x1FD00] =	vst v63  }
0x46c: {  	v58 =	vperm.xlane v23, v15;
	v57 =	vadd.s32 v9, v56;
	s20 =	simm.s32 $0x6400  }
0x46d: {  	[tilespmem:s20], [sflag:$0x2] =	stream.indirect_vreg.gather [hbm4b:s11+s3], $0x80, v53, vm0, $0xb8;
	[tilespmem:$0x1FD00] =	vst v63  }
0x46e: {  	v60 =	vperm.xlane v23, v16;
	v59 =	vadd.s32 v9, v58;
	s20 =	simm.s32 $0x6480  }
0x46f: {  	[tilespmem:s20], [sflag:$0x2] =	stream.indirect_vreg.gather [hbm4b:s11+s3], $0x80, v55, vm0, $0xb8;
	[tilespmem:$0x1FD00] =	vst v63  }
0x470: {  	v62 =	vperm.xlane v23, v17;
	v61 =	vadd.s32 v9, v60;
	s20 =	simm.s32 $0x6500  }
0x471: {  	[tilespmem:s20], [sflag:$0x2] =	stream.indirect_vreg.gather [hbm4b:s11+s3], $0x80, v57, vm0, $0xb8;
	[tilespmem:$0x1FD00] =	vst v63  }
0x472: {  	v30 =	vperm.xlane v23, v18;
	v63 =	vadd.s32 v9, v62;
	s20 =	simm.s32 $0x6580  }
0x473: {  	[tilespmem:s20], [sflag:$0x2] =	stream.indirect_vreg.gather [hbm4b:s11+s3], $0x80, v59, vm0, $0xb8;
	[tilespmem:$0x1FD00] =	vst v63  }
0x474: {  	v32 =	vperm.xlane v23, v19;
	v31 =	vadd.s32 v9, v30;
	s20 =	simm.s32 $0x6600  }
0x475: {  	[tilespmem:s20], [sflag:$0x2] =	stream.indirect_vreg.gather [hbm4b:s11+s3], $0x80, v61, vm0, $0xb8;
	[tilespmem:$0x1FD00] =	vst v63  }
0x476: {  	v34 =	vperm.xlane v23, v20;
	v33 =	vadd.s32 v9, v32;
	s20 =	simm.s32 $0x6680  }
0x477: {  	[tilespmem:s20], [sflag:$0x2] =	stream.indirect_vreg.gather [hbm4b:s11+s3], $0x80, v63, vm0, $0xb8;
	[tilespmem:$0x1FD00] =	vst v63  }
0x478: {  	v36 =	vperm.xlane v23, v21;
	v35 =	vadd.s32 v9, v34;
	s20 =	simm.s32 $0x6700  }
0x479: {  	[tilespmem:s20], [sflag:$0x2] =	stream.indirect_vreg.gather [hbm4b:s11+s3], $0x80, v31, vm0, $0xb8;
	[tilespmem:$0x1FD00] =	vst v63  }
0x47a: {  	v23 =	vperm.xlane v23, v22;
	v37 =	vadd.s32 v9, v36;
	s20 =	simm.s32 $0x6780  }
0x47b: {  	[tilespmem:s20], [sflag:$0x2] =	stream.indirect_vreg.gather [hbm4b:s11+s3], $0x80, v33, vm0, $0xb8;
	[tilespmem:$0x1FD00] =	vst v63  }
0x47c: {  	v23 =	vadd.s32 v9, v23;
	s20 =	simm.s32 $0x6800  }
0x47d: {  	[tilespmem:s20], [sflag:$0x2] =	stream.indirect_vreg.gather [hbm4b:s11+s3], $0x80, v35, vm0, $0xb8;
	[tilespmem:$0x1FD00] =	vst v63  }
0x47e: {  	s20 =	simm.s32 $0x6880  }
0x47f: {  	[tilespmem:s20], [sflag:$0x2] =	stream.indirect_vreg.gather [hbm4b:s11+s3], $0x80, v37, vm0, $0xb8;
	[tilespmem:$0x1FD00] =	vst v63  }
0x480: {  	s20 =	simm.s32 $0x6900  }
0x481: {  	[tilespmem:s20], [sflag:$0x2] =	stream.indirect_vreg.gather [hbm4b:s11+s3], $0x80, v23, vm0, $0xb8;
	[tilespmem:$0x1FD00] =	vst v63  }
0x482: {  	v23 =	vld [tilespmem:s26+$0xF80];
	_ =	sdelay $0x4  }
0x483: {  	v38 =	vshll.u32 v23, $0x1  }
0x484: {  	v23 =	vand.u32 $0x7, v23;
	v24 =	vand.u32 $0xFFFFFFF0, v38  }
0x485: {  	v23 =	vor.u32 v23, v24  }
0x486: {  	v24 =	vperm.xlane v23, v8;
	_ =	sdelay $0x1  }
0x487: {  	v39 =	vperm.xlane v23, v7;
	v24 =	vadd.s32 v9, v24;
	_ =	sdelay $0x1  }
0x488: {  	v40 =	vperm.xlane v23, v10;
	v25 =	vadd.s32 v9, v39;
	_ =	sdelay $0x1  }
0x489: {  	s20 =	simm.s32 $0x6980;
	v41 =	vperm.xlane v23, v11;
	v26 =	vadd.s32 v9, v40  }
0x48a: {  	[tilespmem:s20], [sflag:$0x2] =	stream.indirect_vreg.gather [hbm4b:s11+s3], $0x80, v24, vm0, $0xb8;
	[tilespmem:$0x1FD00] =	vst v63  }
0x48b: {  	v43 =	vperm.xlane v23, v12;
	v42 =	vadd.s32 v9, v41;
	s20 =	simm.s32 $0x6A00  }
0x48c: {  	[tilespmem:s20], [sflag:$0x2] =	stream.indirect_vreg.gather [hbm4b:s11+s3], $0x80, v25, vm0, $0xb8;
	[tilespmem:$0x1FD00] =	vst v63  }
0x48d: {  	v45 =	vperm.xlane v23, v13;
	v44 =	vadd.s32 v9, v43;
	s20 =	simm.s32 $0x6A80  }
0x48e: {  	[tilespmem:s20], [sflag:$0x2] =	stream.indirect_vreg.gather [hbm4b:s11+s3], $0x80, v26, vm0, $0xb8;
	[tilespmem:$0x1FD00] =	vst v63  }
0x48f: {  	v47 =	vperm.xlane v23, v14;
	v46 =	vadd.s32 v9, v45;
	s20 =	simm.s32 $0x6B00  }
0x490: {  	[tilespmem:s20], [sflag:$0x2] =	stream.indirect_vreg.gather [hbm4b:s11+s3], $0x80, v42, vm0, $0xb8;
	[tilespmem:$0x1FD00] =	vst v63  }
0x491: {  	v49 =	vperm.xlane v23, v6;
	v48 =	vadd.s32 v9, v47;
	s20 =	simm.s32 $0x6B80  }
0x492: {  	[tilespmem:s20], [sflag:$0x2] =	stream.indirect_vreg.gather [hbm4b:s11+s3], $0x80, v44, vm0, $0xb8;
	[tilespmem:$0x1FD00] =	vst v63  }
0x493: {  	v51 =	vperm.xlane v23, v15;
	v50 =	vadd.s32 v9, v49;
	s20 =	simm.s32 $0x6C00  }
0x494: {  	[tilespmem:s20], [sflag:$0x2] =	stream.indirect_vreg.gather [hbm4b:s11+s3], $0x80, v46, vm0, $0xb8;
	[tilespmem:$0x1FD00] =	vst v63  }
0x495: {  	v53 =	vperm.xlane v23, v16;
	v52 =	vadd.s32 v9, v51;
	s20 =	simm.s32 $0x6C80  }
0x496: {  	[tilespmem:s20], [sflag:$0x2] =	stream.indirect_vreg.gather [hbm4b:s11+s3], $0x80, v48, vm0, $0xb8;
	[tilespmem:$0x1FD00] =	vst v63  }
0x497: {  	v55 =	vperm.xlane v23, v17;
	v54 =	vadd.s32 v9, v53;
	s20 =	simm.s32 $0x6D00  }
0x498: {  	[tilespmem:s20], [sflag:$0x2] =	stream.indirect_vreg.gather [hbm4b:s11+s3], $0x80, v50, vm0, $0xb8;
	[tilespmem:$0x1FD00] =	vst v63  }
0x499: {  	v57 =	vperm.xlane v23, v18;
	v56 =	vadd.s32 v9, v55;
	s20 =	simm.s32 $0x6D80  }
0x49a: {  	[tilespmem:s20], [sflag:$0x2] =	stream.indirect_vreg.gather [hbm4b:s11+s3], $0x80, v52, vm0, $0xb8;
	[tilespmem:$0x1FD00] =	vst v63  }
0x49b: {  	v59 =	vperm.xlane v23, v19;
	v58 =	vadd.s32 v9, v57;
	s20 =	simm.s32 $0x6E00  }
0x49c: {  	[tilespmem:s20], [sflag:$0x2] =	stream.indirect_vreg.gather [hbm4b:s11+s3], $0x80, v54, vm0, $0xb8;
	[tilespmem:$0x1FD00] =	vst v63  }
0x49d: {  	v61 =	vperm.xlane v23, v20;
	v60 =	vadd.s32 v9, v59;
	s20 =	simm.s32 $0x6E80  }
0x49e: {  	[tilespmem:s20], [sflag:$0x2] =	stream.indirect_vreg.gather [hbm4b:s11+s3], $0x80, v56, vm0, $0xb8;
	[tilespmem:$0x1FD00] =	vst v63  }
0x49f: {  	v63 =	vperm.xlane v23, v21;
	v62 =	vadd.s32 v9, v61;
	s20 =	simm.s32 $0x6F00  }
0x4a0: {  	[tilespmem:s20], [sflag:$0x2] =	stream.indirect_vreg.gather [hbm4b:s11+s3], $0x80, v58, vm0, $0xb8;
	[tilespmem:$0x1FD00] =	vst v63  }
0x4a1: {  	v23 =	vperm.xlane v23, v22;
	v30 =	vadd.s32 v9, v63;
	s20 =	simm.s32 $0x6F80  }
0x4a2: {  	[tilespmem:s20], [sflag:$0x2] =	stream.indirect_vreg.gather [hbm4b:s11+s3], $0x80, v60, vm0, $0xb8;
	[tilespmem:$0x1FD00] =	vst v63  }
0x4a3: {  	v23 =	vadd.s32 v9, v23;
	s20 =	simm.s32 $0x7000  }
0x4a4: {  	[tilespmem:s20], [sflag:$0x2] =	stream.indirect_vreg.gather [hbm4b:s11+s3], $0x80, v62, vm0, $0xb8;
	[tilespmem:$0x1FD00] =	vst v63  }
0x4a5: {  	s20 =	simm.s32 $0x7080  }
0x4a6: {  	[tilespmem:s20], [sflag:$0x2] =	stream.indirect_vreg.gather [hbm4b:s11+s3], $0x80, v30, vm0, $0xb8;
	[tilespmem:$0x1FD00] =	vst v63  }
0x4a7: {  	s20 =	simm.s32 $0x7100  }
0x4a8: {  	[tilespmem:s20], [sflag:$0x2] =	stream.indirect_vreg.gather [hbm4b:s11+s3], $0x80, v23, vm0, $0xb8;
	[tilespmem:$0x1FD00] =	vst v63  }
0x4a9: {  	v23 =	vld [tilespmem:s26+$0xFFFFFF40];
	_ =	sdelay $0x4  }
0x4aa: {  	[tilespmem:$0x2080] =	vst v23  }
0x4ab: {  	v23 =	vld [tilespmem:s26+$0xFFFFFF50];
	_ =	sdelay $0x4  }
0x4ac: {  	[tilespmem:$0x2090] =	vst v23  }
0x4ad: {  	v23 =	vld [tilespmem:s26+$0xFFFFFF60];
	_ =	sdelay $0x4  }
0x4ae: {  	[tilespmem:$0x20A0] =	vst v23  }
0x4af: {  	v23 =	vld [tilespmem:s26+$0xFFFFFF70];
	_ =	sdelay $0x4  }
0x4b0: {  	[tilespmem:$0x20B0] =	vst v23  }
0x4b1: {  	v23 =	vld [tilespmem:s26+$0xFFFFFF80];
	_ =	sdelay $0x4  }
0x4b2: {  	[tilespmem:$0x20C0] =	vst v23  }
0x4b3: {  	_ =	swait.ge [sflag:s25], $0x2800  }
0x4b4: {  	[sflag:s25] =	ssyncset.done $0x0  }
0x4b5: {  	s20 =	simm.s32 $0x2000;
	[sflag:s25] =	ssyncadd.s32 $0xFFFFD800  }
0x4b6: {  	[spmem:s1] =	stream.indirect.scatter.add.f32 [tilespmem:s18], [sflag:$0x4], $0x80, s20, s12, $0xb8;
	[tilespmem:$0x1FD00] =	vst v63  }
0x4b7: {  	_ =	swait.ge [sflag:s22], $0x2800  }
0x4b8: {  	[sflag:s22] =	ssyncset.done $0x0  }
0x4b9: {  	[sflag:s22] =	ssyncadd.s32 $0xFFFFD800  }
0x4ba: {  	v23 =	vld [tilespmem:s26+$0xFC0];
	_ =	sdelay $0x4  }
0x4bb: {  	v31 =	vshll.u32 v23, $0x1  }
0x4bc: {  	v23 =	vand.u32 $0x7, v23;
	v24 =	vand.u32 $0xFFFFFFF0, v31  }
0x4bd: {  	v23 =	vor.u32 v23, v24  }
0x4be: {  	v24 =	vperm.xlane v23, v8;
	_ =	sdelay $0x1  }
0x4bf: {  	v32 =	vperm.xlane v23, v7;
	v24 =	vadd.s32 v9, v24;
	_ =	sdelay $0x1  }
0x4c0: {  	v33 =	vperm.xlane v23, v10;
	v25 =	vadd.s32 v9, v32;
	_ =	sdelay $0x1  }
0x4c1: {  	v34 =	vperm.xlane v23, v11;
	v26 =	vadd.s32 v9, v33  }
0x4c2: {  	[tilespmem:s17], [sflag:$0x3] =	stream.indirect_vreg.gather [hbm4b:s11+s3], $0x80, v24, vm0, $0xb8;
	[tilespmem:$0x1FD00] =	vst v63  }
0x4c3: {  	s20 =	simm.s32 $0x7200;
	v36 =	vperm.xlane v23, v12;
	v35 =	vadd.s32 v9, v34  }
0x4c4: {  	[tilespmem:s20], [sflag:$0x3] =	stream.indirect_vreg.gather [hbm4b:s11+s3], $0x80, v25, vm0, $0xb8;
	[tilespmem:$0x1FD00] =	vst v63  }
0x4c5: {  	v38 =	vperm.xlane v23, v13;
	v37 =	vadd.s32 v9, v36;
	s20 =	simm.s32 $0x7280  }
0x4c6: {  	[tilespmem:s20], [sflag:$0x3] =	stream.indirect_vreg.gather [hbm4b:s11+s3], $0x80, v26, vm0, $0xb8;
	[tilespmem:$0x1FD00] =	vst v63  }
0x4c7: {  	v40 =	vperm.xlane v23, v14;
	v39 =	vadd.s32 v9, v38;
	s20 =	simm.s32 $0x7300  }
0x4c8: {  	[tilespmem:s20], [sflag:$0x3] =	stream.indirect_vreg.gather [hbm4b:s11+s3], $0x80, v35, vm0, $0xb8;
	[tilespmem:$0x1FD00] =	vst v63  }
0x4c9: {  	v42 =	vperm.xlane v23, v6;
	v41 =	vadd.s32 v9, v40;
	s20 =	simm.s32 $0x7380  }
0x4ca: {  	[tilespmem:s20], [sflag:$0x3] =	stream.indirect_vreg.gather [hbm4b:s11+s3], $0x80, v37, vm0, $0xb8;
	[tilespmem:$0x1FD00] =	vst v63  }
0x4cb: {  	v44 =	vperm.xlane v23, v15;
	v43 =	vadd.s32 v9, v42;
	s20 =	simm.s32 $0x7400  }
0x4cc: {  	[tilespmem:s20], [sflag:$0x3] =	stream.indirect_vreg.gather [hbm4b:s11+s3], $0x80, v39, vm0, $0xb8;
	[tilespmem:$0x1FD00] =	vst v63  }
0x4cd: {  	v46 =	vperm.xlane v23, v16;
	v45 =	vadd.s32 v9, v44;
	s20 =	simm.s32 $0x7480  }
0x4ce: {  	[tilespmem:s20], [sflag:$0x3] =	stream.indirect_vreg.gather [hbm4b:s11+s3], $0x80, v41, vm0, $0xb8;
	[tilespmem:$0x1FD00] =	vst v63  }
0x4cf: {  	v48 =	vperm.xlane v23, v17;
	v47 =	vadd.s32 v9, v46;
	s20 =	simm.s32 $0x7500  }
0x4d0: {  	[tilespmem:s20], [sflag:$0x3] =	stream.indirect_vreg.gather [hbm4b:s11+s3], $0x80, v43, vm0, $0xb8;
	[tilespmem:$0x1FD00] =	vst v63  }
0x4d1: {  	v50 =	vperm.xlane v23, v18;
	v49 =	vadd.s32 v9, v48;
	s20 =	simm.s32 $0x7580  }
0x4d2: {  	[tilespmem:s20], [sflag:$0x3] =	stream.indirect_vreg.gather [hbm4b:s11+s3], $0x80, v45, vm0, $0xb8;
	[tilespmem:$0x1FD00] =	vst v63  }
0x4d3: {  	v52 =	vperm.xlane v23, v19;
	v51 =	vadd.s32 v9, v50;
	s20 =	simm.s32 $0x7600  }
0x4d4: {  	[tilespmem:s20], [sflag:$0x3] =	stream.indirect_vreg.gather [hbm4b:s11+s3], $0x80, v47, vm0, $0xb8;
	[tilespmem:$0x1FD00] =	vst v63  }
0x4d5: {  	v54 =	vperm.xlane v23, v20;
	v53 =	vadd.s32 v9, v52;
	s20 =	simm.s32 $0x7680  }
0x4d6: {  	[tilespmem:s20], [sflag:$0x3] =	stream.indirect_vreg.gather [hbm4b:s11+s3], $0x80, v49, vm0, $0xb8;
	[tilespmem:$0x1FD00] =	vst v63  }
0x4d7: {  	v56 =	vperm.xlane v23, v21;
	v55 =	vadd.s32 v9, v54;
	s20 =	simm.s32 $0x7700  }
0x4d8: {  	[tilespmem:s20], [sflag:$0x3] =	stream.indirect_vreg.gather [hbm4b:s11+s3], $0x80, v51, vm0, $0xb8;
	[tilespmem:$0x1FD00] =	vst v63  }
0x4d9: {  	v23 =	vperm.xlane v23, v22;
	v57 =	vadd.s32 v9, v56;
	s20 =	simm.s32 $0x7780  }
0x4da: {  	[tilespmem:s20], [sflag:$0x3] =	stream.indirect_vreg.gather [hbm4b:s11+s3], $0x80, v53, vm0, $0xb8;
	[tilespmem:$0x1FD00] =	vst v63  }
0x4db: {  	v23 =	vadd.s32 v9, v23;
	s20 =	simm.s32 $0x7800  }
0x4dc: {  	[tilespmem:s20], [sflag:$0x3] =	stream.indirect_vreg.gather [hbm4b:s11+s3], $0x80, v55, vm0, $0xb8;
	[tilespmem:$0x1FD00] =	vst v63  }
0x4dd: {  	s20 =	simm.s32 $0x7880  }
0x4de: {  	[tilespmem:s20], [sflag:$0x3] =	stream.indirect_vreg.gather [hbm4b:s11+s3], $0x80, v57, vm0, $0xb8;
	[tilespmem:$0x1FD00] =	vst v63  }
0x4df: {  	s20 =	simm.s32 $0x7900  }
0x4e0: {  	[tilespmem:s20], [sflag:$0x3] =	stream.indirect_vreg.gather [hbm4b:s11+s3], $0x80, v23, vm0, $0xb8;
	[tilespmem:$0x1FD00] =	vst v63  }
0x4e1: {  	v23 =	vld [tilespmem:s26+$0xFD0];
	_ =	sdelay $0x4  }
0x4e2: {  	v58 =	vshll.u32 v23, $0x1  }
0x4e3: {  	v23 =	vand.u32 $0x7, v23;
	v24 =	vand.u32 $0xFFFFFFF0, v58  }
0x4e4: {  	v23 =	vor.u32 v23, v24  }
0x4e5: {  	v24 =	vperm.xlane v23, v8;
	_ =	sdelay $0x1  }
0x4e6: {  	v59 =	vperm.xlane v23, v7;
	v24 =	vadd.s32 v9, v24;
	_ =	sdelay $0x1  }
0x4e7: {  	v60 =	vperm.xlane v23, v10;
	v25 =	vadd.s32 v9, v59;
	_ =	sdelay $0x1  }
0x4e8: {  	s20 =	simm.s32 $0x7980;
	v61 =	vperm.xlane v23, v11;
	v26 =	vadd.s32 v9, v60  }
0x4e9: {  	[tilespmem:s20], [sflag:$0x3] =	stream.indirect_vreg.gather [hbm4b:s11+s3], $0x80, v24, vm0, $0xb8;
	[tilespmem:$0x1FD00] =	vst v63  }
0x4ea: {  	v63 =	vperm.xlane v23, v12;
	v62 =	vadd.s32 v9, v61;
	s20 =	simm.s32 $0x7A00  }
0x4eb: {  	[tilespmem:s20], [sflag:$0x3] =	stream.indirect_vreg.gather [hbm4b:s11+s3], $0x80, v25, vm0, $0xb8;
	[tilespmem:$0x1FD00] =	vst v63  }
0x4ec: {  	v31 =	vperm.xlane v23, v13;
	v30 =	vadd.s32 v9, v63;
	s20 =	simm.s32 $0x7A80  }
0x4ed: {  	[tilespmem:s20], [sflag:$0x3] =	stream.indirect_vreg.gather [hbm4b:s11+s3], $0x80, v26, vm0, $0xb8;
	[tilespmem:$0x1FD00] =	vst v63  }
0x4ee: {  	v33 =	vperm.xlane v23, v14;
	v32 =	vadd.s32 v9, v31;
	s20 =	simm.s32 $0x7B00  }
0x4ef: {  	[tilespmem:s20], [sflag:$0x3] =	stream.indirect_vreg.gather [hbm4b:s11+s3], $0x80, v62, vm0, $0xb8;
	[tilespmem:$0x1FD00] =	vst v63  }
0x4f0: {  	v35 =	vperm.xlane v23, v6;
	v34 =	vadd.s32 v9, v33;
	s20 =	simm.s32 $0x7B80  }
0x4f1: {  	[tilespmem:s20], [sflag:$0x3] =	stream.indirect_vreg.gather [hbm4b:s11+s3], $0x80, v30, vm0, $0xb8;
	[tilespmem:$0x1FD00] =	vst v63  }
0x4f2: {  	v37 =	vperm.xlane v23, v15;
	v36 =	vadd.s32 v9, v35;
	s20 =	simm.s32 $0x7C00  }
0x4f3: {  	[tilespmem:s20], [sflag:$0x3] =	stream.indirect_vreg.gather [hbm4b:s11+s3], $0x80, v32, vm0, $0xb8;
	[tilespmem:$0x1FD00] =	vst v63  }
0x4f4: {  	v39 =	vperm.xlane v23, v16;
	v38 =	vadd.s32 v9, v37;
	s20 =	simm.s32 $0x7C80  }
0x4f5: {  	[tilespmem:s20], [sflag:$0x3] =	stream.indirect_vreg.gather [hbm4b:s11+s3], $0x80, v34, vm0, $0xb8;
	[tilespmem:$0x1FD00] =	vst v63  }
0x4f6: {  	v41 =	vperm.xlane v23, v17;
	v40 =	vadd.s32 v9, v39;
	s20 =	simm.s32 $0x7D00  }
0x4f7: {  	[tilespmem:s20], [sflag:$0x3] =	stream.indirect_vreg.gather [hbm4b:s11+s3], $0x80, v36, vm0, $0xb8;
	[tilespmem:$0x1FD00] =	vst v63  }
0x4f8: {  	v43 =	vperm.xlane v23, v18;
	v42 =	vadd.s32 v9, v41;
	s20 =	simm.s32 $0x7D80  }
0x4f9: {  	[tilespmem:s20], [sflag:$0x3] =	stream.indirect_vreg.gather [hbm4b:s11+s3], $0x80, v38, vm0, $0xb8;
	[tilespmem:$0x1FD00] =	vst v63  }
0x4fa: {  	v45 =	vperm.xlane v23, v19;
	v44 =	vadd.s32 v9, v43;
	s20 =	simm.s32 $0x7E00  }
0x4fb: {  	[tilespmem:s20], [sflag:$0x3] =	stream.indirect_vreg.gather [hbm4b:s11+s3], $0x80, v40, vm0, $0xb8;
	[tilespmem:$0x1FD00] =	vst v63  }
0x4fc: {  	v47 =	vperm.xlane v23, v20;
	v46 =	vadd.s32 v9, v45;
	s20 =	simm.s32 $0x7E80  }
0x4fd: {  	[tilespmem:s20], [sflag:$0x3] =	stream.indirect_vreg.gather [hbm4b:s11+s3], $0x80, v42, vm0, $0xb8;
	[tilespmem:$0x1FD00] =	vst v63  }
0x4fe: {  	v49 =	vperm.xlane v23, v21;
	v48 =	vadd.s32 v9, v47;
	s20 =	simm.s32 $0x7F00  }
0x4ff: {  	[tilespmem:s20], [sflag:$0x3] =	stream.indirect_vreg.gather [hbm4b:s11+s3], $0x80, v44, vm0, $0xb8;
	[tilespmem:$0x1FD00] =	vst v63  }
0x500: {  	v23 =	vperm.xlane v23, v22;
	v50 =	vadd.s32 v9, v49;
	s20 =	simm.s32 $0x7F80  }
0x501: {  	[tilespmem:s20], [sflag:$0x3] =	stream.indirect_vreg.gather [hbm4b:s11+s3], $0x80, v46, vm0, $0xb8;
	[tilespmem:$0x1FD00] =	vst v63  }
0x502: {  	v23 =	vadd.s32 v9, v23;
	s20 =	simm.s32 $0x8000  }
0x503: {  	[tilespmem:s20], [sflag:$0x3] =	stream.indirect_vreg.gather [hbm4b:s11+s3], $0x80, v48, vm0, $0xb8;
	[tilespmem:$0x1FD00] =	vst v63  }
0x504: {  	s20 =	simm.s32 $0x8080  }
0x505: {  	[tilespmem:s20], [sflag:$0x3] =	stream.indirect_vreg.gather [hbm4b:s11+s3], $0x80, v50, vm0, $0xb8;
	[tilespmem:$0x1FD00] =	vst v63  }
0x506: {  	s20 =	simm.s32 $0x8100  }
0x507: {  	[tilespmem:s20], [sflag:$0x3] =	stream.indirect_vreg.gather [hbm4b:s11+s3], $0x80, v23, vm0, $0xb8;
	[tilespmem:$0x1FD00] =	vst v63  }
0x508: {  	v23 =	vld [tilespmem:s26+$0xFE0];
	_ =	sdelay $0x4  }
0x509: {  	v51 =	vshll.u32 v23, $0x1  }
0x50a: {  	v23 =	vand.u32 $0x7, v23;
	v24 =	vand.u32 $0xFFFFFFF0, v51  }
0x50b: {  	v23 =	vor.u32 v23, v24  }
0x50c: {  	v24 =	vperm.xlane v23, v8;
	_ =	sdelay $0x1  }
0x50d: {  	v52 =	vperm.xlane v23, v7;
	v24 =	vadd.s32 v9, v24;
	_ =	sdelay $0x1  }
0x50e: {  	v53 =	vperm.xlane v23, v10;
	v25 =	vadd.s32 v9, v52;
	_ =	sdelay $0x1  }
0x50f: {  	s20 =	simm.s32 $0x8180;
	v54 =	vperm.xlane v23, v11;
	v26 =	vadd.s32 v9, v53  }
0x510: {  	[tilespmem:s20], [sflag:$0x3] =	stream.indirect_vreg.gather [hbm4b:s11+s3], $0x80, v24, vm0, $0xb8;
	[tilespmem:$0x1FD00] =	vst v63  }
0x511: {  	v56 =	vperm.xlane v23, v12;
	v55 =	vadd.s32 v9, v54;
	s20 =	simm.s32 $0x8200  }
0x512: {  	[tilespmem:s20], [sflag:$0x3] =	stream.indirect_vreg.gather [hbm4b:s11+s3], $0x80, v25, vm0, $0xb8;
	[tilespmem:$0x1FD00] =	vst v63  }
0x513: {  	v58 =	vperm.xlane v23, v13;
	v57 =	vadd.s32 v9, v56;
	s20 =	simm.s32 $0x8280  }
0x514: {  	[tilespmem:s20], [sflag:$0x3] =	stream.indirect_vreg.gather [hbm4b:s11+s3], $0x80, v26, vm0, $0xb8;
	[tilespmem:$0x1FD00] =	vst v63  }
0x515: {  	v60 =	vperm.xlane v23, v14;
	v59 =	vadd.s32 v9, v58;
	s20 =	simm.s32 $0x8300  }
0x516: {  	[tilespmem:s20], [sflag:$0x3] =	stream.indirect_vreg.gather [hbm4b:s11+s3], $0x80, v55, vm0, $0xb8;
	[tilespmem:$0x1FD00] =	vst v63  }
0x517: {  	v62 =	vperm.xlane v23, v6;
	v61 =	vadd.s32 v9, v60;
	s20 =	simm.s32 $0x8380  }
0x518: {  	[tilespmem:s20], [sflag:$0x3] =	stream.indirect_vreg.gather [hbm4b:s11+s3], $0x80, v57, vm0, $0xb8;
	[tilespmem:$0x1FD00] =	vst v63  }
0x519: {  	v30 =	vperm.xlane v23, v15;
	v63 =	vadd.s32 v9, v62;
	s20 =	simm.s32 $0x8400  }
0x51a: {  	[tilespmem:s20], [sflag:$0x3] =	stream.indirect_vreg.gather [hbm4b:s11+s3], $0x80, v59, vm0, $0xb8;
	[tilespmem:$0x1FD00] =	vst v63  }
0x51b: {  	v32 =	vperm.xlane v23, v16;
	v31 =	vadd.s32 v9, v30;
	s20 =	simm.s32 $0x8480  }
0x51c: {  	[tilespmem:s20], [sflag:$0x3] =	stream.indirect_vreg.gather [hbm4b:s11+s3], $0x80, v61, vm0, $0xb8;
	[tilespmem:$0x1FD00] =	vst v63  }
0x51d: {  	v34 =	vperm.xlane v23, v17;
	v33 =	vadd.s32 v9, v32;
	s20 =	simm.s32 $0x8500  }
0x51e: {  	[tilespmem:s20], [sflag:$0x3] =	stream.indirect_vreg.gather [hbm4b:s11+s3], $0x80, v63, vm0, $0xb8;
	[tilespmem:$0x1FD00] =	vst v63  }
0x51f: {  	v36 =	vperm.xlane v23, v18;
	v35 =	vadd.s32 v9, v34;
	s20 =	simm.s32 $0x8580  }
0x520: {  	[tilespmem:s20], [sflag:$0x3] =	stream.indirect_vreg.gather [hbm4b:s11+s3], $0x80, v31, vm0, $0xb8;
	[tilespmem:$0x1FD00] =	vst v63  }
0x521: {  	v38 =	vperm.xlane v23, v19;
	v37 =	vadd.s32 v9, v36;
	s20 =	simm.s32 $0x8600  }
0x522: {  	[tilespmem:s20], [sflag:$0x3] =	stream.indirect_vreg.gather [hbm4b:s11+s3], $0x80, v33, vm0, $0xb8;
	[tilespmem:$0x1FD00] =	vst v63  }
0x523: {  	v40 =	vperm.xlane v23, v20;
	v39 =	vadd.s32 v9, v38;
	s20 =	simm.s32 $0x8680  }
0x524: {  	[tilespmem:s20], [sflag:$0x3] =	stream.indirect_vreg.gather [hbm4b:s11+s3], $0x80, v35, vm0, $0xb8;
	[tilespmem:$0x1FD00] =	vst v63  }
0x525: {  	v42 =	vperm.xlane v23, v21;
	v41 =	vadd.s32 v9, v40;
	s20 =	simm.s32 $0x8700  }
0x526: {  	[tilespmem:s20], [sflag:$0x3] =	stream.indirect_vreg.gather [hbm4b:s11+s3], $0x80, v37, vm0, $0xb8;
	[tilespmem:$0x1FD00] =	vst v63  }
0x527: {  	v23 =	vperm.xlane v23, v22;
	v43 =	vadd.s32 v9, v42;
	s20 =	simm.s32 $0x8780  }
0x528: {  	[tilespmem:s20], [sflag:$0x3] =	stream.indirect_vreg.gather [hbm4b:s11+s3], $0x80, v39, vm0, $0xb8;
	[tilespmem:$0x1FD00] =	vst v63  }
0x529: {  	v23 =	vadd.s32 v9, v23;
	s20 =	simm.s32 $0x8800  }
0x52a: {  	[tilespmem:s20], [sflag:$0x3] =	stream.indirect_vreg.gather [hbm4b:s11+s3], $0x80, v41, vm0, $0xb8;
	[tilespmem:$0x1FD00] =	vst v63  }
0x52b: {  	s20 =	simm.s32 $0x8880  }
0x52c: {  	[tilespmem:s20], [sflag:$0x3] =	stream.indirect_vreg.gather [hbm4b:s11+s3], $0x80, v43, vm0, $0xb8;
	[tilespmem:$0x1FD00] =	vst v63  }
0x52d: {  	s20 =	simm.s32 $0x8900  }
0x52e: {  	[tilespmem:s20], [sflag:$0x3] =	stream.indirect_vreg.gather [hbm4b:s11+s3], $0x80, v23, vm0, $0xb8;
	[tilespmem:$0x1FD00] =	vst v63  }
0x52f: {  	v23 =	vld [tilespmem:s26+$0xFF0];
	_ =	sdelay $0x4  }
0x530: {  	v44 =	vshll.u32 v23, $0x1  }
0x531: {  	v23 =	vand.u32 $0x7, v23;
	v24 =	vand.u32 $0xFFFFFFF0, v44  }
0x532: {  	v23 =	vor.u32 v23, v24  }
0x533: {  	v24 =	vperm.xlane v23, v8;
	_ =	sdelay $0x1  }
0x534: {  	v45 =	vperm.xlane v23, v7;
	v24 =	vadd.s32 v9, v24;
	_ =	sdelay $0x1  }
0x535: {  	v46 =	vperm.xlane v23, v10;
	v25 =	vadd.s32 v9, v45;
	_ =	sdelay $0x1  }
0x536: {  	s20 =	simm.s32 $0x8980;
	v47 =	vperm.xlane v23, v11;
	v26 =	vadd.s32 v9, v46  }
0x537: {  	[tilespmem:s20], [sflag:$0x3] =	stream.indirect_vreg.gather [hbm4b:s11+s3], $0x80, v24, vm0, $0xb8;
	[tilespmem:$0x1FD00] =	vst v63  }
0x538: {  	v49 =	vperm.xlane v23, v12;
	v48 =	vadd.s32 v9, v47;
	s20 =	simm.s32 $0x8A00  }
0x539: {  	[tilespmem:s20], [sflag:$0x3] =	stream.indirect_vreg.gather [hbm4b:s11+s3], $0x80, v25, vm0, $0xb8;
	[tilespmem:$0x1FD00] =	vst v63  }
0x53a: {  	v51 =	vperm.xlane v23, v13;
	v50 =	vadd.s32 v9, v49;
	s20 =	simm.s32 $0x8A80  }
0x53b: {  	[tilespmem:s20], [sflag:$0x3] =	stream.indirect_vreg.gather [hbm4b:s11+s3], $0x80, v26, vm0, $0xb8;
	[tilespmem:$0x1FD00] =	vst v63  }
0x53c: {  	v53 =	vperm.xlane v23, v14;
	v52 =	vadd.s32 v9, v51;
	s20 =	simm.s32 $0x8B00  }
0x53d: {  	[tilespmem:s20], [sflag:$0x3] =	stream.indirect_vreg.gather [hbm4b:s11+s3], $0x80, v48, vm0, $0xb8;
	[tilespmem:$0x1FD00] =	vst v63  }
0x53e: {  	v55 =	vperm.xlane v23, v6;
	v54 =	vadd.s32 v9, v53;
	s20 =	simm.s32 $0x8B80  }
0x53f: {  	[tilespmem:s20], [sflag:$0x3] =	stream.indirect_vreg.gather [hbm4b:s11+s3], $0x80, v50, vm0, $0xb8;
	[tilespmem:$0x1FD00] =	vst v63  }
0x540: {  	v57 =	vperm.xlane v23, v15;
	v56 =	vadd.s32 v9, v55;
	s20 =	simm.s32 $0x8C00  }
0x541: {  	[tilespmem:s20], [sflag:$0x3] =	stream.indirect_vreg.gather [hbm4b:s11+s3], $0x80, v52, vm0, $0xb8;
	[tilespmem:$0x1FD00] =	vst v63  }
0x542: {  	v59 =	vperm.xlane v23, v16;
	v58 =	vadd.s32 v9, v57;
	s20 =	simm.s32 $0x8C80  }
0x543: {  	[tilespmem:s20], [sflag:$0x3] =	stream.indirect_vreg.gather [hbm4b:s11+s3], $0x80, v54, vm0, $0xb8;
	[tilespmem:$0x1FD00] =	vst v63  }
0x544: {  	v61 =	vperm.xlane v23, v17;
	v60 =	vadd.s32 v9, v59;
	s20 =	simm.s32 $0x8D00  }
0x545: {  	[tilespmem:s20], [sflag:$0x3] =	stream.indirect_vreg.gather [hbm4b:s11+s3], $0x80, v56, vm0, $0xb8;
	[tilespmem:$0x1FD00] =	vst v63  }
0x546: {  	v63 =	vperm.xlane v23, v18;
	v62 =	vadd.s32 v9, v61;
	s20 =	simm.s32 $0x8D80  }
0x547: {  	[tilespmem:s20], [sflag:$0x3] =	stream.indirect_vreg.gather [hbm4b:s11+s3], $0x80, v58, vm0, $0xb8;
	[tilespmem:$0x1FD00] =	vst v63  }
0x548: {  	v31 =	vperm.xlane v23, v19;
	v30 =	vadd.s32 v9, v63;
	s20 =	simm.s32 $0x8E00  }
0x549: {  	[tilespmem:s20], [sflag:$0x3] =	stream.indirect_vreg.gather [hbm4b:s11+s3], $0x80, v60, vm0, $0xb8;
	[tilespmem:$0x1FD00] =	vst v63  }
0x54a: {  	v33 =	vperm.xlane v23, v20;
	v32 =	vadd.s32 v9, v31;
	s20 =	simm.s32 $0x8E80  }
0x54b: {  	[tilespmem:s20], [sflag:$0x3] =	stream.indirect_vreg.gather [hbm4b:s11+s3], $0x80, v62, vm0, $0xb8;
	[tilespmem:$0x1FD00] =	vst v63  }
0x54c: {  	v35 =	vperm.xlane v23, v21;
	v34 =	vadd.s32 v9, v33;
	s20 =	simm.s32 $0x8F00  }
0x54d: {  	[tilespmem:s20], [sflag:$0x3] =	stream.indirect_vreg.gather [hbm4b:s11+s3], $0x80, v30, vm0, $0xb8;
	[tilespmem:$0x1FD00] =	vst v63  }
0x54e: {  	v23 =	vperm.xlane v23, v22;
	v36 =	vadd.s32 v9, v35;
	s20 =	simm.s32 $0x8F80  }
0x54f: {  	[tilespmem:s20], [sflag:$0x3] =	stream.indirect_vreg.gather [hbm4b:s11+s3], $0x80, v32, vm0, $0xb8;
	[tilespmem:$0x1FD00] =	vst v63  }
0x550: {  	v23 =	vadd.s32 v9, v23;
	s20 =	simm.s32 $0x9000  }
0x551: {  	[tilespmem:s20], [sflag:$0x3] =	stream.indirect_vreg.gather [hbm4b:s11+s3], $0x80, v34, vm0, $0xb8;
	[tilespmem:$0x1FD00] =	vst v63  }
0x552: {  	s20 =	simm.s32 $0x9080  }
0x553: {  	[tilespmem:s20], [sflag:$0x3] =	stream.indirect_vreg.gather [hbm4b:s11+s3], $0x80, v36, vm0, $0xb8;
	[tilespmem:$0x1FD00] =	vst v63  }
0x554: {  	s20 =	simm.s32 $0x9100  }
0x555: {  	[tilespmem:s20], [sflag:$0x3] =	stream.indirect_vreg.gather [hbm4b:s11+s3], $0x80, v23, vm0, $0xb8;
	[tilespmem:$0x1FD00] =	vst v63  }
0x556: {  	v23 =	vld [tilespmem:s26+$0x1000];
	_ =	sdelay $0x4  }
0x557: {  	v37 =	vshll.u32 v23, $0x1  }
0x558: {  	v23 =	vand.u32 $0x7, v23;
	v24 =	vand.u32 $0xFFFFFFF0, v37  }
0x559: {  	v23 =	vor.u32 v23, v24  }
0x55a: {  	v24 =	vperm.xlane v23, v8;
	_ =	sdelay $0x1  }
0x55b: {  	v38 =	vperm.xlane v23, v7;
	v24 =	vadd.s32 v9, v24;
	_ =	sdelay $0x1  }
0x55c: {  	v39 =	vperm.xlane v23, v10;
	v25 =	vadd.s32 v9, v38;
	_ =	sdelay $0x1  }
0x55d: {  	v40 =	vperm.xlane v23, v11;
	v26 =	vadd.s32 v9, v39  }
0x55e: {  	[tilespmem:s28], [sflag:$0x3] =	stream.indirect_vreg.gather [hbm4b:s11+s3], $0x80, v24, vm0, $0xb8;
	[tilespmem:$0x1FD00] =	vst v63  }
0x55f: {  	v42 =	vperm.xlane v23, v12;
	v41 =	vadd.s32 v9, v40  }
0x560: {  	[tilespmem:s30], [sflag:$0x3] =	stream.indirect_vreg.gather [hbm4b:s11+s3], $0x80, v25, vm0, $0xb8;
	[tilespmem:$0x1FD00] =	vst v63  }
0x561: {  	v44 =	vperm.xlane v23, v13;
	v43 =	vadd.s32 v9, v42  }
0x562: {  	[tilespmem:s31], [sflag:$0x3] =	stream.indirect_vreg.gather [hbm4b:s11+s3], $0x80, v26, vm0, $0xb8;
	[tilespmem:$0x1FD00] =	vst v63  }
0x563: {  	v46 =	vperm.xlane v23, v14;
	v45 =	vadd.s32 v9, v44  }
0x564: {  	[tilespmem:s0], [sflag:$0x3] =	stream.indirect_vreg.gather [hbm4b:s11+s3], $0x80, v41, vm0, $0xb8;
	[tilespmem:$0x1FD00] =	vst v63  }
0x565: {  	v48 =	vperm.xlane v23, v6;
	v47 =	vadd.s32 v9, v46  }
0x566: {  	[tilespmem:s29], [sflag:$0x3] =	stream.indirect_vreg.gather [hbm4b:s11+s3], $0x80, v43, vm0, $0xb8;
	[tilespmem:$0x1FD00] =	vst v63  }
0x567: {  	s20 =	simm.s32 $0x9400;
	v50 =	vperm.xlane v23, v15;
	v49 =	vadd.s32 v9, v48  }
0x568: {  	[tilespmem:s20], [sflag:$0x3] =	stream.indirect_vreg.gather [hbm4b:s11+s3], $0x80, v45, vm0, $0xb8;
	[tilespmem:$0x1FD00] =	vst v63  }
0x569: {  	v52 =	vperm.xlane v23, v16;
	v51 =	vadd.s32 v9, v50  }
0x56a: {  	[tilespmem:s9], [sflag:$0x3] =	stream.indirect_vreg.gather [hbm4b:s11+s3], $0x80, v47, vm0, $0xb8;
	[tilespmem:$0x1FD00] =	vst v63  }
0x56b: {  	v54 =	vperm.xlane v23, v17;
	v53 =	vadd.s32 v9, v52  }
0x56c: {  	[tilespmem:s24], [sflag:$0x3] =	stream.indirect_vreg.gather [hbm4b:s11+s3], $0x80, v49, vm0, $0xb8;
	[tilespmem:$0x1FD00] =	vst v63  }
0x56d: {  	v56 =	vperm.xlane v23, v18;
	v55 =	vadd.s32 v9, v54;
	s20 =	simm.s32 $0x9580  }
0x56e: {  	[tilespmem:s20], [sflag:$0x3] =	stream.indirect_vreg.gather [hbm4b:s11+s3], $0x80, v51, vm0, $0xb8;
	[tilespmem:$0x1FD00] =	vst v63  }
0x56f: {  	v58 =	vperm.xlane v23, v19;
	v57 =	vadd.s32 v9, v56  }
0x570: {  	[tilespmem:s8], [sflag:$0x3] =	stream.indirect_vreg.gather [hbm4b:s11+s3], $0x80, v53, vm0, $0xb8;
	[tilespmem:$0x1FD00] =	vst v63  }
0x571: {  	v60 =	vperm.xlane v23, v20;
	v59 =	vadd.s32 v9, v58  }
0x572: {  	[tilespmem:s13], [sflag:$0x3] =	stream.indirect_vreg.gather [hbm4b:s11+s3], $0x80, v55, vm0, $0xb8;
	[tilespmem:$0x1FD00] =	vst v63  }
0x573: {  	v62 =	vperm.xlane v23, v21;
	v61 =	vadd.s32 v9, v60  }
0x574: {  	[tilespmem:s14], [sflag:$0x3] =	stream.indirect_vreg.gather [hbm4b:s11+s3], $0x80, v57, vm0, $0xb8;
	[tilespmem:$0x1FD00] =	vst v63  }
0x575: {  	v23 =	vperm.xlane v23, v22;
	v63 =	vadd.s32 v9, v62  }
0x576: {  	[tilespmem:s10], [sflag:$0x3] =	stream.indirect_vreg.gather [hbm4b:s11+s3], $0x80, v59, vm0, $0xb8;
	[tilespmem:$0x1FD00] =	vst v63  }
0x577: {  	v23 =	vadd.s32 v9, v23  }
0x578: {  	[tilespmem:s4], [sflag:$0x3] =	stream.indirect_vreg.gather [hbm4b:s11+s3], $0x80, v61, vm0, $0xb8;
	[tilespmem:$0x1FD00] =	vst v63  }
0x579: {  	_ = 	snop  }
0x57a: {  	[tilespmem:s5], [sflag:$0x3] =	stream.indirect_vreg.gather [hbm4b:s11+s3], $0x80, v63, vm0, $0xb8;
	[tilespmem:$0x1FD00] =	vst v63  }
0x57b: {  	_ = 	snop  }
0x57c: {  	[tilespmem:s7], [sflag:$0x3] =	stream.indirect_vreg.gather [hbm4b:s11+s3], $0x80, v23, vm0, $0xb8;
	[tilespmem:$0x1FD00] =	vst v63  }
0x57d: {  	v23 =	vld [tilespmem:s26+$0xFFFFFFC0];
	_ =	sdelay $0x4  }
0x57e: {  	[tilespmem:$0x2100] =	vst v23  }
0x57f: {  	v23 =	vld [tilespmem:s26+$0xFFFFFFD0];
	_ =	sdelay $0x4  }
0x580: {  	[tilespmem:$0x2110] =	vst v23  }
0x581: {  	v23 =	vld [tilespmem:s26+$0xFFFFFFE0];
	_ =	sdelay $0x4  }
0x582: {  	[tilespmem:$0x2120] =	vst v23  }
0x583: {  	v23 =	vld [tilespmem:s26+$0xFFFFFFF0];
	_ =	sdelay $0x4  }
0x584: {  	[tilespmem:$0x2130] =	vst v23  }
0x585: {  	v23 =	vld [tilespmem:s26+$0x0];
	_ =	sdelay $0x3  }
0x586: {  	p2 =	sne.s32 s16, $0x2F00  }
.Ltmp4:
0x587: {  	[tilespmem:$0x2140] =	vst v23;
	(pc) =	sbr.rel @p2 .LBB2_9-.Ltmp4, $4  }
0x588: {  	_ =	swait.ge [sflag:s15], $0x2800  }
0x589: {  	[sflag:s15] =	ssyncset.done $0x0  }
0x58a: {  	s16 =	sadd.s32 $0x600, s16;
	[sflag:s15] =	ssyncadd.s32 $0xFFFFD800  }
0x58b: {  	[spmem:s1] =	stream.indirect.scatter.add.f32 [tilespmem:s21], [sflag:$0x5], $0x80, s2, s12, $0xb8;
	[tilespmem:$0x1FD00] =	vst v63  }
0x58c: {  	_ =	swait.ge [sflag:s19], $0x2800  }
0x58d: {  	[sflag:s19] =	ssyncset.done $0x0  }
0x58e: {  	[sflag:s19] =	ssyncadd.s32 $0xFFFFD800  }
0x58f: {  	v23 =	vld [tilespmem:$0x1C00];
	_ =	sdelay $0x4  }
0x590: {  	v24 =	vshll.u32 v23, $0x1  }
0x591: {  	v23 =	vand.u32 $0x7, v23;
	v24 =	vand.u32 $0xFFFFFFF0, v24  }
0x592: {  	v23 =	vor.u32 v23, v24  }
0x593: {  	v24 =	vperm.xlane v23, v8;
	_ =	sdelay $0x1  }
0x594: {  	v25 =	vperm.xlane v23, v7;
	v24 =	vadd.s32 v9, v24;
	_ =	sdelay $0x1  }
0x595: {  	v26 =	vperm.xlane v23, v10;
	v25 =	vadd.s32 v9, v25;
	_ =	sdelay $0x1  }
0x596: {  	v27 =	vperm.xlane v23, v11;
	v26 =	vadd.s32 v9, v26  }
0x597: {  	[tilespmem:s18], [sflag:$0x1] =	stream.indirect_vreg.gather [hbm4b:s11+s3], $0x80, v24, vm0, $0xb8;
	[tilespmem:$0x1FD00] =	vst v63  }
0x598: {  	s0 =	simm.s32 $0x2200;
	v35 =	vperm.xlane v23, v12;
	v34 =	vadd.s32 v9, v27  }
0x599: {  	[tilespmem:s0], [sflag:$0x1] =	stream.indirect_vreg.gather [hbm4b:s11+s3], $0x80, v25, vm0, $0xb8;
	[tilespmem:$0x1FD00] =	vst v63  }
0x59a: {  	s8 =	simm.s32 $0x2280;
	v37 =	vperm.xlane v23, v13;
	v36 =	vadd.s32 v9, v35  }
0x59b: {  	[tilespmem:s8], [sflag:$0x1] =	stream.indirect_vreg.gather [hbm4b:s11+s3], $0x80, v26, vm0, $0xb8;
	[tilespmem:$0x1FD00] =	vst v63  }
0x59c: {  	s9 =	simm.s32 $0x2300;
	v39 =	vperm.xlane v23, v14;
	v38 =	vadd.s32 v9, v37  }
0x59d: {  	[tilespmem:s9], [sflag:$0x1] =	stream.indirect_vreg.gather [hbm4b:s11+s3], $0x80, v34, vm0, $0xb8;
	[tilespmem:$0x1FD00] =	vst v63  }
0x59e: {  	s10 =	simm.s32 $0x2380;
	v41 =	vperm.xlane v23, v6;
	v40 =	vadd.s32 v9, v39  }
0x59f: {  	[tilespmem:s10], [sflag:$0x1] =	stream.indirect_vreg.gather [hbm4b:s11+s3], $0x80, v36, vm0, $0xb8;
	[tilespmem:$0x1FD00] =	vst v63  }
0x5a0: {  	s13 =	simm.s32 $0x2400;
	v43 =	vperm.xlane v23, v15;
	v42 =	vadd.s32 v9, v41  }
0x5a1: {  	[tilespmem:s13], [sflag:$0x1] =	stream.indirect_vreg.gather [hbm4b:s11+s3], $0x80, v38, vm0, $0xb8;
	[tilespmem:$0x1FD00] =	vst v63  }
0x5a2: {  	s14 =	simm.s32 $0x2480;
	v45 =	vperm.xlane v23, v16;
	v44 =	vadd.s32 v9, v43  }
0x5a3: {  	[tilespmem:s14], [sflag:$0x1] =	stream.indirect_vreg.gather [hbm4b:s11+s3], $0x80, v40, vm0, $0xb8;
	[tilespmem:$0x1FD00] =	vst v63  }
0x5a4: {  	s16 =	simm.s32 $0x2500;
	v47 =	vperm.xlane v23, v17;
	v46 =	vadd.s32 v9, v45  }
0x5a5: {  	[tilespmem:s16], [sflag:$0x1] =	stream.indirect_vreg.gather [hbm4b:s11+s3], $0x80, v42, vm0, $0xb8;
	[tilespmem:$0x1FD00] =	vst v63  }
0x5a6: {  	s20 =	simm.s32 $0x2580;
	v49 =	vperm.xlane v23, v18;
	v48 =	vadd.s32 v9, v47  }
0x5a7: {  	[tilespmem:s20], [sflag:$0x1] =	stream.indirect_vreg.gather [hbm4b:s11+s3], $0x80, v44, vm0, $0xb8;
	[tilespmem:$0x1FD00] =	vst v63  }
0x5a8: {  	s21 =	simm.s32 $0x2600;
	v51 =	vperm.xlane v23, v19;
	v50 =	vadd.s32 v9, v49  }
0x5a9: {  	[tilespmem:s21], [sflag:$0x1] =	stream.indirect_vreg.gather [hbm4b:s11+s3], $0x80, v46, vm0, $0xb8;
	[tilespmem:$0x1FD00] =	vst v63  }
0x5aa: {  	s24 =	simm.s32 $0x2680;
	v53 =	vperm.xlane v23, v20;
	v52 =	vadd.s32 v9, v51  }
0x5ab: {  	[tilespmem:s24], [sflag:$0x1] =	stream.indirect_vreg.gather [hbm4b:s11+s3], $0x80, v48, vm0, $0xb8;
	[tilespmem:$0x1FD00] =	vst v63  }
0x5ac: {  	s26 =	simm.s32 $0x2700;
	v55 =	vperm.xlane v23, v21;
	v54 =	vadd.s32 v9, v53  }
0x5ad: {  	[tilespmem:s26], [sflag:$0x1] =	stream.indirect_vreg.gather [hbm4b:s11+s3], $0x80, v50, vm0, $0xb8;
	[tilespmem:$0x1FD00] =	vst v63  }
0x5ae: {  	s2 =	simm.s32 $0x2780;
	v23 =	vperm.xlane v23, v22;
	v56 =	vadd.s32 v9, v55  }
0x5af: {  	[tilespmem:s2], [sflag:$0x1] =	stream.indirect_vreg.gather [hbm4b:s11+s3], $0x80, v52, vm0, $0xb8;
	[tilespmem:$0x1FD00] =	vst v63  }
0x5b0: {  	s4 =	simm.s32 $0x2800;
	v23 =	vadd.s32 v9, v23  }
0x5b1: {  	[tilespmem:s4], [sflag:$0x1] =	stream.indirect_vreg.gather [hbm4b:s11+s3], $0x80, v54, vm0, $0xb8;
	[tilespmem:$0x1FD00] =	vst v63  }
0x5b2: {  	s5 =	simm.s32 $0x2880  }
0x5b3: {  	[tilespmem:s5], [sflag:$0x1] =	stream.indirect_vreg.gather [hbm4b:s11+s3], $0x80, v56, vm0, $0xb8;
	[tilespmem:$0x1FD00] =	vst v63  }
0x5b4: {  	s7 =	simm.s32 $0x2900  }
0x5b5: {  	[tilespmem:s7], [sflag:$0x1] =	stream.indirect_vreg.gather [hbm4b:s11+s3], $0x80, v23, vm0, $0xb8;
	[tilespmem:$0x1FD00] =	vst v63  }
0x5b6: {  	v23 =	vld [tilespmem:$0x1C10];
	_ =	sdelay $0x4  }
0x5b7: {  	v57 =	vshll.u32 v23, $0x1  }
0x5b8: {  	v23 =	vand.u32 $0x7, v23;
	v24 =	vand.u32 $0xFFFFFFF0, v57  }
0x5b9: {  	v23 =	vor.u32 v23, v24  }
0x5ba: {  	v24 =	vperm.xlane v23, v8;
	_ =	sdelay $0x1  }
0x5bb: {  	v58 =	vperm.xlane v23, v7;
	v24 =	vadd.s32 v9, v24;
	_ =	sdelay $0x1  }
0x5bc: {  	v59 =	vperm.xlane v23, v10;
	v25 =	vadd.s32 v9, v58;
	_ =	sdelay $0x1  }
0x5bd: {  	s8 =	simm.s32 $0x2980;
	v60 =	vperm.xlane v23, v11;
	v26 =	vadd.s32 v9, v59  }
0x5be: {  	[tilespmem:s8], [sflag:$0x1] =	stream.indirect_vreg.gather [hbm4b:s11+s3], $0x80, v24, vm0, $0xb8;
	[tilespmem:$0x1FD00] =	vst v63  }
0x5bf: {  	s9 =	simm.s32 $0x2A00;
	v62 =	vperm.xlane v23, v12;
	v61 =	vadd.s32 v9, v60  }
0x5c0: {  	[tilespmem:s9], [sflag:$0x1] =	stream.indirect_vreg.gather [hbm4b:s11+s3], $0x80, v25, vm0, $0xb8;
	[tilespmem:$0x1FD00] =	vst v63  }
0x5c1: {  	s10 =	simm.s32 $0x2A80;
	v30 =	vperm.xlane v23, v13;
	v63 =	vadd.s32 v9, v62  }
0x5c2: {  	[tilespmem:s10], [sflag:$0x1] =	stream.indirect_vreg.gather [hbm4b:s11+s3], $0x80, v26, vm0, $0xb8;
	[tilespmem:$0x1FD00] =	vst v63  }
0x5c3: {  	s13 =	simm.s32 $0x2B00;
	v32 =	vperm.xlane v23, v14;
	v31 =	vadd.s32 v9, v30  }
0x5c4: {  	[tilespmem:s13], [sflag:$0x1] =	stream.indirect_vreg.gather [hbm4b:s11+s3], $0x80, v61, vm0, $0xb8;
	[tilespmem:$0x1FD00] =	vst v63  }
0x5c5: {  	s14 =	simm.s32 $0x2B80;
	v34 =	vperm.xlane v23, v6;
	v33 =	vadd.s32 v9, v32  }
0x5c6: {  	[tilespmem:s14], [sflag:$0x1] =	stream.indirect_vreg.gather [hbm4b:s11+s3], $0x80, v63, vm0, $0xb8;
	[tilespmem:$0x1FD00] =	vst v63  }
0x5c7: {  	s16 =	simm.s32 $0x2C00;
	v36 =	vperm.xlane v23, v15;
	v35 =	vadd.s32 v9, v34  }
0x5c8: {  	[tilespmem:s16], [sflag:$0x1] =	stream.indirect_vreg.gather [hbm4b:s11+s3], $0x80, v31, vm0, $0xb8;
	[tilespmem:$0x1FD00] =	vst v63  }
0x5c9: {  	s20 =	simm.s32 $0x2C80;
	v38 =	vperm.xlane v23, v16;
	v37 =	vadd.s32 v9, v36  }
0x5ca: {  	[tilespmem:s20], [sflag:$0x1] =	stream.indirect_vreg.gather [hbm4b:s11+s3], $0x80, v33, vm0, $0xb8;
	[tilespmem:$0x1FD00] =	vst v63  }
0x5cb: {  	s21 =	simm.s32 $0x2D00;
	v40 =	vperm.xlane v23, v17;
	v39 =	vadd.s32 v9, v38  }
0x5cc: {  	[tilespmem:s21], [sflag:$0x1] =	stream.indirect_vreg.gather [hbm4b:s11+s3], $0x80, v35, vm0, $0xb8;
	[tilespmem:$0x1FD00] =	vst v63  }
0x5cd: {  	s24 =	simm.s32 $0x2D80;
	v42 =	vperm.xlane v23, v18;
	v41 =	vadd.s32 v9, v40  }
0x5ce: {  	[tilespmem:s24], [sflag:$0x1] =	stream.indirect_vreg.gather [hbm4b:s11+s3], $0x80, v37, vm0, $0xb8;
	[tilespmem:$0x1FD00] =	vst v63  }
0x5cf: {  	s26 =	simm.s32 $0x2E00;
	v44 =	vperm.xlane v23, v19;
	v43 =	vadd.s32 v9, v42  }
0x5d0: {  	[tilespmem:s26], [sflag:$0x1] =	stream.indirect_vreg.gather [hbm4b:s11+s3], $0x80, v39, vm0, $0xb8;
	[tilespmem:$0x1FD00] =	vst v63  }
0x5d1: {  	s2 =	simm.s32 $0x2E80;
	v46 =	vperm.xlane v23, v20;
	v45 =	vadd.s32 v9, v44  }
0x5d2: {  	[tilespmem:s2], [sflag:$0x1] =	stream.indirect_vreg.gather [hbm4b:s11+s3], $0x80, v41, vm0, $0xb8;
	[tilespmem:$0x1FD00] =	vst v63  }
0x5d3: {  	s4 =	simm.s32 $0x2F00;
	v48 =	vperm.xlane v23, v21;
	v47 =	vadd.s32 v9, v46  }
0x5d4: {  	[tilespmem:s4], [sflag:$0x1] =	stream.indirect_vreg.gather [hbm4b:s11+s3], $0x80, v43, vm0, $0xb8;
	[tilespmem:$0x1FD00] =	vst v63  }
0x5d5: {  	s5 =	simm.s32 $0x2F80;
	v23 =	vperm.xlane v23, v22;
	v49 =	vadd.s32 v9, v48  }
0x5d6: {  	[tilespmem:s5], [sflag:$0x1] =	stream.indirect_vreg.gather [hbm4b:s11+s3], $0x80, v45, vm0, $0xb8;
	[tilespmem:$0x1FD00] =	vst v63  }
0x5d7: {  	s7 =	simm.s32 $0x3000;
	v23 =	vadd.s32 v9, v23  }
0x5d8: {  	[tilespmem:s7], [sflag:$0x1] =	stream.indirect_vreg.gather [hbm4b:s11+s3], $0x80, v47, vm0, $0xb8;
	[tilespmem:$0x1FD00] =	vst v63  }
0x5d9: {  	s8 =	simm.s32 $0x3080  }
0x5da: {  	[tilespmem:s8], [sflag:$0x1] =	stream.indirect_vreg.gather [hbm4b:s11+s3], $0x80, v49, vm0, $0xb8;
	[tilespmem:$0x1FD00] =	vst v63  }
0x5db: {  	s9 =	simm.s32 $0x3100  }
0x5dc: {  	[tilespmem:s9], [sflag:$0x1] =	stream.indirect_vreg.gather [hbm4b:s11+s3], $0x80, v23, vm0, $0xb8;
	[tilespmem:$0x1FD00] =	vst v63  }
0x5dd: {  	v23 =	vld [tilespmem:$0x1C20];
	_ =	sdelay $0x4  }
0x5de: {  	v50 =	vshll.u32 v23, $0x1  }
0x5df: {  	v23 =	vand.u32 $0x7, v23;
	v24 =	vand.u32 $0xFFFFFFF0, v50  }
0x5e0: {  	v23 =	vor.u32 v23, v24  }
0x5e1: {  	v24 =	vperm.xlane v23, v8;
	_ =	sdelay $0x1  }
0x5e2: {  	v51 =	vperm.xlane v23, v7;
	v24 =	vadd.s32 v9, v24;
	_ =	sdelay $0x1  }
0x5e3: {  	v52 =	vperm.xlane v23, v10;
	v25 =	vadd.s32 v9, v51;
	_ =	sdelay $0x1  }
0x5e4: {  	s10 =	simm.s32 $0x3180;
	v53 =	vperm.xlane v23, v11;
	v26 =	vadd.s32 v9, v52  }
0x5e5: {  	[tilespmem:s10], [sflag:$0x1] =	stream.indirect_vreg.gather [hbm4b:s11+s3], $0x80, v24, vm0, $0xb8;
	[tilespmem:$0x1FD00] =	vst v63  }
0x5e6: {  	s13 =	simm.s32 $0x3200;
	v55 =	vperm.xlane v23, v12;
	v54 =	vadd.s32 v9, v53  }
0x5e7: {  	[tilespmem:s13], [sflag:$0x1] =	stream.indirect_vreg.gather [hbm4b:s11+s3], $0x80, v25, vm0, $0xb8;
	[tilespmem:$0x1FD00] =	vst v63  }
0x5e8: {  	s14 =	simm.s32 $0x3280;
	v57 =	vperm.xlane v23, v13;
	v56 =	vadd.s32 v9, v55  }
0x5e9: {  	[tilespmem:s14], [sflag:$0x1] =	stream.indirect_vreg.gather [hbm4b:s11+s3], $0x80, v26, vm0, $0xb8;
	[tilespmem:$0x1FD00] =	vst v63  }
0x5ea: {  	s16 =	simm.s32 $0x3300;
	v59 =	vperm.xlane v23, v14;
	v58 =	vadd.s32 v9, v57  }
0x5eb: {  	[tilespmem:s16], [sflag:$0x1] =	stream.indirect_vreg.gather [hbm4b:s11+s3], $0x80, v54, vm0, $0xb8;
	[tilespmem:$0x1FD00] =	vst v63  }
0x5ec: {  	s20 =	simm.s32 $0x3380;
	v61 =	vperm.xlane v23, v6;
	v60 =	vadd.s32 v9, v59  }
0x5ed: {  	[tilespmem:s20], [sflag:$0x1] =	stream.indirect_vreg.gather [hbm4b:s11+s3], $0x80, v56, vm0, $0xb8;
	[tilespmem:$0x1FD00] =	vst v63  }
0x5ee: {  	s21 =	simm.s32 $0x3400;
	v63 =	vperm.xlane v23, v15;
	v62 =	vadd.s32 v9, v61  }
0x5ef: {  	[tilespmem:s21], [sflag:$0x1] =	stream.indirect_vreg.gather [hbm4b:s11+s3], $0x80, v58, vm0, $0xb8;
	[tilespmem:$0x1FD00] =	vst v63  }
0x5f0: {  	s24 =	simm.s32 $0x3480;
	v31 =	vperm.xlane v23, v16;
	v30 =	vadd.s32 v9, v63  }
0x5f1: {  	[tilespmem:s24], [sflag:$0x1] =	stream.indirect_vreg.gather [hbm4b:s11+s3], $0x80, v60, vm0, $0xb8;
	[tilespmem:$0x1FD00] =	vst v63  }
0x5f2: {  	s26 =	simm.s32 $0x3500;
	v33 =	vperm.xlane v23, v17;
	v32 =	vadd.s32 v9, v31  }
0x5f3: {  	[tilespmem:s26], [sflag:$0x1] =	stream.indirect_vreg.gather [hbm4b:s11+s3], $0x80, v62, vm0, $0xb8;
	[tilespmem:$0x1FD00] =	vst v63  }
0x5f4: {  	s2 =	simm.s32 $0x3580;
	v35 =	vperm.xlane v23, v18;
	v34 =	vadd.s32 v9, v33  }
0x5f5: {  	[tilespmem:s2], [sflag:$0x1] =	stream.indirect_vreg.gather [hbm4b:s11+s3], $0x80, v30, vm0, $0xb8;
	[tilespmem:$0x1FD00] =	vst v63  }
0x5f6: {  	s4 =	simm.s32 $0x3600;
	v37 =	vperm.xlane v23, v19;
	v36 =	vadd.s32 v9, v35  }
0x5f7: {  	[tilespmem:s4], [sflag:$0x1] =	stream.indirect_vreg.gather [hbm4b:s11+s3], $0x80, v32, vm0, $0xb8;
	[tilespmem:$0x1FD00] =	vst v63  }
0x5f8: {  	s5 =	simm.s32 $0x3680;
	v39 =	vperm.xlane v23, v20;
	v38 =	vadd.s32 v9, v37  }
0x5f9: {  	[tilespmem:s5], [sflag:$0x1] =	stream.indirect_vreg.gather [hbm4b:s11+s3], $0x80, v34, vm0, $0xb8;
	[tilespmem:$0x1FD00] =	vst v63  }
0x5fa: {  	s7 =	simm.s32 $0x3700;
	v41 =	vperm.xlane v23, v21;
	v40 =	vadd.s32 v9, v39  }
0x5fb: {  	[tilespmem:s7], [sflag:$0x1] =	stream.indirect_vreg.gather [hbm4b:s11+s3], $0x80, v36, vm0, $0xb8;
	[tilespmem:$0x1FD00] =	vst v63  }
0x5fc: {  	s8 =	simm.s32 $0x3780;
	v23 =	vperm.xlane v23, v22;
	v42 =	vadd.s32 v9, v41  }
0x5fd: {  	[tilespmem:s8], [sflag:$0x1] =	stream.indirect_vreg.gather [hbm4b:s11+s3], $0x80, v38, vm0, $0xb8;
	[tilespmem:$0x1FD00] =	vst v63  }
0x5fe: {  	s9 =	simm.s32 $0x3800;
	v23 =	vadd.s32 v9, v23  }
0x5ff: {  	[tilespmem:s9], [sflag:$0x1] =	stream.indirect_vreg.gather [hbm4b:s11+s3], $0x80, v40, vm0, $0xb8;
	[tilespmem:$0x1FD00] =	vst v63  }
0x600: {  	s10 =	simm.s32 $0x3880  }
0x601: {  	[tilespmem:s10], [sflag:$0x1] =	stream.indirect_vreg.gather [hbm4b:s11+s3], $0x80, v42, vm0, $0xb8;
	[tilespmem:$0x1FD00] =	vst v63  }
0x602: {  	s13 =	simm.s32 $0x3900  }
0x603: {  	[tilespmem:s13], [sflag:$0x1] =	stream.indirect_vreg.gather [hbm4b:s11+s3], $0x80, v23, vm0, $0xb8;
	[tilespmem:$0x1FD00] =	vst v63  }
0x604: {  	v23 =	vld [tilespmem:$0x1C30];
	_ =	sdelay $0x4  }
0x605: {  	v43 =	vshll.u32 v23, $0x1  }
0x606: {  	v23 =	vand.u32 $0x7, v23;
	v24 =	vand.u32 $0xFFFFFFF0, v43  }
0x607: {  	v23 =	vor.u32 v23, v24  }
0x608: {  	v24 =	vperm.xlane v23, v8;
	_ =	sdelay $0x1  }
0x609: {  	v44 =	vperm.xlane v23, v7;
	v24 =	vadd.s32 v9, v24;
	_ =	sdelay $0x1  }
0x60a: {  	v45 =	vperm.xlane v23, v10;
	v25 =	vadd.s32 v9, v44;
	_ =	sdelay $0x1  }
0x60b: {  	s14 =	simm.s32 $0x3980;
	v46 =	vperm.xlane v23, v11;
	v26 =	vadd.s32 v9, v45  }
0x60c: {  	[tilespmem:s14], [sflag:$0x1] =	stream.indirect_vreg.gather [hbm4b:s11+s3], $0x80, v24, vm0, $0xb8;
	[tilespmem:$0x1FD00] =	vst v63  }
0x60d: {  	s16 =	simm.s32 $0x3A00;
	v48 =	vperm.xlane v23, v12;
	v47 =	vadd.s32 v9, v46  }
0x60e: {  	[tilespmem:s16], [sflag:$0x1] =	stream.indirect_vreg.gather [hbm4b:s11+s3], $0x80, v25, vm0, $0xb8;
	[tilespmem:$0x1FD00] =	vst v63  }
0x60f: {  	s20 =	simm.s32 $0x3A80;
	v50 =	vperm.xlane v23, v13;
	v49 =	vadd.s32 v9, v48  }
0x610: {  	[tilespmem:s20], [sflag:$0x1] =	stream.indirect_vreg.gather [hbm4b:s11+s3], $0x80, v26, vm0, $0xb8;
	[tilespmem:$0x1FD00] =	vst v63  }
0x611: {  	s21 =	simm.s32 $0x3B00;
	v52 =	vperm.xlane v23, v14;
	v51 =	vadd.s32 v9, v50  }
0x612: {  	[tilespmem:s21], [sflag:$0x1] =	stream.indirect_vreg.gather [hbm4b:s11+s3], $0x80, v47, vm0, $0xb8;
	[tilespmem:$0x1FD00] =	vst v63  }
0x613: {  	s24 =	simm.s32 $0x3B80;
	v54 =	vperm.xlane v23, v6;
	v53 =	vadd.s32 v9, v52  }
0x614: {  	[tilespmem:s24], [sflag:$0x1] =	stream.indirect_vreg.gather [hbm4b:s11+s3], $0x80, v49, vm0, $0xb8;
	[tilespmem:$0x1FD00] =	vst v63  }
0x615: {  	s26 =	simm.s32 $0x3C00;
	v56 =	vperm.xlane v23, v15;
	v55 =	vadd.s32 v9, v54  }
0x616: {  	[tilespmem:s26], [sflag:$0x1] =	stream.indirect_vreg.gather [hbm4b:s11+s3], $0x80, v51, vm0, $0xb8;
	[tilespmem:$0x1FD00] =	vst v63  }
0x617: {  	s2 =	simm.s32 $0x3C80;
	v58 =	vperm.xlane v23, v16;
	v57 =	vadd.s32 v9, v56  }
0x618: {  	[tilespmem:s2], [sflag:$0x1] =	stream.indirect_vreg.gather [hbm4b:s11+s3], $0x80, v53, vm0, $0xb8;
	[tilespmem:$0x1FD00] =	vst v63  }
0x619: {  	s4 =	simm.s32 $0x3D00;
	v60 =	vperm.xlane v23, v17;
	v59 =	vadd.s32 v9, v58  }
0x61a: {  	[tilespmem:s4], [sflag:$0x1] =	stream.indirect_vreg.gather [hbm4b:s11+s3], $0x80, v55, vm0, $0xb8;
	[tilespmem:$0x1FD00] =	vst v63  }
0x61b: {  	s5 =	simm.s32 $0x3D80;
	v62 =	vperm.xlane v23, v18;
	v61 =	vadd.s32 v9, v60  }
0x61c: {  	[tilespmem:s5], [sflag:$0x1] =	stream.indirect_vreg.gather [hbm4b:s11+s3], $0x80, v57, vm0, $0xb8;
	[tilespmem:$0x1FD00] =	vst v63  }
0x61d: {  	s7 =	simm.s32 $0x3E00;
	v30 =	vperm.xlane v23, v19;
	v63 =	vadd.s32 v9, v62  }
0x61e: {  	[tilespmem:s7], [sflag:$0x1] =	stream.indirect_vreg.gather [hbm4b:s11+s3], $0x80, v59, vm0, $0xb8;
	[tilespmem:$0x1FD00] =	vst v63  }
0x61f: {  	s8 =	simm.s32 $0x3E80;
	v32 =	vperm.xlane v23, v20;
	v31 =	vadd.s32 v9, v30  }
0x620: {  	[tilespmem:s8], [sflag:$0x1] =	stream.indirect_vreg.gather [hbm4b:s11+s3], $0x80, v61, vm0, $0xb8;
	[tilespmem:$0x1FD00] =	vst v63  }
0x621: {  	s9 =	simm.s32 $0x3F00;
	v34 =	vperm.xlane v23, v21;
	v33 =	vadd.s32 v9, v32  }
0x622: {  	[tilespmem:s9], [sflag:$0x1] =	stream.indirect_vreg.gather [hbm4b:s11+s3], $0x80, v63, vm0, $0xb8;
	[tilespmem:$0x1FD00] =	vst v63  }
0x623: {  	s10 =	simm.s32 $0x3F80;
	v23 =	vperm.xlane v23, v22;
	v35 =	vadd.s32 v9, v34  }
0x624: {  	[tilespmem:s10], [sflag:$0x1] =	stream.indirect_vreg.gather [hbm4b:s11+s3], $0x80, v31, vm0, $0xb8;
	[tilespmem:$0x1FD00] =	vst v63  }
0x625: {  	s13 =	simm.s32 $0x4000;
	v23 =	vadd.s32 v9, v23  }
0x626: {  	[tilespmem:s13], [sflag:$0x1] =	stream.indirect_vreg.gather [hbm4b:s11+s3], $0x80, v33, vm0, $0xb8;
	[tilespmem:$0x1FD00] =	vst v63  }
0x627: {  	s14 =	simm.s32 $0x4080  }
0x628: {  	[tilespmem:s14], [sflag:$0x1] =	stream.indirect_vreg.gather [hbm4b:s11+s3], $0x80, v35, vm0, $0xb8;
	[tilespmem:$0x1FD00] =	vst v63  }
0x629: {  	s16 =	simm.s32 $0x4100  }
0x62a: {  	[tilespmem:s16], [sflag:$0x1] =	stream.indirect_vreg.gather [hbm4b:s11+s3], $0x80, v23, vm0, $0xb8;
	[tilespmem:$0x1FD00] =	vst v63  }
0x62b: {  	v23 =	vld [tilespmem:$0x1C40];
	_ =	sdelay $0x4  }
0x62c: {  	v36 =	vshll.u32 v23, $0x1  }
0x62d: {  	v23 =	vand.u32 $0x7, v23;
	v24 =	vand.u32 $0xFFFFFFF0, v36  }
0x62e: {  	v23 =	vor.u32 v23, v24  }
0x62f: {  	v24 =	vperm.xlane v23, v8;
	_ =	sdelay $0x1  }
0x630: {  	v37 =	vperm.xlane v23, v7;
	v24 =	vadd.s32 v9, v24;
	_ =	sdelay $0x1  }
0x631: {  	v38 =	vperm.xlane v23, v10;
	v25 =	vadd.s32 v9, v37;
	_ =	sdelay $0x1  }
0x632: {  	s20 =	simm.s32 $0x4180;
	v39 =	vperm.xlane v23, v11;
	v26 =	vadd.s32 v9, v38  }
0x633: {  	[tilespmem:s20], [sflag:$0x1] =	stream.indirect_vreg.gather [hbm4b:s11+s3], $0x80, v24, vm0, $0xb8;
	[tilespmem:$0x1FD00] =	vst v63  }
0x634: {  	s21 =	simm.s32 $0x4200;
	v41 =	vperm.xlane v23, v12;
	v40 =	vadd.s32 v9, v39  }
0x635: {  	[tilespmem:s21], [sflag:$0x1] =	stream.indirect_vreg.gather [hbm4b:s11+s3], $0x80, v25, vm0, $0xb8;
	[tilespmem:$0x1FD00] =	vst v63  }
0x636: {  	s24 =	simm.s32 $0x4280;
	v43 =	vperm.xlane v23, v13;
	v42 =	vadd.s32 v9, v41  }
0x637: {  	[tilespmem:s24], [sflag:$0x1] =	stream.indirect_vreg.gather [hbm4b:s11+s3], $0x80, v26, vm0, $0xb8;
	[tilespmem:$0x1FD00] =	vst v63  }
0x638: {  	s26 =	simm.s32 $0x4300;
	v45 =	vperm.xlane v23, v14;
	v44 =	vadd.s32 v9, v43  }
0x639: {  	[tilespmem:s26], [sflag:$0x1] =	stream.indirect_vreg.gather [hbm4b:s11+s3], $0x80, v40, vm0, $0xb8;
	[tilespmem:$0x1FD00] =	vst v63  }
0x63a: {  	s2 =	simm.s32 $0x4380;
	v47 =	vperm.xlane v23, v6;
	v46 =	vadd.s32 v9, v45  }
0x63b: {  	[tilespmem:s2], [sflag:$0x1] =	stream.indirect_vreg.gather [hbm4b:s11+s3], $0x80, v42, vm0, $0xb8;
	[tilespmem:$0x1FD00] =	vst v63  }
0x63c: {  	s4 =	simm.s32 $0x4400;
	v49 =	vperm.xlane v23, v15;
	v48 =	vadd.s32 v9, v47  }
0x63d: {  	[tilespmem:s4], [sflag:$0x1] =	stream.indirect_vreg.gather [hbm4b:s11+s3], $0x80, v44, vm0, $0xb8;
	[tilespmem:$0x1FD00] =	vst v63  }
0x63e: {  	s5 =	simm.s32 $0x4480;
	v51 =	vperm.xlane v23, v16;
	v50 =	vadd.s32 v9, v49  }
0x63f: {  	[tilespmem:s5], [sflag:$0x1] =	stream.indirect_vreg.gather [hbm4b:s11+s3], $0x80, v46, vm0, $0xb8;
	[tilespmem:$0x1FD00] =	vst v63  }
0x640: {  	s7 =	simm.s32 $0x4500;
	v53 =	vperm.xlane v23, v17;
	v52 =	vadd.s32 v9, v51  }
0x641: {  	[tilespmem:s7], [sflag:$0x1] =	stream.indirect_vreg.gather [hbm4b:s11+s3], $0x80, v48, vm0, $0xb8;
	[tilespmem:$0x1FD00] =	vst v63  }
0x642: {  	s8 =	simm.s32 $0x4580;
	v55 =	vperm.xlane v23, v18;
	v54 =	vadd.s32 v9, v53  }
0x643: {  	[tilespmem:s8], [sflag:$0x1] =	stream.indirect_vreg.gather [hbm4b:s11+s3], $0x80, v50, vm0, $0xb8;
	[tilespmem:$0x1FD00] =	vst v63  }
0x644: {  	s9 =	simm.s32 $0x4600;
	v57 =	vperm.xlane v23, v19;
	v56 =	vadd.s32 v9, v55  }
0x645: {  	[tilespmem:s9], [sflag:$0x1] =	stream.indirect_vreg.gather [hbm4b:s11+s3], $0x80, v52, vm0, $0xb8;
	[tilespmem:$0x1FD00] =	vst v63  }
0x646: {  	s10 =	simm.s32 $0x4680;
	v59 =	vperm.xlane v23, v20;
	v58 =	vadd.s32 v9, v57  }
0x647: {  	[tilespmem:s10], [sflag:$0x1] =	stream.indirect_vreg.gather [hbm4b:s11+s3], $0x80, v54, vm0, $0xb8;
	[tilespmem:$0x1FD00] =	vst v63  }
0x648: {  	s13 =	simm.s32 $0x4700;
	v61 =	vperm.xlane v23, v21;
	v60 =	vadd.s32 v9, v59  }
0x649: {  	[tilespmem:s13], [sflag:$0x1] =	stream.indirect_vreg.gather [hbm4b:s11+s3], $0x80, v56, vm0, $0xb8;
	[tilespmem:$0x1FD00] =	vst v63  }
0x64a: {  	s14 =	simm.s32 $0x4780;
	v23 =	vperm.xlane v23, v22;
	v62 =	vadd.s32 v9, v61  }
0x64b: {  	[tilespmem:s14], [sflag:$0x1] =	stream.indirect_vreg.gather [hbm4b:s11+s3], $0x80, v58, vm0, $0xb8;
	[tilespmem:$0x1FD00] =	vst v63  }
0x64c: {  	s16 =	simm.s32 $0x4800;
	v23 =	vadd.s32 v9, v23  }
0x64d: {  	[tilespmem:s16], [sflag:$0x1] =	stream.indirect_vreg.gather [hbm4b:s11+s3], $0x80, v60, vm0, $0xb8;
	[tilespmem:$0x1FD00] =	vst v63  }
0x64e: {  	s20 =	simm.s32 $0x4880  }
0x64f: {  	[tilespmem:s20], [sflag:$0x1] =	stream.indirect_vreg.gather [hbm4b:s11+s3], $0x80, v62, vm0, $0xb8;
	[tilespmem:$0x1FD00] =	vst v63  }
0x650: {  	s21 =	simm.s32 $0x4900  }
0x651: {  	[tilespmem:s21], [sflag:$0x1] =	stream.indirect_vreg.gather [hbm4b:s11+s3], $0x80, v23, vm0, $0xb8;
	[tilespmem:$0x1FD00] =	vst v63  }
0x652: {  	v23 =	vld [tilespmem:$0xC00]  }
0x653: {  	v24 =	vld [tilespmem:$0xC10]  }
0x654: {  	v25 =	vld [tilespmem:$0xC20]  }
0x655: {  	v26 =	vld [tilespmem:$0xC30]  }
0x656: {  	v63 =	vld [tilespmem:$0xC40]  }
0x657: {  	[tilespmem:$0x2000] =	vst v23  }
0x658: {  	[tilespmem:$0x2010] =	vst v24  }
0x659: {  	[tilespmem:$0x2020] =	vst v25  }
0x65a: {  	[tilespmem:$0x2030] =	vst v26  }
0x65b: {  	[tilespmem:$0x2040] =	vst v63  }
0x65c: {  	_ =	swait.ge [sflag:s6], $0x2800  }
0x65d: {  	[sflag:s6] =	ssyncset.done $0x0  }
0x65e: {  	s24 =	simm.s32 $0x2100;
	[sflag:s6] =	ssyncadd.s32 $0xFFFFD800  }
0x65f: {  	[spmem:s1] =	stream.indirect.scatter.add.f32 [tilespmem:s17], [sflag:$0x6], $0x80, s24, s12, $0xb8;
	[tilespmem:$0x1FD00] =	vst v63  }
0x660: {  	_ =	swait.ge [sflag:s23], $0x2800  }
0x661: {  	[sflag:s23] =	ssyncset.done $0x0  }
0x662: {  	[sflag:s23] =	ssyncadd.s32 $0xFFFFD800  }
0x663: {  	_ =	swait.ge [sflag:s25], $0x2800  }
0x664: {  	[sflag:s25] =	ssyncset.done $0x0  }
0x665: {  	s26 =	simm.s32 $0x2000;
	[sflag:s25] =	ssyncadd.s32 $0xFFFFD800  }
0x666: {  	[spmem:s1] =	stream.indirect.scatter.add.f32 [tilespmem:s18], [sflag:$0x4], $0x80, s26, s12, $0xb8;
	[tilespmem:$0x1FD00] =	vst v63  }
0x667: {  	_ =	swait.ge [sflag:s22], $0x2800  }
0x668: {  	[sflag:s22] =	ssyncset.done $0x0  }
0x669: {  	[sflag:s22] =	ssyncadd.s32 $0xFFFFD800  }
0x66a: {  	_ =	swait.ge [sflag:s19], $0x2800  }
0x66b: {  	s5 =	rddreg [dreg:$0x19]  }
0x66c: {  	s5 =	sadd.s32 $0x1, s5  }
0x66d: {  	s28 =	simm.s32 $0x9280;
	s30 =	simm.s32 $0x9300;
	p2 =	sne.s32 s5, $0x5  }
.Ltmp5:
0x66e: {  	s31 =	simm.s32 $0x9400;
	s0 =	simm.s32 $0x2180;
	(pc) =	sbr.rel @p2 .LBB2_6-.Ltmp5, $4  }
0x66f: {  	s2 =	simm.s32 $0x4980;
	s4 =	simm.s32 $0x9980;
	s7 =	simm.s32 $0x7180  }
0x670: {  	s8 =	simm.s32 $0x9580;
	s9 =	simm.s32 $0x9180;
	s10 =	simm.s32 $0x9680  }
0x671: {  	s13 =	simm.s32 $0x9700;
	s14 =	simm.s32 $0x9500;
	[sflag:s19] =	ssyncset.done $0x0  }
0x672: {  	s20 =	simm.s32 $0x9480;
	s24 =	simm.s32 $0x9200;
	[sflag:s19] =	ssyncadd.s32 $0xFFFFD800  }
0x673: {  	s17 =	rddreg [dreg:$0x4];
	s5 =	simm.s32 $0xC180;
	s21 =	simm.s32 $0x7  }
0x674: {  	[spmem:s17] =	stream.indirect.scatter.add.f32 [tilespmem:s4], [sflag:$0x7], $0x80, s5, s12, $0xb8;
	[tilespmem:$0x1FD00] =	vst v63  }
0x675: {  	_ =	swait.ge [sflag:s21], $0x2800  }
0x676: {  	[sflag:s21] =	ssyncset.done $0x0  }
0x677: {  	[sflag:s21] =	ssyncadd.s32 $0xFFFFD800  }
0x678: {  	s16 =	stileid.u32;
	[bflag:$0x0] =	sbarrier.arrive $0xFFFF  }
0x679: {  	s16 =	sshll.u32 s16, $0x6;
	s26 =	rddreg [dreg:$0x9]  }
0x67a: {  	s5 =	sor.u32 $0x1C07, s16;
	s16 =	rddreg [dreg:$0xc];
	s26 =	sshrl.u32 s26, $0x3  }
0x67b: {  	[hbm:s16], [sflag:s5] =	dma.local [spmem:s26], $0x2700  }
0x67c: {  	_ =	swait.ge [sflag:s21], $0x2700  }
0x67d: {  	[sflag:s21] =	ssyncset.done $0x0;
	s26 =	rddreg [dreg:$0xb]  }
0x67e: {  	s16 =	rddreg [dreg:$0xd];
	[sflag:s21] =	ssyncadd.s32 $0xFFFFD900;
	s26 =	sshrl.u32 @!p5 s26, $0x3  }
0x67f: {  	[hbm:s16], [sflag:s5] =	dma.local @!p5 [spmem:s26], $0x100  }
0x680: {  	s26 =	simm.s32 @!p5 $0x7  }
0x681: {  	_ =	swait.ge @!p5 [sflag:s26], $0x100  }
0x682: {  	[sflag:s26] =	ssyncset.done @!p5 $0x0  }
0x683: {  	s16 =	rddreg [dreg:$0xe];
	[sflag:s26] =	ssyncadd.s32 @!p5 $0xFFFFFF00;
	s26 =	sshrl.u32 @p6 s17, $0x3  }
0x684: {  	[hbm:s16], [sflag:s5] =	dma.local @p6 [spmem:s26], $0x500  }
0x685: {  	s16 =	simm.s32 @p6 $0x7  }
0x686: {  	_ =	swait.ge @p6 [sflag:s16], $0x500  }
0x687: {  	s17 =	rddreg [dreg:$0x18]  }
0x688: {  	s21 =	rddreg [dreg:$0xf];
	s5 =	sadd.s32 $0x1, s17  }
0x689: {  	p2 =	sne.s32 s5, s21  }
.Ltmp6:
0x68a: {  	_ = 	snop;
	(pc) =	sbr.rel @p2 .LBB2_1-.Ltmp6, $3  }
0x68b: {  	_ =	sdelay $0x1  }
0x68c: {  	[sflag:s16] =	ssyncset.done @p6 $0x0  }
0x68d: {  	[sflag:s16] =	ssyncadd.s32 @p6 $0xFFFFFB00  }
0x68e: {  	_ =	sfence.sel $0x180000  }
0x68f: {  	[bflag:$0x0] =	sbarrier.arrive $0xFFFF  }
0x690: {  	_ =	strace $0x90000047  }
0x691: {  	s0 =	stileid.u32;
	[bflag:$0x2] =	sbarrier.arrive $0xFFFF  }
0x692: {  	p0 =	sne.s32 s0, $0x0;
	s0 =	rddreg [dreg:$0x5]  }
0x693: {  	s0 =	sadd.s32 @!p0 $0x100000, s0  }
0x694: {  	[sflag:s0] =	ssyncadd.tile.s32 @!p0 $0x1;
	_ =	shalt  }
.Lfunc_end2:
_tile_overlayer_lowered:
.L_overlay_start_2:
0x695: {  	(tag) =	ssettag $0x2  }
0x696: {  	s0 =	rddreg [dreg:$0x0];
	s2 =	stileid.u32  }
0x697: {  	s1 =	rddreg [dreg:$0x1];
	p0 =	sne.s32 s2, $0x0  }
0x698: {  	s3 =	rddreg [dreg:$0x2];
	[bflag:$0x3] =	sbarrier.arrive $0xFFFF;
	s2 =	simm.s32 @!p0 $0x1C07  }
0x699: {  	[timem:s3], [sflag:s2] =	dma.local @!p0 [hbm:s0], s1  }
0x69a: {  	s0 =	simm.s32 @!p0 $0x7  }
0x69b: {  	_ =	swait.ge @!p0 [sflag:s0], s1  }
0x69c: {  	s1 =	ssub.s32 @!p0 $0x0, s1;
	[sflag:s0] =	ssyncset.done @!p0 $0x0  }
0x69d: {  	[sflag:s0] =	ssyncadd.s32 @!p0 s1  }
0x69e: {  	[bflag:$0x3] =	sbarrier.arrive $0xFFFF  }
0x69f: {  	_ =	shalt  }

</sc_bundles>
